<compile_context>
chip_gen: v7x
topology: tpu7x:2x2x1
jax: 0.10.2.dev20260603
libtpu: 0.0.44.dev20260713+nightly
codegen_flags: <defaults>
</compile_context>

<pallas_src>
import jax
import jax.numpy as jnp
from jax import lax
from jax.experimental import pallas as pl
from jax.experimental.pallas import tpu as pltpu
from jax.experimental.pallas import tpu_sc as plsc

N = 10000
E = 320000
D = 128
G = 64
NC = 2
NS = 16
EPW = E // (NC * NS)
CH = 80
NIT = EPW // CH
RPS = 624


def _mm_t(a, b):
    return lax.dot_general(a, b, (((1,), (1,)), ((), ())),
                           preferred_element_type=jnp.float32)


def _prep_body(x_ref, wl_ref, wr_ref, u_ref, v_ref):
    xv = x_ref[...]
    u_ref[...] = _mm_t(xv, wl_ref[...])
    v_ref[...] = _mm_t(xv, wr_ref[...])


_tc_prep = pl.pallas_call(
    _prep_body,
    out_shape=(jax.ShapeDtypeStruct((N, D), jnp.float32),
               jax.ShapeDtypeStruct((N, D), jnp.float32)),
)


def _bn_relu(s0, s1, c0, c1, v, bl, g, be):
    cnt = jnp.maximum(c0[:, 0:1] + c1[:, 0:1], 1.0)
    h = (s0 + s1) / cnt + bl + v
    m = jnp.mean(h, axis=0, keepdims=True)
    var = jnp.mean(jnp.square(h - m), axis=0, keepdims=True)
    h = g * (h - m) * lax.rsqrt(var + 1e-5) + be
    return jnp.maximum(h, 0.0)


def _norm_body(s0_ref, s1_ref, c0_ref, c1_ref, v_ref, bl_ref, g_ref, be_ref,
               wl_ref, wr_ref, u_ref, vo_ref):
    h = _bn_relu(s0_ref[...], s1_ref[...], c0_ref[...], c1_ref[...],
                 v_ref[...], bl_ref[...], g_ref[...], be_ref[...])
    u_ref[...] = _mm_t(h, wl_ref[...])
    vo_ref[...] = _mm_t(h, wr_ref[...])


_tc_norm = pl.pallas_call(
    _norm_body,
    out_shape=(jax.ShapeDtypeStruct((N, D), jnp.float32),
               jax.ShapeDtypeStruct((N, D), jnp.float32)),
)


def _final_body(s0_ref, s1_ref, c0_ref, c1_ref, v_ref, bl_ref, g_ref, be_ref,
                batch_ref, f1w_ref, f1b_ref, f2w_ref, f2b_ref, out_ref):
    h = _bn_relu(s0_ref[...], s1_ref[...], c0_ref[...], c1_ref[...],
                 v_ref[...], bl_ref[...], g_ref[...], be_ref[...])
    oh = (batch_ref[...] == lax.broadcasted_iota(jnp.int32, (N, G), 1)
          ).astype(jnp.float32)
    sums = lax.dot_general(oh, h, (((0,), (0,)), ((), ())),
                           preferred_element_type=jnp.float32)
    cnts = jnp.sum(oh, axis=0)[:, None]
    pooled = sums / jnp.maximum(cnts, 1.0)
    z = jnp.maximum(_mm_t(pooled, f1w_ref[...]) + f1b_ref[...], 0.0)
    out_ref[...] = _mm_t(z, f2w_ref[...]) + f2b_ref[...]


_tc_final = pl.pallas_call(
    _final_body,
    out_shape=jax.ShapeDtypeStruct((G, 10), jnp.float32),
)


def _make_sc_agg(with_cnt):
    mesh = plsc.VectorSubcoreMesh(core_axis_name="c", subcore_axis_name="s")
    outs = [jax.ShapeDtypeStruct((N, D), jnp.float32)] * 2
    scratch = (
        [pltpu.VMEM((CH,), jnp.int32)] * 4 +
        [pltpu.VMEM((CH,), jnp.int32)] * 4 +
        [pltpu.VMEM((CH, D), jnp.float32)] * 2 +
        [pltpu.VMEM_SHARED((N, D), jnp.float32)] +
        [pltpu.SemaphoreType.DMA] * 8
    )
    if with_cnt:
        outs = outs + [jax.ShapeDtypeStruct((N,), jnp.float32)] * 2
        scratch = scratch + [
            pltpu.VMEM((CH,), jnp.float32),
            pltpu.VMEM_SHARED((N,), jnp.float32),
            pltpu.VMEM((RPS,), jnp.float32),
            pltpu.SemaphoreType.DMA,
        ]

    def body(u, src_a, dst_a, zrows, *rest):
        if with_cnt:
            (zcnt, s0, s1, c0, c1, *rr) = rest
            onesv, cacc, bounce, csem = rr[19:23]
        else:
            (s0, s1, *rr) = rest
        isb = rr[0:4]
        idb = rr[4:8]
        rb = rr[8:10]
        acc = rr[10]
        isem = rr[11:15]
        gsem = rr[15:17]
        ssem = rr[17:19]
        cid = lax.axis_index("c")
        sid = lax.axis_index("s")
        row0 = sid * RPS
        tail0 = NS * RPS

        def stripe_copy(src_ref, dst_ref):
            pltpu.sync_copy(src_ref.at[pl.ds(row0, RPS)],
                            dst_ref.at[pl.ds(row0, RPS)])

            @pl.when(sid == NS - 1)
            def _():
                pltpu.sync_copy(src_ref.at[pl.ds(tail0, N - tail0)],
                                dst_ref.at[pl.ds(tail0, N - tail0)])

        stripe_copy(zrows, acc)
        if with_cnt:
            def stripe_copy_1d(src_ref, dst_ref):
                pltpu.sync_copy(src_ref.at[pl.ds(row0, RPS)], bounce)
                pltpu.sync_copy(bounce, dst_ref.at[pl.ds(row0, RPS)])

                @pl.when(sid == NS - 1)
                def _():
                    t = N - tail0
                    pltpu.sync_copy(src_ref.at[pl.ds(tail0, t)],
                                    bounce.at[pl.ds(0, t)])
                    pltpu.sync_copy(bounce.at[pl.ds(0, t)],
                                    dst_ref.at[pl.ds(tail0, t)])

            stripe_copy_1d(zcnt, cacc)
            for k in range(CH // 16):
                onesv[pl.ds(16 * k, 16)] = jnp.full((16,), 1.0, jnp.float32)
        plsc.subcore_barrier()

        base = (cid * NS + sid) * EPW

        def idx_load(t, b):
            off = base + t * CH
            pltpu.async_copy(src_a.at[pl.ds(off, CH)], isb[b], isem[b])
            pltpu.async_copy(dst_a.at[pl.ds(off, CH)], idb[b], isem[b])

        def idx_drain(b):
            pltpu.make_async_copy(
                src_a.at[pl.ds(0, CH)], isb[b], isem[b]).wait()
            pltpu.make_async_copy(
                dst_a.at[pl.ds(0, CH)], idb[b], isem[b]).wait()

        def gwait(r):
            pltpu.make_async_copy(u.at[isb[0]], rb[r], gsem[r]).wait()

        def swait(r):
            pltpu.make_async_copy(rb[r], acc.at[idb[0]], ssem[r]).wait()

        def cdrain():
            pltpu.make_async_copy(onesv, cacc.at[idb[0]], csem).wait()

        for b in range(4):
            idx_load(b, b)
        idx_drain(0)
        pltpu.async_copy(u.at[isb[0]], rb[0], gsem[0])

        def step(jj, carry):
            for p in range(4):
                t = 4 * jj + p
                r = p % 2
                gwait(r)
                pltpu.async_copy(rb[r], acc.at[idb[p]], ssem[r], add=True)
                if with_cnt:
                    pltpu.async_copy(onesv, cacc.at[idb[p]], csem, add=True)
                if p == 0:
                    @pl.when(jj > 0)
                    def _():
                        swait(1)
                        if with_cnt:
                            cdrain()
                        idx_load(t + 3, 3)
                elif p >= 2:
                    swait((p + 1) % 2)
                    if with_cnt:
                        cdrain()

                    @pl.when(t + 3 < NIT)
                    def _():
                        idx_load(t + 3, (p + 3) % 4)
                else:
                    swait((p + 1) % 2)
                    if with_cnt:
                        cdrain()
                    idx_load(t + 3, (p + 3) % 4)
                idx_drain((p + 1) % 4)
                pltpu.async_copy(u.at[isb[(p + 1) % 4]],
                                 rb[(p + 1) % 2], gsem[(p + 1) % 2])
            return carry

        lax.fori_loop(0, NIT // 4, step, 0)
        gwait(0)
        sc = pltpu.async_copy(rb[0], acc.at[idb[0]], ssem[0], add=True)
        if with_cnt:
            pltpu.async_copy(onesv, cacc.at[idb[0]], csem, add=True)
        swait(1)
        sc.wait()
        if with_cnt:
            cdrain()
            cdrain()
        plsc.subcore_barrier()

        @pl.when(cid == 0)
        def _():
            stripe_copy(acc, s0)

        @pl.when(cid == 1)
        def _():
            stripe_copy(acc, s1)

        if with_cnt:
            @pl.when(cid == 0)
            def _():
                stripe_copy_1d(cacc, c0)

            @pl.when(cid == 1)
            def _():
                stripe_copy_1d(cacc, c1)

    return pl.kernel(body, out_type=tuple(outs), mesh=mesh,
                     scratch_types=tuple(scratch))


_sc_agg_cnt = _make_sc_agg(True)
_sc_agg = _make_sc_agg(False)


def kernel(x, edge_index, batch,
           Wl0, bl0, Wr0, g0, be0,
           Wl1, bl1, Wr1, g1, be1,
           Wl2, bl2, Wr2, g2, be2,
           fc1_W, fc1_b, fc2_W, fc2_b):
    src = edge_index[0]
    dst = edge_index[1]
    zrows = jnp.zeros((N, D), jnp.float32)
    zcnt = jnp.zeros((N,), jnp.float32)
    r = lambda w: w.reshape(1, -1)

    u, v = _tc_prep(x, Wl0, Wr0)
    s0, s1, c0, c1 = _sc_agg_cnt(u, src, dst, zrows, zcnt)
    c0 = c0.reshape(N, 1)
    c1 = c1.reshape(N, 1)
    u, v = _tc_norm(s0, s1, c0, c1, v, r(bl0), r(g0), r(be0), Wl1, Wr1)
    s0, s1 = _sc_agg(u, src, dst, zrows)
    u, v = _tc_norm(s0, s1, c0, c1, v, r(bl1), r(g1), r(be1), Wl2, Wr2)
    s0, s1 = _sc_agg(u, src, dst, zrows)
    out = _tc_final(s0, s1, c0, c1, v, r(bl2), r(g2), r(be2),
                    batch.reshape(-1, 1), fc1_W, fc1_b, fc2_W, fc2_b)
    return out

# --- scband reference (transcript-rebuilt; emitter-appended) ---
"""Pipeline reference for scband-graph-classifier-42528766165147 (READ-ONLY COPY).

The authoritative reference and input builder live on the scoring server;
editing this copy changes nothing except your own understanding.
"""

import jax, jax.numpy as jnp
import numpy as np

N = 10000
E = 320000
D = 128
H = 128
C = 10
G = 64


def _lin_init(k, out_d, in_d):
    return jax.random.normal(k, (out_d, in_d), dtype=jnp.float32) * (1.0 / np.sqrt(in_d))


def setup_inputs(seed: int = 0) -> dict:
    key = jax.random.key(seed)
    ks = jax.random.split(key, 24)
    x = jax.random.normal(ks[0], (N, D), dtype=jnp.float32)
    edge_index = jax.random.randint(ks[1], (2, E), 0, N, dtype=jnp.int32)
    batch = jnp.sort(jax.random.randint(ks[2], (N,), 0, G, dtype=jnp.int32))
    inp = {"x": x, "edge_index": edge_index, "batch": batch}
    # SAGEConv params: lin_l (neighbor agg, with bias), lin_r (root, no bias)
    dims = [(D, H), (H, H), (H, H)]
    kidx = 3
    for i, (din, dout) in enumerate(dims):
        inp[f"Wl{i}"] = _lin_init(ks[kidx], dout, din); kidx += 1
        inp[f"bl{i}"] = jnp.zeros((dout,), dtype=jnp.float32)
        inp[f"Wr{i}"] = _lin_init(ks[kidx], dout, din); kidx += 1
        inp[f"g{i}"] = jnp.ones((dout,), dtype=jnp.float32)
        inp[f"be{i}"] = jnp.zeros((dout,), dtype=jnp.float32)
    # classifier: 128 -> 64 -> 10
    inp["fc1_W"] = _lin_init(ks[kidx], H // 2, H); kidx += 1
    inp["fc1_b"] = jnp.zeros((H // 2,), dtype=jnp.float32)
    inp["fc2_W"] = _lin_init(ks[kidx], C, H // 2); kidx += 1
    inp["fc2_b"] = jnp.zeros((C,), dtype=jnp.float32)
    return inp


def _sage_conv(x, src, dst, Wl, bl, Wr):
    msg = x[src]
    s = jax.ops.segment_sum(msg, dst, num_segments=N)
    cnt = jax.ops.segment_sum(jnp.ones((msg.shape[0], 1), x.dtype), dst, num_segments=N)
    agg = s / jnp.maximum(cnt, 1.0)
    return agg @ Wl.T + bl + x @ Wr.T


def _batch_norm(x, g, b):
    m = x.mean(axis=0)
    v = x.var(axis=0)
    return g * (x - m) / jnp.sqrt(v + 1e-5) + b


def reference(x, edge_index, batch,
              Wl0, bl0, Wr0, g0, be0,
              Wl1, bl1, Wr1, g1, be1,
              Wl2, bl2, Wr2, g2, be2,
              fc1_W, fc1_b, fc2_W, fc2_b):
    src = edge_index[0]
    dst = edge_index[1]
    h = x
    params = [(Wl0, bl0, Wr0, g0, be0), (Wl1, bl1, Wr1, g1, be1), (Wl2, bl2, Wr2, g2, be2)]
    for (Wl, bl, Wr, g, be) in params:
        h = _sage_conv(h, src, dst, Wl, bl, Wr)
        h = _batch_norm(h, g, be)
        h = jax.nn.relu(h)
    # global mean pool over graphs
    sums = jax.ops.segment_sum(h, batch, num_segments=G)
    cnts = jax.ops.segment_sum(jnp.ones((h.shape[0], 1), h.dtype), batch, num_segments=G)
    pooled = sums / jnp.maximum(cnts, 1.0)
    out = jax.nn.relu(pooled @ fc1_W.T + fc1_b)
    out = out @ fc2_W.T + fc2_b
    return out

if __name__ == "__main__":
    import jax
    _d = setup_inputs()
    print(jax.jit(kernel)(*tuple(_d.values())))

</pallas_src>

<mosaic_0001>
#map = affine_map<(d0, d1) -> (0, 0)>
#map1 = affine_map<(d0, d1) -> (0)>
module attributes {stable_mosaic.version = 14 : i64} {
  func.func @body(%arg0: i32, %arg1: i32, %arg2: memref<10000x128xf32, #tpu.memory_space<hbm>>, %arg3: memref<320000xi32, #tpu.memory_space<hbm>>, %arg4: memref<320000xi32, #tpu.memory_space<hbm>>, %arg5: memref<10000x128xf32, #tpu.memory_space<hbm>>, %arg6: memref<10000x128xf32, #tpu.memory_space<hbm>>, %arg7: memref<10000x128xf32, #tpu.memory_space<hbm>>, %arg8: memref<80xi32, #tpu.memory_space<vmem>>, %arg9: memref<80xi32, #tpu.memory_space<vmem>>, %arg10: memref<80xi32, #tpu.memory_space<vmem>>, %arg11: memref<80xi32, #tpu.memory_space<vmem>>, %arg12: memref<80xi32, #tpu.memory_space<vmem>>, %arg13: memref<80xi32, #tpu.memory_space<vmem>>, %arg14: memref<80xi32, #tpu.memory_space<vmem>>, %arg15: memref<80xi32, #tpu.memory_space<vmem>>, %arg16: memref<80x128xf32, #tpu.memory_space<vmem>>, %arg17: memref<80x128xf32, #tpu.memory_space<vmem>>, %arg18: memref<10000x128xf32, #tpu.memory_space<vmem_shared>>, %arg19: memref<!tpu.dma_semaphore, #tpu.memory_space<semaphore_mem>>, %arg20: memref<!tpu.dma_semaphore, #tpu.memory_space<semaphore_mem>>, %arg21: memref<!tpu.dma_semaphore, #tpu.memory_space<semaphore_mem>>, %arg22: memref<!tpu.dma_semaphore, #tpu.memory_space<semaphore_mem>>, %arg23: memref<!tpu.dma_semaphore, #tpu.memory_space<semaphore_mem>>, %arg24: memref<!tpu.dma_semaphore, #tpu.memory_space<semaphore_mem>>, %arg25: memref<!tpu.dma_semaphore, #tpu.memory_space<semaphore_mem>>, %arg26: memref<!tpu.dma_semaphore, #tpu.memory_space<semaphore_mem>>) attributes {dimension_semantics = [#tpu.dimension_semantics<core_parallel>, #tpu.dimension_semantics<subcore_parallel>], iteration_bounds = array<i64: 2, 16>, scalar_prefetch = 0 : i64, scratch_operands = 19 : i64, tpu.core_type = #tpu.core_type<sc_vector_subcore>, window_params = [{transform_indices = #map}, {transform_indices = #map1}, {transform_indices = #map1}, {transform_indices = #map}, {transform_indices = #map}, {transform_indices = #map}]} {
    %mul3A = arith.constant 624 : i32
    %mul3A_0 = arith.muli %arg1, %mul3A : i32
    "tpu.region"() ({
      %run_scoped3A = tpu.sem_alloc : memref<!tpu.dma_semaphore, #tpu.memory_space<semaphore_mem>>
      %dma_start3A_68 = arith.constant 0 : i32
      %dma_start3A_69 = tpu.memref_slice %arg18[%mul3A_0, %dma_start3A_68] : memref<10000x128xf32, #tpu.memory_space<vmem_shared>> -> memref<624x128xf32, #tpu.memory_space<vmem_shared>>
      %dma_start3A_70 = arith.constant 0 : i32
      %dma_start3A_71 = tpu.memref_slice %arg5[%mul3A_0, %dma_start3A_70] : memref<10000x128xf32, #tpu.memory_space<hbm>> -> memref<624x128xf32, #tpu.memory_space<hbm>>
      tpu.enqueue_dma source(%dma_start3A_71 : memref<624x128xf32, #tpu.memory_space<hbm>>) target(%dma_start3A_69 : memref<624x128xf32, #tpu.memory_space<vmem_shared>>) target_semaphore(%run_scoped3A : memref<!tpu.dma_semaphore, #tpu.memory_space<semaphore_mem>>)
      %dma_wait3A_72 = arith.constant 0 : i32
      %dma_wait3A_73 = tpu.memref_slice %arg18[%mul3A_0, %dma_wait3A_72] : memref<10000x128xf32, #tpu.memory_space<vmem_shared>> -> memref<624x128xf32, #tpu.memory_space<vmem_shared>>
      %dma_wait3A_74 = arith.constant 0 : i32
      %dma_wait3A_75 = tpu.memref_slice %arg5[%mul3A_0, %dma_wait3A_74] : memref<10000x128xf32, #tpu.memory_space<hbm>> -> memref<624x128xf32, #tpu.memory_space<hbm>>
      tpu.wait_dma2 semaphore(%run_scoped3A : memref<!tpu.dma_semaphore, #tpu.memory_space<semaphore_mem>>) src(%dma_wait3A_75 : memref<624x128xf32, #tpu.memory_space<hbm>>) dst(%dma_wait3A_73 : memref<624x128xf32, #tpu.memory_space<vmem_shared>>)
      tpu.yield
    }) : () -> ()
    %eq3A = arith.constant 15 : i32
    %eq3A_1 = arith.cmpi eq, %arg1, %eq3A : i32
    %convert_element_type3A = arith.extui %eq3A_1 : i1 to i32
    %cond3A = arith.constant 0 : i32
    %cond3A_2 = arith.cmpi ne, %convert_element_type3A, %cond3A : i32
    scf.if %cond3A_2 {
      "tpu.region"() ({
        %run_scoped3A = tpu.sem_alloc : memref<!tpu.dma_semaphore, #tpu.memory_space<semaphore_mem>>
        %dma_start3A_68 = arith.constant 9984 : i32
        %dma_start3A_69 = arith.constant 0 : i32
        %dma_start3A_70 = tpu.memref_slice %arg18[%dma_start3A_68, %dma_start3A_69] : memref<10000x128xf32, #tpu.memory_space<vmem_shared>> -> memref<16x128xf32, #tpu.memory_space<vmem_shared>>
        %dma_start3A_71 = arith.constant 9984 : i32
        %dma_start3A_72 = arith.constant 0 : i32
        %dma_start3A_73 = tpu.memref_slice %arg5[%dma_start3A_71, %dma_start3A_72] : memref<10000x128xf32, #tpu.memory_space<hbm>> -> memref<16x128xf32, #tpu.memory_space<hbm>>
        tpu.enqueue_dma source(%dma_start3A_73 : memref<16x128xf32, #tpu.memory_space<hbm>>) target(%dma_start3A_70 : memref<16x128xf32, #tpu.memory_space<vmem_shared>>) target_semaphore(%run_scoped3A : memref<!tpu.dma_semaphore, #tpu.memory_space<semaphore_mem>>)
        %dma_wait3A_74 = arith.constant 9984 : i32
        %dma_wait3A_75 = arith.constant 0 : i32
        %dma_wait3A_76 = tpu.memref_slice %arg18[%dma_wait3A_74, %dma_wait3A_75] : memref<10000x128xf32, #tpu.memory_space<vmem_shared>> -> memref<16x128xf32, #tpu.memory_space<vmem_shared>>
        %dma_wait3A_77 = arith.constant 9984 : i32
        %dma_wait3A_78 = arith.constant 0 : i32
        %dma_wait3A_79 = tpu.memref_slice %arg5[%dma_wait3A_77, %dma_wait3A_78] : memref<10000x128xf32, #tpu.memory_space<hbm>> -> memref<16x128xf32, #tpu.memory_space<hbm>>
        tpu.wait_dma2 semaphore(%run_scoped3A : memref<!tpu.dma_semaphore, #tpu.memory_space<semaphore_mem>>) src(%dma_wait3A_79 : memref<16x128xf32, #tpu.memory_space<hbm>>) dst(%dma_wait3A_76 : memref<16x128xf32, #tpu.memory_space<vmem_shared>>)
        tpu.yield
      }) : () -> ()
    } else {
    }
    %barrier3A = arith.constant 0 : index
    tpu.barrier barrier_id(%barrier3A)
    %mul3A_3 = arith.constant 16 : i32
    %mul3A_4 = arith.muli %arg0, %mul3A_3 : i32
    %add3A = arith.addi %mul3A_4, %arg1 : i32
    %mul3A_5 = arith.constant 10000 : i32
    %mul3A_6 = arith.muli %add3A, %mul3A_5 : i32
    %add3A_7 = arith.constant 0 : i32
    %add3A_8 = arith.addi %mul3A_6, %add3A_7 : i32
    %dma_start3A = tpu.memref_slice %arg3[%add3A_8] : memref<320000xi32, #tpu.memory_space<hbm>> -> memref<80xi32, #tpu.memory_space<hbm>>
    %dma_start3A_9 = tpu.memref_slice %arg3[%add3A_8] : memref<320000xi32, #tpu.memory_space<hbm>> -> memref<80xi32, #tpu.memory_space<hbm>>
    tpu.enqueue_dma source(%dma_start3A_9 : memref<80xi32, #tpu.memory_space<hbm>>) target(%arg8 : memref<80xi32, #tpu.memory_space<vmem>>) target_semaphore(%arg19 : memref<!tpu.dma_semaphore, #tpu.memory_space<semaphore_mem>>)
    %dma_start3A_10 = tpu.memref_slice %arg4[%add3A_8] : memref<320000xi32, #tpu.memory_space<hbm>> -> memref<80xi32, #tpu.memory_space<hbm>>
    %dma_start3A_11 = tpu.memref_slice %arg4[%add3A_8] : memref<320000xi32, #tpu.memory_space<hbm>> -> memref<80xi32, #tpu.memory_space<hbm>>
    tpu.enqueue_dma source(%dma_start3A_11 : memref<80xi32, #tpu.memory_space<hbm>>) target(%arg12 : memref<80xi32, #tpu.memory_space<vmem>>) target_semaphore(%arg19 : memref<!tpu.dma_semaphore, #tpu.memory_space<semaphore_mem>>)
    %add3A_12 = arith.constant 80 : i32
    %add3A_13 = arith.addi %mul3A_6, %add3A_12 : i32
    %dma_start3A_14 = tpu.memref_slice %arg3[%add3A_13] : memref<320000xi32, #tpu.memory_space<hbm>> -> memref<80xi32, #tpu.memory_space<hbm>>
    %dma_start3A_15 = tpu.memref_slice %arg3[%add3A_13] : memref<320000xi32, #tpu.memory_space<hbm>> -> memref<80xi32, #tpu.memory_space<hbm>>
    tpu.enqueue_dma source(%dma_start3A_15 : memref<80xi32, #tpu.memory_space<hbm>>) target(%arg9 : memref<80xi32, #tpu.memory_space<vmem>>) target_semaphore(%arg20 : memref<!tpu.dma_semaphore, #tpu.memory_space<semaphore_mem>>)
    %dma_start3A_16 = tpu.memref_slice %arg4[%add3A_13] : memref<320000xi32, #tpu.memory_space<hbm>> -> memref<80xi32, #tpu.memory_space<hbm>>
    %dma_start3A_17 = tpu.memref_slice %arg4[%add3A_13] : memref<320000xi32, #tpu.memory_space<hbm>> -> memref<80xi32, #tpu.memory_space<hbm>>
    tpu.enqueue_dma source(%dma_start3A_17 : memref<80xi32, #tpu.memory_space<hbm>>) target(%arg13 : memref<80xi32, #tpu.memory_space<vmem>>) target_semaphore(%arg20 : memref<!tpu.dma_semaphore, #tpu.memory_space<semaphore_mem>>)
    %add3A_18 = arith.constant 160 : i32
    %add3A_19 = arith.addi %mul3A_6, %add3A_18 : i32
    %dma_start3A_20 = tpu.memref_slice %arg3[%add3A_19] : memref<320000xi32, #tpu.memory_space<hbm>> -> memref<80xi32, #tpu.memory_space<hbm>>
    %dma_start3A_21 = tpu.memref_slice %arg3[%add3A_19] : memref<320000xi32, #tpu.memory_space<hbm>> -> memref<80xi32, #tpu.memory_space<hbm>>
    tpu.enqueue_dma source(%dma_start3A_21 : memref<80xi32, #tpu.memory_space<hbm>>) target(%arg10 : memref<80xi32, #tpu.memory_space<vmem>>) target_semaphore(%arg21 : memref<!tpu.dma_semaphore, #tpu.memory_space<semaphore_mem>>)
    %dma_start3A_22 = tpu.memref_slice %arg4[%add3A_19] : memref<320000xi32, #tpu.memory_space<hbm>> -> memref<80xi32, #tpu.memory_space<hbm>>
    %dma_start3A_23 = tpu.memref_slice %arg4[%add3A_19] : memref<320000xi32, #tpu.memory_space<hbm>> -> memref<80xi32, #tpu.memory_space<hbm>>
    tpu.enqueue_dma source(%dma_start3A_23 : memref<80xi32, #tpu.memory_space<hbm>>) target(%arg14 : memref<80xi32, #tpu.memory_space<vmem>>) target_semaphore(%arg21 : memref<!tpu.dma_semaphore, #tpu.memory_space<semaphore_mem>>)
    %add3A_24 = arith.constant 240 : i32
    %add3A_25 = arith.addi %mul3A_6, %add3A_24 : i32
    %dma_start3A_26 = tpu.memref_slice %arg3[%add3A_25] : memref<320000xi32, #tpu.memory_space<hbm>> -> memref<80xi32, #tpu.memory_space<hbm>>
    %dma_start3A_27 = tpu.memref_slice %arg3[%add3A_25] : memref<320000xi32, #tpu.memory_space<hbm>> -> memref<80xi32, #tpu.memory_space<hbm>>
    tpu.enqueue_dma source(%dma_start3A_27 : memref<80xi32, #tpu.memory_space<hbm>>) target(%arg11 : memref<80xi32, #tpu.memory_space<vmem>>) target_semaphore(%arg22 : memref<!tpu.dma_semaphore, #tpu.memory_space<semaphore_mem>>)
    %dma_start3A_28 = tpu.memref_slice %arg4[%add3A_25] : memref<320000xi32, #tpu.memory_space<hbm>> -> memref<80xi32, #tpu.memory_space<hbm>>
    %dma_start3A_29 = tpu.memref_slice %arg4[%add3A_25] : memref<320000xi32, #tpu.memory_space<hbm>> -> memref<80xi32, #tpu.memory_space<hbm>>
    tpu.enqueue_dma source(%dma_start3A_29 : memref<80xi32, #tpu.memory_space<hbm>>) target(%arg15 : memref<80xi32, #tpu.memory_space<vmem>>) target_semaphore(%arg22 : memref<!tpu.dma_semaphore, #tpu.memory_space<semaphore_mem>>)
    %dma_wait3A = arith.constant 0 : i32
    %dma_wait3A_30 = tpu.memref_slice %arg3[%dma_wait3A] : memref<320000xi32, #tpu.memory_space<hbm>> -> memref<80xi32, #tpu.memory_space<hbm>>
    %dma_wait3A_31 = arith.constant 0 : i32
    %dma_wait3A_32 = tpu.memref_slice %arg3[%dma_wait3A_31] : memref<320000xi32, #tpu.memory_space<hbm>> -> memref<80xi32, #tpu.memory_space<hbm>>
    tpu.wait_dma2 semaphore(%arg19 : memref<!tpu.dma_semaphore, #tpu.memory_space<semaphore_mem>>) src(%dma_wait3A_32 : memref<80xi32, #tpu.memory_space<hbm>>) dst(%arg8 : memref<80xi32, #tpu.memory_space<vmem>>)
    %dma_wait3A_33 = arith.constant 0 : i32
    %dma_wait3A_34 = tpu.memref_slice %arg4[%dma_wait3A_33] : memref<320000xi32, #tpu.memory_space<hbm>> -> memref<80xi32, #tpu.memory_space<hbm>>
    %dma_wait3A_35 = arith.constant 0 : i32
    %dma_wait3A_36 = tpu.memref_slice %arg4[%dma_wait3A_35] : memref<320000xi32, #tpu.memory_space<hbm>> -> memref<80xi32, #tpu.memory_space<hbm>>
    tpu.wait_dma2 semaphore(%arg19 : memref<!tpu.dma_semaphore, #tpu.memory_space<semaphore_mem>>) src(%dma_wait3A_36 : memref<80xi32, #tpu.memory_space<hbm>>) dst(%arg12 : memref<80xi32, #tpu.memory_space<vmem>>)
    %dma_start3A_37 = arith.constant 0 : i32
    %dma_start3A_38 = arith.constant 0 : i32
    %dma_start3A_39 = tpu.memref_slice %arg2[%dma_start3A_37, %dma_start3A_38] : memref<10000x128xf32, #tpu.memory_space<hbm>> -> memref<10000x128xf32, #tpu.memory_space<hbm>>
    tpu.enqueue_indirect_dma source(%dma_start3A_39 : memref<10000x128xf32, #tpu.memory_space<hbm>>) target(%arg16 : memref<80x128xf32, #tpu.memory_space<vmem>>) offsets(%arg8 : memref<80xi32, #tpu.memory_space<vmem>>) semaphore(%arg23 : memref<!tpu.dma_semaphore, #tpu.memory_space<semaphore_mem>>)
    %scan3A = arith.constant 0 : i32
    %scan3A_40 = arith.constant 0 : i32
    %scan3A_41 = arith.constant 31 : i32
    %scan3A_42 = arith.addi %scan3A_40, %scan3A_41 : i32
    %scan3A_43 = arith.constant 1 : i32
    scf.for %scan3A_68 = %scan3A_40 to %scan3A_42 step %scan3A_43  : i32 {
      %mul3A_69 = arith.constant 4 : i32
      %mul3A_70 = arith.muli %mul3A_69, %scan3A_68 : i32
      %add3A_71 = arith.constant 0 : i32
      %add3A_72 = arith.addi %mul3A_70, %add3A_71 : i32
      %dma_wait3A_73 = arith.constant 0 : i32
      %dma_wait3A_74 = arith.constant 0 : i32
      %dma_wait3A_75 = tpu.memref_slice %arg2[%dma_wait3A_73, %dma_wait3A_74] : memref<10000x128xf32, #tpu.memory_space<hbm>> -> memref<10000x128xf32, #tpu.memory_space<hbm>>
      tpu.wait_indirect_dma semaphore(%arg23 : memref<!tpu.dma_semaphore, #tpu.memory_space<semaphore_mem>>) src(%dma_wait3A_75 : memref<10000x128xf32, #tpu.memory_space<hbm>>) dst(%arg16 : memref<80x128xf32, #tpu.memory_space<vmem>>)
      %dma_start3A_76 = arith.constant 0 : i32
      %dma_start3A_77 = arith.constant 0 : i32
      %dma_start3A_78 = tpu.memref_slice %arg18[%dma_start3A_76, %dma_start3A_77] : memref<10000x128xf32, #tpu.memory_space<vmem_shared>> -> memref<10000x128xf32, #tpu.memory_space<vmem_shared>>
      tpu.enqueue_indirect_dma source(%arg16 : memref<80x128xf32, #tpu.memory_space<vmem>>) target(%dma_start3A_78 : memref<10000x128xf32, #tpu.memory_space<vmem_shared>>) offsets(%arg12 : memref<80xi32, #tpu.memory_space<vmem>>) semaphore(%arg25 : memref<!tpu.dma_semaphore, #tpu.memory_space<semaphore_mem>>) {add = true}
      %gt3A = arith.constant 0 : i32
      %gt3A_79 = arith.cmpi sgt, %scan3A_68, %gt3A : i32
      %convert_element_type3A_80 = arith.extui %gt3A_79 : i1 to i32
      %cond3A_81 = arith.constant 0 : i32
      %cond3A_82 = arith.cmpi ne, %convert_element_type3A_80, %cond3A_81 : i32
      scf.if %cond3A_82 {
        %dma_wait3A_188 = arith.constant 0 : i32
        %dma_wait3A_189 = arith.constant 0 : i32
        %dma_wait3A_190 = tpu.memref_slice %arg18[%dma_wait3A_188, %dma_wait3A_189] : memref<10000x128xf32, #tpu.memory_space<vmem_shared>> -> memref<10000x128xf32, #tpu.memory_space<vmem_shared>>
        tpu.wait_indirect_dma semaphore(%arg26 : memref<!tpu.dma_semaphore, #tpu.memory_space<semaphore_mem>>) src(%arg17 : memref<80x128xf32, #tpu.memory_space<vmem>>) dst(%dma_wait3A_190 : memref<10000x128xf32, #tpu.memory_space<vmem_shared>>)
        %add3A_191 = arith.constant 3 : i32
        %add3A_192 = arith.addi %add3A_72, %add3A_191 : i32
        %mul3A_193 = arith.constant 80 : i32
        %mul3A_194 = arith.muli %add3A_192, %mul3A_193 : i32
        %add3A_195 = arith.addi %mul3A_6, %mul3A_194 : i32
        %dma_start3A_196 = tpu.memref_slice %arg3[%add3A_195] : memref<320000xi32, #tpu.memory_space<hbm>> -> memref<80xi32, #tpu.memory_space<hbm>>
        %dma_start3A_197 = tpu.memref_slice %arg3[%add3A_195] : memref<320000xi32, #tpu.memory_space<hbm>> -> memref<80xi32, #tpu.memory_space<hbm>>
        tpu.enqueue_dma source(%dma_start3A_197 : memref<80xi32, #tpu.memory_space<hbm>>) target(%arg11 : memref<80xi32, #tpu.memory_space<vmem>>) target_semaphore(%arg22 : memref<!tpu.dma_semaphore, #tpu.memory_space<semaphore_mem>>)
        %dma_start3A_198 = tpu.memref_slice %arg4[%add3A_195] : memref<320000xi32, #tpu.memory_space<hbm>> -> memref<80xi32, #tpu.memory_space<hbm>>
        %dma_start3A_199 = tpu.memref_slice %arg4[%add3A_195] : memref<320000xi32, #tpu.memory_space<hbm>> -> memref<80xi32, #tpu.memory_space<hbm>>
        tpu.enqueue_dma source(%dma_start3A_199 : memref<80xi32, #tpu.memory_space<hbm>>) target(%arg15 : memref<80xi32, #tpu.memory_space<vmem>>) target_semaphore(%arg22 : memref<!tpu.dma_semaphore, #tpu.memory_space<semaphore_mem>>)
      } else {
      }
      %dma_wait3A_83 = arith.constant 0 : i32
      %dma_wait3A_84 = tpu.memref_slice %arg3[%dma_wait3A_83] : memref<320000xi32, #tpu.memory_space<hbm>> -> memref<80xi32, #tpu.memory_space<hbm>>
      %dma_wait3A_85 = arith.constant 0 : i32
      %dma_wait3A_86 = tpu.memref_slice %arg3[%dma_wait3A_85] : memref<320000xi32, #tpu.memory_space<hbm>> -> memref<80xi32, #tpu.memory_space<hbm>>
      tpu.wait_dma2 semaphore(%arg20 : memref<!tpu.dma_semaphore, #tpu.memory_space<semaphore_mem>>) src(%dma_wait3A_86 : memref<80xi32, #tpu.memory_space<hbm>>) dst(%arg9 : memref<80xi32, #tpu.memory_space<vmem>>)
      %dma_wait3A_87 = arith.constant 0 : i32
      %dma_wait3A_88 = tpu.memref_slice %arg4[%dma_wait3A_87] : memref<320000xi32, #tpu.memory_space<hbm>> -> memref<80xi32, #tpu.memory_space<hbm>>
      %dma_wait3A_89 = arith.constant 0 : i32
      %dma_wait3A_90 = tpu.memref_slice %arg4[%dma_wait3A_89] : memref<320000xi32, #tpu.memory_space<hbm>> -> memref<80xi32, #tpu.memory_space<hbm>>
      tpu.wait_dma2 semaphore(%arg20 : memref<!tpu.dma_semaphore, #tpu.memory_space<semaphore_mem>>) src(%dma_wait3A_90 : memref<80xi32, #tpu.memory_space<hbm>>) dst(%arg13 : memref<80xi32, #tpu.memory_space<vmem>>)
      %dma_start3A_91 = arith.constant 0 : i32
      %dma_start3A_92 = arith.constant 0 : i32
      %dma_start3A_93 = tpu.memref_slice %arg2[%dma_start3A_91, %dma_start3A_92] : memref<10000x128xf32, #tpu.memory_space<hbm>> -> memref<10000x128xf32, #tpu.memory_space<hbm>>
      tpu.enqueue_indirect_dma source(%dma_start3A_93 : memref<10000x128xf32, #tpu.memory_space<hbm>>) target(%arg17 : memref<80x128xf32, #tpu.memory_space<vmem>>) offsets(%arg9 : memref<80xi32, #tpu.memory_space<vmem>>) semaphore(%arg24 : memref<!tpu.dma_semaphore, #tpu.memory_space<semaphore_mem>>)
      %mul3A_94 = arith.constant 4 : i32
      %mul3A_95 = arith.muli %mul3A_94, %scan3A_68 : i32
      %add3A_96 = arith.constant 1 : i32
      %add3A_97 = arith.addi %mul3A_95, %add3A_96 : i32
      %dma_wait3A_98 = arith.constant 0 : i32
      %dma_wait3A_99 = arith.constant 0 : i32
      %dma_wait3A_100 = tpu.memref_slice %arg2[%dma_wait3A_98, %dma_wait3A_99] : memref<10000x128xf32, #tpu.memory_space<hbm>> -> memref<10000x128xf32, #tpu.memory_space<hbm>>
      tpu.wait_indirect_dma semaphore(%arg24 : memref<!tpu.dma_semaphore, #tpu.memory_space<semaphore_mem>>) src(%dma_wait3A_100 : memref<10000x128xf32, #tpu.memory_space<hbm>>) dst(%arg17 : memref<80x128xf32, #tpu.memory_space<vmem>>)
      %dma_start3A_101 = arith.constant 0 : i32
      %dma_start3A_102 = arith.constant 0 : i32
      %dma_start3A_103 = tpu.memref_slice %arg18[%dma_start3A_101, %dma_start3A_102] : memref<10000x128xf32, #tpu.memory_space<vmem_shared>> -> memref<10000x128xf32, #tpu.memory_space<vmem_shared>>
      tpu.enqueue_indirect_dma source(%arg17 : memref<80x128xf32, #tpu.memory_space<vmem>>) target(%dma_start3A_103 : memref<10000x128xf32, #tpu.memory_space<vmem_shared>>) offsets(%arg13 : memref<80xi32, #tpu.memory_space<vmem>>) semaphore(%arg26 : memref<!tpu.dma_semaphore, #tpu.memory_space<semaphore_mem>>) {add = true}
      %dma_wait3A_104 = arith.constant 0 : i32
      %dma_wait3A_105 = arith.constant 0 : i32
      %dma_wait3A_106 = tpu.memref_slice %arg18[%dma_wait3A_104, %dma_wait3A_105] : memref<10000x128xf32, #tpu.memory_space<vmem_shared>> -> memref<10000x128xf32, #tpu.memory_space<vmem_shared>>
      tpu.wait_indirect_dma semaphore(%arg25 : memref<!tpu.dma_semaphore, #tpu.memory_space<semaphore_mem>>) src(%arg16 : memref<80x128xf32, #tpu.memory_space<vmem>>) dst(%dma_wait3A_106 : memref<10000x128xf32, #tpu.memory_space<vmem_shared>>)
      %add3A_107 = arith.constant 3 : i32
      %add3A_108 = arith.addi %add3A_97, %add3A_107 : i32
      %mul3A_109 = arith.constant 80 : i32
      %mul3A_110 = arith.muli %add3A_108, %mul3A_109 : i32
      %add3A_111 = arith.addi %mul3A_6, %mul3A_110 : i32
      %dma_start3A_112 = tpu.memref_slice %arg3[%add3A_111] : memref<320000xi32, #tpu.memory_space<hbm>> -> memref<80xi32, #tpu.memory_space<hbm>>
      %dma_start3A_113 = tpu.memref_slice %arg3[%add3A_111] : memref<320000xi32, #tpu.memory_space<hbm>> -> memref<80xi32, #tpu.memory_space<hbm>>
      tpu.enqueue_dma source(%dma_start3A_113 : memref<80xi32, #tpu.memory_space<hbm>>) target(%arg8 : memref<80xi32, #tpu.memory_space<vmem>>) target_semaphore(%arg19 : memref<!tpu.dma_semaphore, #tpu.memory_space<semaphore_mem>>)
      %dma_start3A_114 = tpu.memref_slice %arg4[%add3A_111] : memref<320000xi32, #tpu.memory_space<hbm>> -> memref<80xi32, #tpu.memory_space<hbm>>
      %dma_start3A_115 = tpu.memref_slice %arg4[%add3A_111] : memref<320000xi32, #tpu.memory_space<hbm>> -> memref<80xi32, #tpu.memory_space<hbm>>
      tpu.enqueue_dma source(%dma_start3A_115 : memref<80xi32, #tpu.memory_space<hbm>>) target(%arg12 : memref<80xi32, #tpu.memory_space<vmem>>) target_semaphore(%arg19 : memref<!tpu.dma_semaphore, #tpu.memory_space<semaphore_mem>>)
      %dma_wait3A_116 = arith.constant 0 : i32
      %dma_wait3A_117 = tpu.memref_slice %arg3[%dma_wait3A_116] : memref<320000xi32, #tpu.memory_space<hbm>> -> memref<80xi32, #tpu.memory_space<hbm>>
      %dma_wait3A_118 = arith.constant 0 : i32
      %dma_wait3A_119 = tpu.memref_slice %arg3[%dma_wait3A_118] : memref<320000xi32, #tpu.memory_space<hbm>> -> memref<80xi32, #tpu.memory_space<hbm>>
      tpu.wait_dma2 semaphore(%arg21 : memref<!tpu.dma_semaphore, #tpu.memory_space<semaphore_mem>>) src(%dma_wait3A_119 : memref<80xi32, #tpu.memory_space<hbm>>) dst(%arg10 : memref<80xi32, #tpu.memory_space<vmem>>)
      %dma_wait3A_120 = arith.constant 0 : i32
      %dma_wait3A_121 = tpu.memref_slice %arg4[%dma_wait3A_120] : memref<320000xi32, #tpu.memory_space<hbm>> -> memref<80xi32, #tpu.memory_space<hbm>>
      %dma_wait3A_122 = arith.constant 0 : i32
      %dma_wait3A_123 = tpu.memref_slice %arg4[%dma_wait3A_122] : memref<320000xi32, #tpu.memory_space<hbm>> -> memref<80xi32, #tpu.memory_space<hbm>>
      tpu.wait_dma2 semaphore(%arg21 : memref<!tpu.dma_semaphore, #tpu.memory_space<semaphore_mem>>) src(%dma_wait3A_123 : memref<80xi32, #tpu.memory_space<hbm>>) dst(%arg14 : memref<80xi32, #tpu.memory_space<vmem>>)
      %dma_start3A_124 = arith.constant 0 : i32
      %dma_start3A_125 = arith.constant 0 : i32
      %dma_start3A_126 = tpu.memref_slice %arg2[%dma_start3A_124, %dma_start3A_125] : memref<10000x128xf32, #tpu.memory_space<hbm>> -> memref<10000x128xf32, #tpu.memory_space<hbm>>
      tpu.enqueue_indirect_dma source(%dma_start3A_126 : memref<10000x128xf32, #tpu.memory_space<hbm>>) target(%arg16 : memref<80x128xf32, #tpu.memory_space<vmem>>) offsets(%arg10 : memref<80xi32, #tpu.memory_space<vmem>>) semaphore(%arg23 : memref<!tpu.dma_semaphore, #tpu.memory_space<semaphore_mem>>)
      %mul3A_127 = arith.constant 4 : i32
      %mul3A_128 = arith.muli %mul3A_127, %scan3A_68 : i32
      %add3A_129 = arith.constant 2 : i32
      %add3A_130 = arith.addi %mul3A_128, %add3A_129 : i32
      %dma_wait3A_131 = arith.constant 0 : i32
      %dma_wait3A_132 = arith.constant 0 : i32
      %dma_wait3A_133 = tpu.memref_slice %arg2[%dma_wait3A_131, %dma_wait3A_132] : memref<10000x128xf32, #tpu.memory_space<hbm>> -> memref<10000x128xf32, #tpu.memory_space<hbm>>
      tpu.wait_indirect_dma semaphore(%arg23 : memref<!tpu.dma_semaphore, #tpu.memory_space<semaphore_mem>>) src(%dma_wait3A_133 : memref<10000x128xf32, #tpu.memory_space<hbm>>) dst(%arg16 : memref<80x128xf32, #tpu.memory_space<vmem>>)
      %dma_start3A_134 = arith.constant 0 : i32
      %dma_start3A_135 = arith.constant 0 : i32
      %dma_start3A_136 = tpu.memref_slice %arg18[%dma_start3A_134, %dma_start3A_135] : memref<10000x128xf32, #tpu.memory_space<vmem_shared>> -> memref<10000x128xf32, #tpu.memory_space<vmem_shared>>
      tpu.enqueue_indirect_dma source(%arg16 : memref<80x128xf32, #tpu.memory_space<vmem>>) target(%dma_start3A_136 : memref<10000x128xf32, #tpu.memory_space<vmem_shared>>) offsets(%arg14 : memref<80xi32, #tpu.memory_space<vmem>>) semaphore(%arg25 : memref<!tpu.dma_semaphore, #tpu.memory_space<semaphore_mem>>) {add = true}
      %dma_wait3A_137 = arith.constant 0 : i32
      %dma_wait3A_138 = arith.constant 0 : i32
      %dma_wait3A_139 = tpu.memref_slice %arg18[%dma_wait3A_137, %dma_wait3A_138] : memref<10000x128xf32, #tpu.memory_space<vmem_shared>> -> memref<10000x128xf32, #tpu.memory_space<vmem_shared>>
      tpu.wait_indirect_dma semaphore(%arg26 : memref<!tpu.dma_semaphore, #tpu.memory_space<semaphore_mem>>) src(%arg17 : memref<80x128xf32, #tpu.memory_space<vmem>>) dst(%dma_wait3A_139 : memref<10000x128xf32, #tpu.memory_space<vmem_shared>>)
      %add3A_140 = arith.constant 3 : i32
      %add3A_141 = arith.addi %add3A_130, %add3A_140 : i32
      %lt3A = arith.constant 125 : i32
      %lt3A_142 = arith.cmpi slt, %add3A_141, %lt3A : i32
      %convert_element_type3A_143 = arith.extui %lt3A_142 : i1 to i32
      %cond3A_144 = arith.constant 0 : i32
      %cond3A_145 = arith.cmpi ne, %convert_element_type3A_143, %cond3A_144 : i32
      scf.if %cond3A_145 {
        %add3A_188 = arith.constant 3 : i32
        %add3A_189 = arith.addi %add3A_130, %add3A_188 : i32
        %mul3A_190 = arith.constant 80 : i32
        %mul3A_191 = arith.muli %add3A_189, %mul3A_190 : i32
        %add3A_192 = arith.addi %mul3A_6, %mul3A_191 : i32
        %dma_start3A_193 = tpu.memref_slice %arg3[%add3A_192] : memref<320000xi32, #tpu.memory_space<hbm>> -> memref<80xi32, #tpu.memory_space<hbm>>
        %dma_start3A_194 = tpu.memref_slice %arg3[%add3A_192] : memref<320000xi32, #tpu.memory_space<hbm>> -> memref<80xi32, #tpu.memory_space<hbm>>
        tpu.enqueue_dma source(%dma_start3A_194 : memref<80xi32, #tpu.memory_space<hbm>>) target(%arg9 : memref<80xi32, #tpu.memory_space<vmem>>) target_semaphore(%arg20 : memref<!tpu.dma_semaphore, #tpu.memory_space<semaphore_mem>>)
        %dma_start3A_195 = tpu.memref_slice %arg4[%add3A_192] : memref<320000xi32, #tpu.memory_space<hbm>> -> memref<80xi32, #tpu.memory_space<hbm>>
        %dma_start3A_196 = tpu.memref_slice %arg4[%add3A_192] : memref<320000xi32, #tpu.memory_space<hbm>> -> memref<80xi32, #tpu.memory_space<hbm>>
        tpu.enqueue_dma source(%dma_start3A_196 : memref<80xi32, #tpu.memory_space<hbm>>) target(%arg13 : memref<80xi32, #tpu.memory_space<vmem>>) target_semaphore(%arg20 : memref<!tpu.dma_semaphore, #tpu.memory_space<semaphore_mem>>)
      } else {
      }
      %dma_wait3A_146 = arith.constant 0 : i32
      %dma_wait3A_147 = tpu.memref_slice %arg3[%dma_wait3A_146] : memref<320000xi32, #tpu.memory_space<hbm>> -> memref<80xi32, #tpu.memory_space<hbm>>
      %dma_wait3A_148 = arith.constant 0 : i32
      %dma_wait3A_149 = tpu.memref_slice %arg3[%dma_wait3A_148] : memref<320000xi32, #tpu.memory_space<hbm>> -> memref<80xi32, #tpu.memory_space<hbm>>
      tpu.wait_dma2 semaphore(%arg22 : memref<!tpu.dma_semaphore, #tpu.memory_space<semaphore_mem>>) src(%dma_wait3A_149 : memref<80xi32, #tpu.memory_space<hbm>>) dst(%arg11 : memref<80xi32, #tpu.memory_space<vmem>>)
      %dma_wait3A_150 = arith.constant 0 : i32
      %dma_wait3A_151 = tpu.memref_slice %arg4[%dma_wait3A_150] : memref<320000xi32, #tpu.memory_space<hbm>> -> memref<80xi32, #tpu.memory_space<hbm>>
      %dma_wait3A_152 = arith.constant 0 : i32
      %dma_wait3A_153 = tpu.memref_slice %arg4[%dma_wait3A_152] : memref<320000xi32, #tpu.memory_space<hbm>> -> memref<80xi32, #tpu.memory_space<hbm>>
      tpu.wait_dma2 semaphore(%arg22 : memref<!tpu.dma_semaphore, #tpu.memory_space<semaphore_mem>>) src(%dma_wait3A_153 : memref<80xi32, #tpu.memory_space<hbm>>) dst(%arg15 : memref<80xi32, #tpu.memory_space<vmem>>)
      %dma_start3A_154 = arith.constant 0 : i32
      %dma_start3A_155 = arith.constant 0 : i32
      %dma_start3A_156 = tpu.memref_slice %arg2[%dma_start3A_154, %dma_start3A_155] : memref<10000x128xf32, #tpu.memory_space<hbm>> -> memref<10000x128xf32, #tpu.memory_space<hbm>>
      tpu.enqueue_indirect_dma source(%dma_start3A_156 : memref<10000x128xf32, #tpu.memory_space<hbm>>) target(%arg17 : memref<80x128xf32, #tpu.memory_space<vmem>>) offsets(%arg11 : memref<80xi32, #tpu.memory_space<vmem>>) semaphore(%arg24 : memref<!tpu.dma_semaphore, #tpu.memory_space<semaphore_mem>>)
      %mul3A_157 = arith.constant 4 : i32
      %mul3A_158 = arith.muli %mul3A_157, %scan3A_68 : i32
      %add3A_159 = arith.constant 3 : i32
      %add3A_160 = arith.addi %mul3A_158, %add3A_159 : i32
      %dma_wait3A_161 = arith.constant 0 : i32
      %dma_wait3A_162 = arith.constant 0 : i32
      %dma_wait3A_163 = tpu.memref_slice %arg2[%dma_wait3A_161, %dma_wait3A_162] : memref<10000x128xf32, #tpu.memory_space<hbm>> -> memref<10000x128xf32, #tpu.memory_space<hbm>>
      tpu.wait_indirect_dma semaphore(%arg24 : memref<!tpu.dma_semaphore, #tpu.memory_space<semaphore_mem>>) src(%dma_wait3A_163 : memref<10000x128xf32, #tpu.memory_space<hbm>>) dst(%arg17 : memref<80x128xf32, #tpu.memory_space<vmem>>)
      %dma_start3A_164 = arith.constant 0 : i32
      %dma_start3A_165 = arith.constant 0 : i32
      %dma_start3A_166 = tpu.memref_slice %arg18[%dma_start3A_164, %dma_start3A_165] : memref<10000x128xf32, #tpu.memory_space<vmem_shared>> -> memref<10000x128xf32, #tpu.memory_space<vmem_shared>>
      tpu.enqueue_indirect_dma source(%arg17 : memref<80x128xf32, #tpu.memory_space<vmem>>) target(%dma_start3A_166 : memref<10000x128xf32, #tpu.memory_space<vmem_shared>>) offsets(%arg15 : memref<80xi32, #tpu.memory_space<vmem>>) semaphore(%arg26 : memref<!tpu.dma_semaphore, #tpu.memory_space<semaphore_mem>>) {add = true}
      %dma_wait3A_167 = arith.constant 0 : i32
      %dma_wait3A_168 = arith.constant 0 : i32
      %dma_wait3A_169 = tpu.memref_slice %arg18[%dma_wait3A_167, %dma_wait3A_168] : memref<10000x128xf32, #tpu.memory_space<vmem_shared>> -> memref<10000x128xf32, #tpu.memory_space<vmem_shared>>
      tpu.wait_indirect_dma semaphore(%arg25 : memref<!tpu.dma_semaphore, #tpu.memory_space<semaphore_mem>>) src(%arg16 : memref<80x128xf32, #tpu.memory_space<vmem>>) dst(%dma_wait3A_169 : memref<10000x128xf32, #tpu.memory_space<vmem_shared>>)
      %add3A_170 = arith.constant 3 : i32
      %add3A_171 = arith.addi %add3A_160, %add3A_170 : i32
      %lt3A_172 = arith.constant 125 : i32
      %lt3A_173 = arith.cmpi slt, %add3A_171, %lt3A_172 : i32
      %convert_element_type3A_174 = arith.extui %lt3A_173 : i1 to i32
      %cond3A_175 = arith.constant 0 : i32
      %cond3A_176 = arith.cmpi ne, %convert_element_type3A_174, %cond3A_175 : i32
      scf.if %cond3A_176 {
        %add3A_188 = arith.constant 3 : i32
        %add3A_189 = arith.addi %add3A_160, %add3A_188 : i32
        %mul3A_190 = arith.constant 80 : i32
        %mul3A_191 = arith.muli %add3A_189, %mul3A_190 : i32
        %add3A_192 = arith.addi %mul3A_6, %mul3A_191 : i32
        %dma_start3A_193 = tpu.memref_slice %arg3[%add3A_192] : memref<320000xi32, #tpu.memory_space<hbm>> -> memref<80xi32, #tpu.memory_space<hbm>>
        %dma_start3A_194 = tpu.memref_slice %arg3[%add3A_192] : memref<320000xi32, #tpu.memory_space<hbm>> -> memref<80xi32, #tpu.memory_space<hbm>>
        tpu.enqueue_dma source(%dma_start3A_194 : memref<80xi32, #tpu.memory_space<hbm>>) target(%arg10 : memref<80xi32, #tpu.memory_space<vmem>>) target_semaphore(%arg21 : memref<!tpu.dma_semaphore, #tpu.memory_space<semaphore_mem>>)
        %dma_start3A_195 = tpu.memref_slice %arg4[%add3A_192] : memref<320000xi32, #tpu.memory_space<hbm>> -> memref<80xi32, #tpu.memory_space<hbm>>
        %dma_start3A_196 = tpu.memref_slice %arg4[%add3A_192] : memref<320000xi32, #tpu.memory_space<hbm>> -> memref<80xi32, #tpu.memory_space<hbm>>
        tpu.enqueue_dma source(%dma_start3A_196 : memref<80xi32, #tpu.memory_space<hbm>>) target(%arg14 : memref<80xi32, #tpu.memory_space<vmem>>) target_semaphore(%arg21 : memref<!tpu.dma_semaphore, #tpu.memory_space<semaphore_mem>>)
      } else {
      }
      %dma_wait3A_177 = arith.constant 0 : i32
      %dma_wait3A_178 = tpu.memref_slice %arg3[%dma_wait3A_177] : memref<320000xi32, #tpu.memory_space<hbm>> -> memref<80xi32, #tpu.memory_space<hbm>>
      %dma_wait3A_179 = arith.constant 0 : i32
      %dma_wait3A_180 = tpu.memref_slice %arg3[%dma_wait3A_179] : memref<320000xi32, #tpu.memory_space<hbm>> -> memref<80xi32, #tpu.memory_space<hbm>>
      tpu.wait_dma2 semaphore(%arg19 : memref<!tpu.dma_semaphore, #tpu.memory_space<semaphore_mem>>) src(%dma_wait3A_180 : memref<80xi32, #tpu.memory_space<hbm>>) dst(%arg8 : memref<80xi32, #tpu.memory_space<vmem>>)
      %dma_wait3A_181 = arith.constant 0 : i32
      %dma_wait3A_182 = tpu.memref_slice %arg4[%dma_wait3A_181] : memref<320000xi32, #tpu.memory_space<hbm>> -> memref<80xi32, #tpu.memory_space<hbm>>
      %dma_wait3A_183 = arith.constant 0 : i32
      %dma_wait3A_184 = tpu.memref_slice %arg4[%dma_wait3A_183] : memref<320000xi32, #tpu.memory_space<hbm>> -> memref<80xi32, #tpu.memory_space<hbm>>
      tpu.wait_dma2 semaphore(%arg19 : memref<!tpu.dma_semaphore, #tpu.memory_space<semaphore_mem>>) src(%dma_wait3A_184 : memref<80xi32, #tpu.memory_space<hbm>>) dst(%arg12 : memref<80xi32, #tpu.memory_space<vmem>>)
      %dma_start3A_185 = arith.constant 0 : i32
      %dma_start3A_186 = arith.constant 0 : i32
      %dma_start3A_187 = tpu.memref_slice %arg2[%dma_start3A_185, %dma_start3A_186] : memref<10000x128xf32, #tpu.memory_space<hbm>> -> memref<10000x128xf32, #tpu.memory_space<hbm>>
      tpu.enqueue_indirect_dma source(%dma_start3A_187 : memref<10000x128xf32, #tpu.memory_space<hbm>>) target(%arg16 : memref<80x128xf32, #tpu.memory_space<vmem>>) offsets(%arg8 : memref<80xi32, #tpu.memory_space<vmem>>) semaphore(%arg23 : memref<!tpu.dma_semaphore, #tpu.memory_space<semaphore_mem>>)
    }
    %scan3A_44 = arith.constant 31 : i32
    %dma_wait3A_45 = arith.constant 0 : i32
    %dma_wait3A_46 = arith.constant 0 : i32
    %dma_wait3A_47 = tpu.memref_slice %arg2[%dma_wait3A_45, %dma_wait3A_46] : memref<10000x128xf32, #tpu.memory_space<hbm>> -> memref<10000x128xf32, #tpu.memory_space<hbm>>
    tpu.wait_indirect_dma semaphore(%arg23 : memref<!tpu.dma_semaphore, #tpu.memory_space<semaphore_mem>>) src(%dma_wait3A_47 : memref<10000x128xf32, #tpu.memory_space<hbm>>) dst(%arg16 : memref<80x128xf32, #tpu.memory_space<vmem>>)
    %dma_start3A_48 = arith.constant 0 : i32
    %dma_start3A_49 = arith.constant 0 : i32
    %dma_start3A_50 = tpu.memref_slice %arg18[%dma_start3A_48, %dma_start3A_49] : memref<10000x128xf32, #tpu.memory_space<vmem_shared>> -> memref<10000x128xf32, #tpu.memory_space<vmem_shared>>
    tpu.enqueue_indirect_dma source(%arg16 : memref<80x128xf32, #tpu.memory_space<vmem>>) target(%dma_start3A_50 : memref<10000x128xf32, #tpu.memory_space<vmem_shared>>) offsets(%arg12 : memref<80xi32, #tpu.memory_space<vmem>>) semaphore(%arg25 : memref<!tpu.dma_semaphore, #tpu.memory_space<semaphore_mem>>) {add = true}
    %dma_wait3A_51 = arith.constant 0 : i32
    %dma_wait3A_52 = arith.constant 0 : i32
    %dma_wait3A_53 = tpu.memref_slice %arg18[%dma_wait3A_51, %dma_wait3A_52] : memref<10000x128xf32, #tpu.memory_space<vmem_shared>> -> memref<10000x128xf32, #tpu.memory_space<vmem_shared>>
    tpu.wait_indirect_dma semaphore(%arg26 : memref<!tpu.dma_semaphore, #tpu.memory_space<semaphore_mem>>) src(%arg17 : memref<80x128xf32, #tpu.memory_space<vmem>>) dst(%dma_wait3A_53 : memref<10000x128xf32, #tpu.memory_space<vmem_shared>>)
    %dma_wait3A_54 = arith.constant 0 : i32
    %dma_wait3A_55 = arith.constant 0 : i32
    %dma_wait3A_56 = tpu.memref_slice %arg18[%dma_wait3A_54, %dma_wait3A_55] : memref<10000x128xf32, #tpu.memory_space<vmem_shared>> -> memref<10000x128xf32, #tpu.memory_space<vmem_shared>>
    tpu.wait_indirect_dma semaphore(%arg25 : memref<!tpu.dma_semaphore, #tpu.memory_space<semaphore_mem>>) src(%arg16 : memref<80x128xf32, #tpu.memory_space<vmem>>) dst(%dma_wait3A_56 : memref<10000x128xf32, #tpu.memory_space<vmem_shared>>)
    %barrier3A_57 = arith.constant 0 : index
    tpu.barrier barrier_id(%barrier3A_57)
    %eq3A_58 = arith.constant 0 : i32
    %eq3A_59 = arith.cmpi eq, %arg0, %eq3A_58 : i32
    %convert_element_type3A_60 = arith.extui %eq3A_59 : i1 to i32
    %cond3A_61 = arith.constant 0 : i32
    %cond3A_62 = arith.cmpi ne, %convert_element_type3A_60, %cond3A_61 : i32
    scf.if %cond3A_62 {
      "tpu.region"() ({
        %run_scoped3A = tpu.sem_alloc : memref<!tpu.dma_semaphore, #tpu.memory_space<semaphore_mem>>
        %dma_start3A_73 = arith.constant 0 : i32
        %dma_start3A_74 = tpu.memref_slice %arg6[%mul3A_0, %dma_start3A_73] : memref<10000x128xf32, #tpu.memory_space<hbm>> -> memref<624x128xf32, #tpu.memory_space<hbm>>
        %dma_start3A_75 = arith.constant 0 : i32
        %dma_start3A_76 = tpu.memref_slice %arg18[%mul3A_0, %dma_start3A_75] : memref<10000x128xf32, #tpu.memory_space<vmem_shared>> -> memref<624x128xf32, #tpu.memory_space<vmem_shared>>
        tpu.enqueue_dma source(%dma_start3A_76 : memref<624x128xf32, #tpu.memory_space<vmem_shared>>) target(%dma_start3A_74 : memref<624x128xf32, #tpu.memory_space<hbm>>) target_semaphore(%run_scoped3A : memref<!tpu.dma_semaphore, #tpu.memory_space<semaphore_mem>>)
        %dma_wait3A_77 = arith.constant 0 : i32
        %dma_wait3A_78 = tpu.memref_slice %arg6[%mul3A_0, %dma_wait3A_77] : memref<10000x128xf32, #tpu.memory_space<hbm>> -> memref<624x128xf32, #tpu.memory_space<hbm>>
        %dma_wait3A_79 = arith.constant 0 : i32
        %dma_wait3A_80 = tpu.memref_slice %arg18[%mul3A_0, %dma_wait3A_79] : memref<10000x128xf32, #tpu.memory_space<vmem_shared>> -> memref<624x128xf32, #tpu.memory_space<vmem_shared>>
        tpu.wait_dma2 semaphore(%run_scoped3A : memref<!tpu.dma_semaphore, #tpu.memory_space<semaphore_mem>>) src(%dma_wait3A_80 : memref<624x128xf32, #tpu.memory_space<vmem_shared>>) dst(%dma_wait3A_78 : memref<624x128xf32, #tpu.memory_space<hbm>>)
        tpu.yield
      }) : () -> ()
      %eq3A_68 = arith.constant 15 : i32
      %eq3A_69 = arith.cmpi eq, %arg1, %eq3A_68 : i32
      %convert_element_type3A_70 = arith.extui %eq3A_69 : i1 to i32
      %cond3A_71 = arith.constant 0 : i32
      %cond3A_72 = arith.cmpi ne, %convert_element_type3A_70, %cond3A_71 : i32
      scf.if %cond3A_72 {
        "tpu.region"() ({
          %run_scoped3A = tpu.sem_alloc : memref<!tpu.dma_semaphore, #tpu.memory_space<semaphore_mem>>
          %dma_start3A_73 = arith.constant 9984 : i32
          %dma_start3A_74 = arith.constant 0 : i32
          %dma_start3A_75 = tpu.memref_slice %arg6[%dma_start3A_73, %dma_start3A_74] : memref<10000x128xf32, #tpu.memory_space<hbm>> -> memref<16x128xf32, #tpu.memory_space<hbm>>
          %dma_start3A_76 = arith.constant 9984 : i32
          %dma_start3A_77 = arith.constant 0 : i32
          %dma_start3A_78 = tpu.memref_slice %arg18[%dma_start3A_76, %dma_start3A_77] : memref<10000x128xf32, #tpu.memory_space<vmem_shared>> -> memref<16x128xf32, #tpu.memory_space<vmem_shared>>
          tpu.enqueue_dma source(%dma_start3A_78 : memref<16x128xf32, #tpu.memory_space<vmem_shared>>) target(%dma_start3A_75 : memref<16x128xf32, #tpu.memory_space<hbm>>) target_semaphore(%run_scoped3A : memref<!tpu.dma_semaphore, #tpu.memory_space<semaphore_mem>>)
          %dma_wait3A_79 = arith.constant 9984 : i32
          %dma_wait3A_80 = arith.constant 0 : i32
          %dma_wait3A_81 = tpu.memref_slice %arg6[%dma_wait3A_79, %dma_wait3A_80] : memref<10000x128xf32, #tpu.memory_space<hbm>> -> memref<16x128xf32, #tpu.memory_space<hbm>>
          %dma_wait3A_82 = arith.constant 9984 : i32
          %dma_wait3A_83 = arith.constant 0 : i32
          %dma_wait3A_84 = tpu.memref_slice %arg18[%dma_wait3A_82, %dma_wait3A_83] : memref<10000x128xf32, #tpu.memory_space<vmem_shared>> -> memref<16x128xf32, #tpu.memory_space<vmem_shared>>
          tpu.wait_dma2 semaphore(%run_scoped3A : memref<!tpu.dma_semaphore, #tpu.memory_space<semaphore_mem>>) src(%dma_wait3A_84 : memref<16x128xf32, #tpu.memory_space<vmem_shared>>) dst(%dma_wait3A_81 : memref<16x128xf32, #tpu.memory_space<hbm>>)
          tpu.yield
        }) : () -> ()
      } else {
      }
    } else {
    }
    %eq3A_63 = arith.constant 1 : i32
    %eq3A_64 = arith.cmpi eq, %arg0, %eq3A_63 : i32
    %convert_element_type3A_65 = arith.extui %eq3A_64 : i1 to i32
    %cond3A_66 = arith.constant 0 : i32
    %cond3A_67 = arith.cmpi ne, %convert_element_type3A_65, %cond3A_66 : i32
    scf.if %cond3A_67 {
      "tpu.region"() ({
        %run_scoped3A = tpu.sem_alloc : memref<!tpu.dma_semaphore, #tpu.memory_space<semaphore_mem>>
        %dma_start3A_73 = arith.constant 0 : i32
        %dma_start3A_74 = tpu.memref_slice %arg7[%mul3A_0, %dma_start3A_73] : memref<10000x128xf32, #tpu.memory_space<hbm>> -> memref<624x128xf32, #tpu.memory_space<hbm>>
        %dma_start3A_75 = arith.constant 0 : i32
        %dma_start3A_76 = tpu.memref_slice %arg18[%mul3A_0, %dma_start3A_75] : memref<10000x128xf32, #tpu.memory_space<vmem_shared>> -> memref<624x128xf32, #tpu.memory_space<vmem_shared>>
        tpu.enqueue_dma source(%dma_start3A_76 : memref<624x128xf32, #tpu.memory_space<vmem_shared>>) target(%dma_start3A_74 : memref<624x128xf32, #tpu.memory_space<hbm>>) target_semaphore(%run_scoped3A : memref<!tpu.dma_semaphore, #tpu.memory_space<semaphore_mem>>)
        %dma_wait3A_77 = arith.constant 0 : i32
        %dma_wait3A_78 = tpu.memref_slice %arg7[%mul3A_0, %dma_wait3A_77] : memref<10000x128xf32, #tpu.memory_space<hbm>> -> memref<624x128xf32, #tpu.memory_space<hbm>>
        %dma_wait3A_79 = arith.constant 0 : i32
        %dma_wait3A_80 = tpu.memref_slice %arg18[%mul3A_0, %dma_wait3A_79] : memref<10000x128xf32, #tpu.memory_space<vmem_shared>> -> memref<624x128xf32, #tpu.memory_space<vmem_shared>>
        tpu.wait_dma2 semaphore(%run_scoped3A : memref<!tpu.dma_semaphore, #tpu.memory_space<semaphore_mem>>) src(%dma_wait3A_80 : memref<624x128xf32, #tpu.memory_space<vmem_shared>>) dst(%dma_wait3A_78 : memref<624x128xf32, #tpu.memory_space<hbm>>)
        tpu.yield
      }) : () -> ()
      %eq3A_68 = arith.constant 15 : i32
      %eq3A_69 = arith.cmpi eq, %arg1, %eq3A_68 : i32
      %convert_element_type3A_70 = arith.extui %eq3A_69 : i1 to i32
      %cond3A_71 = arith.constant 0 : i32
      %cond3A_72 = arith.cmpi ne, %convert_element_type3A_70, %cond3A_71 : i32
      scf.if %cond3A_72 {
        "tpu.region"() ({
          %run_scoped3A = tpu.sem_alloc : memref<!tpu.dma_semaphore, #tpu.memory_space<semaphore_mem>>
          %dma_start3A_73 = arith.constant 9984 : i32
          %dma_start3A_74 = arith.constant 0 : i32
          %dma_start3A_75 = tpu.memref_slice %arg7[%dma_start3A_73, %dma_start3A_74] : memref<10000x128xf32, #tpu.memory_space<hbm>> -> memref<16x128xf32, #tpu.memory_space<hbm>>
          %dma_start3A_76 = arith.constant 9984 : i32
          %dma_start3A_77 = arith.constant 0 : i32
          %dma_start3A_78 = tpu.memref_slice %arg18[%dma_start3A_76, %dma_start3A_77] : memref<10000x128xf32, #tpu.memory_space<vmem_shared>> -> memref<16x128xf32, #tpu.memory_space<vmem_shared>>
          tpu.enqueue_dma source(%dma_start3A_78 : memref<16x128xf32, #tpu.memory_space<vmem_shared>>) target(%dma_start3A_75 : memref<16x128xf32, #tpu.memory_space<hbm>>) target_semaphore(%run_scoped3A : memref<!tpu.dma_semaphore, #tpu.memory_space<semaphore_mem>>)
          %dma_wait3A_79 = arith.constant 9984 : i32
          %dma_wait3A_80 = arith.constant 0 : i32
          %dma_wait3A_81 = tpu.memref_slice %arg7[%dma_wait3A_79, %dma_wait3A_80] : memref<10000x128xf32, #tpu.memory_space<hbm>> -> memref<16x128xf32, #tpu.memory_space<hbm>>
          %dma_wait3A_82 = arith.constant 9984 : i32
          %dma_wait3A_83 = arith.constant 0 : i32
          %dma_wait3A_84 = tpu.memref_slice %arg18[%dma_wait3A_82, %dma_wait3A_83] : memref<10000x128xf32, #tpu.memory_space<vmem_shared>> -> memref<16x128xf32, #tpu.memory_space<vmem_shared>>
          tpu.wait_dma2 semaphore(%run_scoped3A : memref<!tpu.dma_semaphore, #tpu.memory_space<semaphore_mem>>) src(%dma_wait3A_84 : memref<16x128xf32, #tpu.memory_space<vmem_shared>>) dst(%dma_wait3A_81 : memref<16x128xf32, #tpu.memory_space<hbm>>)
          tpu.yield
        }) : () -> ()
      } else {
      }
    } else {
    }
    return
  }
}

#map = affine_map<(d0, d1) -> (0, 0)>
#map1 = affine_map<(d0, d1) -> (0)>
module attributes {stable_mosaic.version = 14 : i64} {
  func.func @body(%arg0: i32, %arg1: i32, %arg2: memref<10000x128xf32, #tpu.memory_space<hbm>>, %arg3: memref<320000xi32, #tpu.memory_space<hbm>>, %arg4: memref<320000xi32, #tpu.memory_space<hbm>>, %arg5: memref<10000x128xf32, #tpu.memory_space<hbm>>, %arg6: memref<10000xf32, #tpu.memory_space<hbm>>, %arg7: memref<10000x128xf32, #tpu.memory_space<hbm>>, %arg8: memref<10000x128xf32, #tpu.memory_space<hbm>>, %arg9: memref<10000xf32, #tpu.memory_space<hbm>>, %arg10: memref<10000xf32, #tpu.memory_space<hbm>>, %arg11: memref<80xi32, #tpu.memory_space<vmem>>, %arg12: memref<80xi32, #tpu.memory_space<vmem>>, %arg13: memref<80xi32, #tpu.memory_space<vmem>>, %arg14: memref<80xi32, #tpu.memory_space<vmem>>, %arg15: memref<80xi32, #tpu.memory_space<vmem>>, %arg16: memref<80xi32, #tpu.memory_space<vmem>>, %arg17: memref<80xi32, #tpu.memory_space<vmem>>, %arg18: memref<80xi32, #tpu.memory_space<vmem>>, %arg19: memref<80x128xf32, #tpu.memory_space<vmem>>, %arg20: memref<80x128xf32, #tpu.memory_space<vmem>>, %arg21: memref<10000x128xf32, #tpu.memory_space<vmem_shared>>, %arg22: memref<!tpu.dma_semaphore, #tpu.memory_space<semaphore_mem>>, %arg23: memref<!tpu.dma_semaphore, #tpu.memory_space<semaphore_mem>>, %arg24: memref<!tpu.dma_semaphore, #tpu.memory_space<semaphore_mem>>, %arg25: memref<!tpu.dma_semaphore, #tpu.memory_space<semaphore_mem>>, %arg26: memref<!tpu.dma_semaphore, #tpu.memory_space<semaphore_mem>>, %arg27: memref<!tpu.dma_semaphore, #tpu.memory_space<semaphore_mem>>, %arg28: memref<!tpu.dma_semaphore, #tpu.memory_space<semaphore_mem>>, %arg29: memref<!tpu.dma_semaphore, #tpu.memory_space<semaphore_mem>>, %arg30: memref<80xf32, #tpu.memory_space<vmem>>, %arg31: memref<10000xf32, #tpu.memory_space<vmem_shared>>, %arg32: memref<624xf32, #tpu.memory_space<vmem>>, %arg33: memref<!tpu.dma_semaphore, #tpu.memory_space<semaphore_mem>>) attributes {dimension_semantics = [#tpu.dimension_semantics<core_parallel>, #tpu.dimension_semantics<subcore_parallel>], iteration_bounds = array<i64: 2, 16>, scalar_prefetch = 0 : i64, scratch_operands = 23 : i64, tpu.core_type = #tpu.core_type<sc_vector_subcore>, window_params = [{transform_indices = #map}, {transform_indices = #map1}, {transform_indices = #map1}, {transform_indices = #map}, {transform_indices = #map1}, {transform_indices = #map}, {transform_indices = #map}, {transform_indices = #map1}, {transform_indices = #map1}]} {
    %mul3A = arith.constant 624 : i32
    %mul3A_0 = arith.muli %arg1, %mul3A : i32
    "tpu.region"() ({
      %run_scoped3A = tpu.sem_alloc : memref<!tpu.dma_semaphore, #tpu.memory_space<semaphore_mem>>
      %dma_start3A_117 = arith.constant 0 : i32
      %dma_start3A_118 = tpu.memref_slice %arg21[%mul3A_0, %dma_start3A_117] : memref<10000x128xf32, #tpu.memory_space<vmem_shared>> -> memref<624x128xf32, #tpu.memory_space<vmem_shared>>
      %dma_start3A_119 = arith.constant 0 : i32
      %dma_start3A_120 = tpu.memref_slice %arg5[%mul3A_0, %dma_start3A_119] : memref<10000x128xf32, #tpu.memory_space<hbm>> -> memref<624x128xf32, #tpu.memory_space<hbm>>
      tpu.enqueue_dma source(%dma_start3A_120 : memref<624x128xf32, #tpu.memory_space<hbm>>) target(%dma_start3A_118 : memref<624x128xf32, #tpu.memory_space<vmem_shared>>) target_semaphore(%run_scoped3A : memref<!tpu.dma_semaphore, #tpu.memory_space<semaphore_mem>>)
      %dma_wait3A_121 = arith.constant 0 : i32
      %dma_wait3A_122 = tpu.memref_slice %arg21[%mul3A_0, %dma_wait3A_121] : memref<10000x128xf32, #tpu.memory_space<vmem_shared>> -> memref<624x128xf32, #tpu.memory_space<vmem_shared>>
      %dma_wait3A_123 = arith.constant 0 : i32
      %dma_wait3A_124 = tpu.memref_slice %arg5[%mul3A_0, %dma_wait3A_123] : memref<10000x128xf32, #tpu.memory_space<hbm>> -> memref<624x128xf32, #tpu.memory_space<hbm>>
      tpu.wait_dma2 semaphore(%run_scoped3A : memref<!tpu.dma_semaphore, #tpu.memory_space<semaphore_mem>>) src(%dma_wait3A_124 : memref<624x128xf32, #tpu.memory_space<hbm>>) dst(%dma_wait3A_122 : memref<624x128xf32, #tpu.memory_space<vmem_shared>>)
      tpu.yield
    }) : () -> ()
    %eq3A = arith.constant 15 : i32
    %eq3A_1 = arith.cmpi eq, %arg1, %eq3A : i32
    %convert_element_type3A = arith.extui %eq3A_1 : i1 to i32
    %cond3A = arith.constant 0 : i32
    %cond3A_2 = arith.cmpi ne, %convert_element_type3A, %cond3A : i32
    scf.if %cond3A_2 {
      "tpu.region"() ({
        %run_scoped3A = tpu.sem_alloc : memref<!tpu.dma_semaphore, #tpu.memory_space<semaphore_mem>>
        %dma_start3A_117 = arith.constant 9984 : i32
        %dma_start3A_118 = arith.constant 0 : i32
        %dma_start3A_119 = tpu.memref_slice %arg21[%dma_start3A_117, %dma_start3A_118] : memref<10000x128xf32, #tpu.memory_space<vmem_shared>> -> memref<16x128xf32, #tpu.memory_space<vmem_shared>>
        %dma_start3A_120 = arith.constant 9984 : i32
        %dma_start3A_121 = arith.constant 0 : i32
        %dma_start3A_122 = tpu.memref_slice %arg5[%dma_start3A_120, %dma_start3A_121] : memref<10000x128xf32, #tpu.memory_space<hbm>> -> memref<16x128xf32, #tpu.memory_space<hbm>>
        tpu.enqueue_dma source(%dma_start3A_122 : memref<16x128xf32, #tpu.memory_space<hbm>>) target(%dma_start3A_119 : memref<16x128xf32, #tpu.memory_space<vmem_shared>>) target_semaphore(%run_scoped3A : memref<!tpu.dma_semaphore, #tpu.memory_space<semaphore_mem>>)
        %dma_wait3A_123 = arith.constant 9984 : i32
        %dma_wait3A_124 = arith.constant 0 : i32
        %dma_wait3A_125 = tpu.memref_slice %arg21[%dma_wait3A_123, %dma_wait3A_124] : memref<10000x128xf32, #tpu.memory_space<vmem_shared>> -> memref<16x128xf32, #tpu.memory_space<vmem_shared>>
        %dma_wait3A_126 = arith.constant 9984 : i32
        %dma_wait3A_127 = arith.constant 0 : i32
        %dma_wait3A_128 = tpu.memref_slice %arg5[%dma_wait3A_126, %dma_wait3A_127] : memref<10000x128xf32, #tpu.memory_space<hbm>> -> memref<16x128xf32, #tpu.memory_space<hbm>>
        tpu.wait_dma2 semaphore(%run_scoped3A : memref<!tpu.dma_semaphore, #tpu.memory_space<semaphore_mem>>) src(%dma_wait3A_128 : memref<16x128xf32, #tpu.memory_space<hbm>>) dst(%dma_wait3A_125 : memref<16x128xf32, #tpu.memory_space<vmem_shared>>)
        tpu.yield
      }) : () -> ()
    } else {
    }
    "tpu.region"() ({
      %run_scoped3A = tpu.sem_alloc : memref<!tpu.dma_semaphore, #tpu.memory_space<semaphore_mem>>
      %dma_start3A_117 = tpu.memref_slice %arg6[%mul3A_0] : memref<10000xf32, #tpu.memory_space<hbm>> -> memref<624xf32, #tpu.memory_space<hbm>>
      %dma_start3A_118 = tpu.memref_slice %arg6[%mul3A_0] : memref<10000xf32, #tpu.memory_space<hbm>> -> memref<624xf32, #tpu.memory_space<hbm>>
      tpu.enqueue_dma source(%dma_start3A_118 : memref<624xf32, #tpu.memory_space<hbm>>) target(%arg32 : memref<624xf32, #tpu.memory_space<vmem>>) target_semaphore(%run_scoped3A : memref<!tpu.dma_semaphore, #tpu.memory_space<semaphore_mem>>)
      %dma_wait3A_119 = tpu.memref_slice %arg6[%mul3A_0] : memref<10000xf32, #tpu.memory_space<hbm>> -> memref<624xf32, #tpu.memory_space<hbm>>
      %dma_wait3A_120 = tpu.memref_slice %arg6[%mul3A_0] : memref<10000xf32, #tpu.memory_space<hbm>> -> memref<624xf32, #tpu.memory_space<hbm>>
      tpu.wait_dma2 semaphore(%run_scoped3A : memref<!tpu.dma_semaphore, #tpu.memory_space<semaphore_mem>>) src(%dma_wait3A_120 : memref<624xf32, #tpu.memory_space<hbm>>) dst(%arg32 : memref<624xf32, #tpu.memory_space<vmem>>)
      tpu.yield
    }) : () -> ()
    "tpu.region"() ({
      %run_scoped3A = tpu.sem_alloc : memref<!tpu.dma_semaphore, #tpu.memory_space<semaphore_mem>>
      %dma_start3A_117 = tpu.memref_slice %arg31[%mul3A_0] : memref<10000xf32, #tpu.memory_space<vmem_shared>> -> memref<624xf32, #tpu.memory_space<vmem_shared>>
      %dma_start3A_118 = tpu.memref_slice %arg31[%mul3A_0] : memref<10000xf32, #tpu.memory_space<vmem_shared>> -> memref<624xf32, #tpu.memory_space<vmem_shared>>
      tpu.enqueue_dma source(%arg32 : memref<624xf32, #tpu.memory_space<vmem>>) target(%dma_start3A_118 : memref<624xf32, #tpu.memory_space<vmem_shared>>) target_semaphore(%run_scoped3A : memref<!tpu.dma_semaphore, #tpu.memory_space<semaphore_mem>>)
      %dma_wait3A_119 = tpu.memref_slice %arg31[%mul3A_0] : memref<10000xf32, #tpu.memory_space<vmem_shared>> -> memref<624xf32, #tpu.memory_space<vmem_shared>>
      %dma_wait3A_120 = tpu.memref_slice %arg31[%mul3A_0] : memref<10000xf32, #tpu.memory_space<vmem_shared>> -> memref<624xf32, #tpu.memory_space<vmem_shared>>
      tpu.wait_dma2 semaphore(%run_scoped3A : memref<!tpu.dma_semaphore, #tpu.memory_space<semaphore_mem>>) src(%arg32 : memref<624xf32, #tpu.memory_space<vmem>>) dst(%dma_wait3A_120 : memref<624xf32, #tpu.memory_space<vmem_shared>>)
      tpu.yield
    }) : () -> ()
    %eq3A_3 = arith.constant 15 : i32
    %eq3A_4 = arith.cmpi eq, %arg1, %eq3A_3 : i32
    %convert_element_type3A_5 = arith.extui %eq3A_4 : i1 to i32
    %cond3A_6 = arith.constant 0 : i32
    %cond3A_7 = arith.cmpi ne, %convert_element_type3A_5, %cond3A_6 : i32
    scf.if %cond3A_7 {
      "tpu.region"() ({
        %run_scoped3A = tpu.sem_alloc : memref<!tpu.dma_semaphore, #tpu.memory_space<semaphore_mem>>
        %dma_start3A_117 = arith.constant 0 : i32
        %dma_start3A_118 = tpu.memref_slice %arg32[%dma_start3A_117] : memref<624xf32, #tpu.memory_space<vmem>> -> memref<16xf32, #tpu.memory_space<vmem>>
        %dma_start3A_119 = arith.constant 9984 : i32
        %dma_start3A_120 = tpu.memref_slice %arg6[%dma_start3A_119] : memref<10000xf32, #tpu.memory_space<hbm>> -> memref<16xf32, #tpu.memory_space<hbm>>
        %dma_start3A_121 = arith.constant 0 : i32
        %dma_start3A_122 = tpu.memref_slice %arg32[%dma_start3A_121] : memref<624xf32, #tpu.memory_space<vmem>> -> memref<16xf32, #tpu.memory_space<vmem>>
        %dma_start3A_123 = arith.constant 9984 : i32
        %dma_start3A_124 = tpu.memref_slice %arg6[%dma_start3A_123] : memref<10000xf32, #tpu.memory_space<hbm>> -> memref<16xf32, #tpu.memory_space<hbm>>
        tpu.enqueue_dma source(%dma_start3A_124 : memref<16xf32, #tpu.memory_space<hbm>>) target(%dma_start3A_122 : memref<16xf32, #tpu.memory_space<vmem>>) target_semaphore(%run_scoped3A : memref<!tpu.dma_semaphore, #tpu.memory_space<semaphore_mem>>)
        %dma_wait3A_125 = arith.constant 0 : i32
        %dma_wait3A_126 = tpu.memref_slice %arg32[%dma_wait3A_125] : memref<624xf32, #tpu.memory_space<vmem>> -> memref<16xf32, #tpu.memory_space<vmem>>
        %dma_wait3A_127 = arith.constant 9984 : i32
        %dma_wait3A_128 = tpu.memref_slice %arg6[%dma_wait3A_127] : memref<10000xf32, #tpu.memory_space<hbm>> -> memref<16xf32, #tpu.memory_space<hbm>>
        %dma_wait3A_129 = arith.constant 0 : i32
        %dma_wait3A_130 = tpu.memref_slice %arg32[%dma_wait3A_129] : memref<624xf32, #tpu.memory_space<vmem>> -> memref<16xf32, #tpu.memory_space<vmem>>
        %dma_wait3A_131 = arith.constant 9984 : i32
        %dma_wait3A_132 = tpu.memref_slice %arg6[%dma_wait3A_131] : memref<10000xf32, #tpu.memory_space<hbm>> -> memref<16xf32, #tpu.memory_space<hbm>>
        tpu.wait_dma2 semaphore(%run_scoped3A : memref<!tpu.dma_semaphore, #tpu.memory_space<semaphore_mem>>) src(%dma_wait3A_132 : memref<16xf32, #tpu.memory_space<hbm>>) dst(%dma_wait3A_130 : memref<16xf32, #tpu.memory_space<vmem>>)
        tpu.yield
      }) : () -> ()
      "tpu.region"() ({
        %run_scoped3A = tpu.sem_alloc : memref<!tpu.dma_semaphore, #tpu.memory_space<semaphore_mem>>
        %dma_start3A_117 = arith.constant 0 : i32
        %dma_start3A_118 = tpu.memref_slice %arg32[%dma_start3A_117] : memref<624xf32, #tpu.memory_space<vmem>> -> memref<16xf32, #tpu.memory_space<vmem>>
        %dma_start3A_119 = arith.constant 9984 : i32
        %dma_start3A_120 = tpu.memref_slice %arg31[%dma_start3A_119] : memref<10000xf32, #tpu.memory_space<vmem_shared>> -> memref<16xf32, #tpu.memory_space<vmem_shared>>
        %dma_start3A_121 = arith.constant 9984 : i32
        %dma_start3A_122 = tpu.memref_slice %arg31[%dma_start3A_121] : memref<10000xf32, #tpu.memory_space<vmem_shared>> -> memref<16xf32, #tpu.memory_space<vmem_shared>>
        %dma_start3A_123 = arith.constant 0 : i32
        %dma_start3A_124 = tpu.memref_slice %arg32[%dma_start3A_123] : memref<624xf32, #tpu.memory_space<vmem>> -> memref<16xf32, #tpu.memory_space<vmem>>
        tpu.enqueue_dma source(%dma_start3A_124 : memref<16xf32, #tpu.memory_space<vmem>>) target(%dma_start3A_122 : memref<16xf32, #tpu.memory_space<vmem_shared>>) target_semaphore(%run_scoped3A : memref<!tpu.dma_semaphore, #tpu.memory_space<semaphore_mem>>)
        %dma_wait3A_125 = arith.constant 0 : i32
        %dma_wait3A_126 = tpu.memref_slice %arg32[%dma_wait3A_125] : memref<624xf32, #tpu.memory_space<vmem>> -> memref<16xf32, #tpu.memory_space<vmem>>
        %dma_wait3A_127 = arith.constant 9984 : i32
        %dma_wait3A_128 = tpu.memref_slice %arg31[%dma_wait3A_127] : memref<10000xf32, #tpu.memory_space<vmem_shared>> -> memref<16xf32, #tpu.memory_space<vmem_shared>>
        %dma_wait3A_129 = arith.constant 9984 : i32
        %dma_wait3A_130 = tpu.memref_slice %arg31[%dma_wait3A_129] : memref<10000xf32, #tpu.memory_space<vmem_shared>> -> memref<16xf32, #tpu.memory_space<vmem_shared>>
        %dma_wait3A_131 = arith.constant 0 : i32
        %dma_wait3A_132 = tpu.memref_slice %arg32[%dma_wait3A_131] : memref<624xf32, #tpu.memory_space<vmem>> -> memref<16xf32, #tpu.memory_space<vmem>>
        tpu.wait_dma2 semaphore(%run_scoped3A : memref<!tpu.dma_semaphore, #tpu.memory_space<semaphore_mem>>) src(%dma_wait3A_132 : memref<16xf32, #tpu.memory_space<vmem>>) dst(%dma_wait3A_130 : memref<16xf32, #tpu.memory_space<vmem_shared>>)
        tpu.yield
      }) : () -> ()
    } else {
    }
    %broadcast_in_dim3A = arith.constant 1.000000e+00 : f32
    %broadcast_in_dim3A_8 = vector.broadcast %broadcast_in_dim3A : f32 to vector<16xf32>
    %swap3A = arith.constant 0 : index
    %swap3A_9 = tpu.vector_load %arg30[%swap3A] {strides = array<i32>} : memref<80xf32, #tpu.memory_space<vmem>>, vector<16xf32>,
    %swap3A_10 = vector.shape_cast %swap3A_9 : vector<16xf32> to vector<16xf32>
    %swap3A_11 = vector.shape_cast %broadcast_in_dim3A_8 : vector<16xf32> to vector<16xf32>
    tpu.vector_store %arg30[%swap3A], %swap3A_11 {strides = array<i32>} : memref<80xf32, #tpu.memory_space<vmem>>, vector<16xf32>,
    %broadcast_in_dim3A_12 = arith.constant 1.000000e+00 : f32
    %broadcast_in_dim3A_13 = vector.broadcast %broadcast_in_dim3A_12 : f32 to vector<16xf32>
    %swap3A_14 = arith.constant 16 : index
    %swap3A_15 = tpu.vector_load %arg30[%swap3A_14] {strides = array<i32>} : memref<80xf32, #tpu.memory_space<vmem>>, vector<16xf32>,
    %swap3A_16 = vector.shape_cast %swap3A_15 : vector<16xf32> to vector<16xf32>
    %swap3A_17 = vector.shape_cast %broadcast_in_dim3A_13 : vector<16xf32> to vector<16xf32>
    tpu.vector_store %arg30[%swap3A_14], %swap3A_17 {strides = array<i32>} : memref<80xf32, #tpu.memory_space<vmem>>, vector<16xf32>,
    %broadcast_in_dim3A_18 = arith.constant 1.000000e+00 : f32
    %broadcast_in_dim3A_19 = vector.broadcast %broadcast_in_dim3A_18 : f32 to vector<16xf32>
    %swap3A_20 = arith.constant 32 : index
    %swap3A_21 = tpu.vector_load %arg30[%swap3A_20] {strides = array<i32>} : memref<80xf32, #tpu.memory_space<vmem>>, vector<16xf32>,
    %swap3A_22 = vector.shape_cast %swap3A_21 : vector<16xf32> to vector<16xf32>
    %swap3A_23 = vector.shape_cast %broadcast_in_dim3A_19 : vector<16xf32> to vector<16xf32>
    tpu.vector_store %arg30[%swap3A_20], %swap3A_23 {strides = array<i32>} : memref<80xf32, #tpu.memory_space<vmem>>, vector<16xf32>,
    %broadcast_in_dim3A_24 = arith.constant 1.000000e+00 : f32
    %broadcast_in_dim3A_25 = vector.broadcast %broadcast_in_dim3A_24 : f32 to vector<16xf32>
    %swap3A_26 = arith.constant 48 : index
    %swap3A_27 = tpu.vector_load %arg30[%swap3A_26] {strides = array<i32>} : memref<80xf32, #tpu.memory_space<vmem>>, vector<16xf32>,
    %swap3A_28 = vector.shape_cast %swap3A_27 : vector<16xf32> to vector<16xf32>
    %swap3A_29 = vector.shape_cast %broadcast_in_dim3A_25 : vector<16xf32> to vector<16xf32>
    tpu.vector_store %arg30[%swap3A_26], %swap3A_29 {strides = array<i32>} : memref<80xf32, #tpu.memory_space<vmem>>, vector<16xf32>,
    %broadcast_in_dim3A_30 = arith.constant 1.000000e+00 : f32
    %broadcast_in_dim3A_31 = vector.broadcast %broadcast_in_dim3A_30 : f32 to vector<16xf32>
    %swap3A_32 = arith.constant 64 : index
    %swap3A_33 = tpu.vector_load %arg30[%swap3A_32] {strides = array<i32>} : memref<80xf32, #tpu.memory_space<vmem>>, vector<16xf32>,
    %swap3A_34 = vector.shape_cast %swap3A_33 : vector<16xf32> to vector<16xf32>
    %swap3A_35 = vector.shape_cast %broadcast_in_dim3A_31 : vector<16xf32> to vector<16xf32>
    tpu.vector_store %arg30[%swap3A_32], %swap3A_35 {strides = array<i32>} : memref<80xf32, #tpu.memory_space<vmem>>, vector<16xf32>,
    %barrier3A = arith.constant 0 : index
    tpu.barrier barrier_id(%barrier3A)
    %mul3A_36 = arith.constant 16 : i32
    %mul3A_37 = arith.muli %arg0, %mul3A_36 : i32
    %add3A = arith.addi %mul3A_37, %arg1 : i32
    %mul3A_38 = arith.constant 10000 : i32
    %mul3A_39 = arith.muli %add3A, %mul3A_38 : i32
    %add3A_40 = arith.constant 0 : i32
    %add3A_41 = arith.addi %mul3A_39, %add3A_40 : i32
    %dma_start3A = tpu.memref_slice %arg3[%add3A_41] : memref<320000xi32, #tpu.memory_space<hbm>> -> memref<80xi32, #tpu.memory_space<hbm>>
    %dma_start3A_42 = tpu.memref_slice %arg3[%add3A_41] : memref<320000xi32, #tpu.memory_space<hbm>> -> memref<80xi32, #tpu.memory_space<hbm>>
    tpu.enqueue_dma source(%dma_start3A_42 : memref<80xi32, #tpu.memory_space<hbm>>) target(%arg11 : memref<80xi32, #tpu.memory_space<vmem>>) target_semaphore(%arg22 : memref<!tpu.dma_semaphore, #tpu.memory_space<semaphore_mem>>)
    %dma_start3A_43 = tpu.memref_slice %arg4[%add3A_41] : memref<320000xi32, #tpu.memory_space<hbm>> -> memref<80xi32, #tpu.memory_space<hbm>>
    %dma_start3A_44 = tpu.memref_slice %arg4[%add3A_41] : memref<320000xi32, #tpu.memory_space<hbm>> -> memref<80xi32, #tpu.memory_space<hbm>>
    tpu.enqueue_dma source(%dma_start3A_44 : memref<80xi32, #tpu.memory_space<hbm>>) target(%arg15 : memref<80xi32, #tpu.memory_space<vmem>>) target_semaphore(%arg22 : memref<!tpu.dma_semaphore, #tpu.memory_space<semaphore_mem>>)
    %add3A_45 = arith.constant 80 : i32
    %add3A_46 = arith.addi %mul3A_39, %add3A_45 : i32
    %dma_start3A_47 = tpu.memref_slice %arg3[%add3A_46] : memref<320000xi32, #tpu.memory_space<hbm>> -> memref<80xi32, #tpu.memory_space<hbm>>
    %dma_start3A_48 = tpu.memref_slice %arg3[%add3A_46] : memref<320000xi32, #tpu.memory_space<hbm>> -> memref<80xi32, #tpu.memory_space<hbm>>
    tpu.enqueue_dma source(%dma_start3A_48 : memref<80xi32, #tpu.memory_space<hbm>>) target(%arg12 : memref<80xi32, #tpu.memory_space<vmem>>) target_semaphore(%arg23 : memref<!tpu.dma_semaphore, #tpu.memory_space<semaphore_mem>>)
    %dma_start3A_49 = tpu.memref_slice %arg4[%add3A_46] : memref<320000xi32, #tpu.memory_space<hbm>> -> memref<80xi32, #tpu.memory_space<hbm>>
    %dma_start3A_50 = tpu.memref_slice %arg4[%add3A_46] : memref<320000xi32, #tpu.memory_space<hbm>> -> memref<80xi32, #tpu.memory_space<hbm>>
    tpu.enqueue_dma source(%dma_start3A_50 : memref<80xi32, #tpu.memory_space<hbm>>) target(%arg16 : memref<80xi32, #tpu.memory_space<vmem>>) target_semaphore(%arg23 : memref<!tpu.dma_semaphore, #tpu.memory_space<semaphore_mem>>)
    %add3A_51 = arith.constant 160 : i32
    %add3A_52 = arith.addi %mul3A_39, %add3A_51 : i32
    %dma_start3A_53 = tpu.memref_slice %arg3[%add3A_52] : memref<320000xi32, #tpu.memory_space<hbm>> -> memref<80xi32, #tpu.memory_space<hbm>>
    %dma_start3A_54 = tpu.memref_slice %arg3[%add3A_52] : memref<320000xi32, #tpu.memory_space<hbm>> -> memref<80xi32, #tpu.memory_space<hbm>>
    tpu.enqueue_dma source(%dma_start3A_54 : memref<80xi32, #tpu.memory_space<hbm>>) target(%arg13 : memref<80xi32, #tpu.memory_space<vmem>>) target_semaphore(%arg24 : memref<!tpu.dma_semaphore, #tpu.memory_space<semaphore_mem>>)
    %dma_start3A_55 = tpu.memref_slice %arg4[%add3A_52] : memref<320000xi32, #tpu.memory_space<hbm>> -> memref<80xi32, #tpu.memory_space<hbm>>
    %dma_start3A_56 = tpu.memref_slice %arg4[%add3A_52] : memref<320000xi32, #tpu.memory_space<hbm>> -> memref<80xi32, #tpu.memory_space<hbm>>
    tpu.enqueue_dma source(%dma_start3A_56 : memref<80xi32, #tpu.memory_space<hbm>>) target(%arg17 : memref<80xi32, #tpu.memory_space<vmem>>) target_semaphore(%arg24 : memref<!tpu.dma_semaphore, #tpu.memory_space<semaphore_mem>>)
    %add3A_57 = arith.constant 240 : i32
    %add3A_58 = arith.addi %mul3A_39, %add3A_57 : i32
    %dma_start3A_59 = tpu.memref_slice %arg3[%add3A_58] : memref<320000xi32, #tpu.memory_space<hbm>> -> memref<80xi32, #tpu.memory_space<hbm>>
    %dma_start3A_60 = tpu.memref_slice %arg3[%add3A_58] : memref<320000xi32, #tpu.memory_space<hbm>> -> memref<80xi32, #tpu.memory_space<hbm>>
    tpu.enqueue_dma source(%dma_start3A_60 : memref<80xi32, #tpu.memory_space<hbm>>) target(%arg14 : memref<80xi32, #tpu.memory_space<vmem>>) target_semaphore(%arg25 : memref<!tpu.dma_semaphore, #tpu.memory_space<semaphore_mem>>)
    %dma_start3A_61 = tpu.memref_slice %arg4[%add3A_58] : memref<320000xi32, #tpu.memory_space<hbm>> -> memref<80xi32, #tpu.memory_space<hbm>>
    %dma_start3A_62 = tpu.memref_slice %arg4[%add3A_58] : memref<320000xi32, #tpu.memory_space<hbm>> -> memref<80xi32, #tpu.memory_space<hbm>>
    tpu.enqueue_dma source(%dma_start3A_62 : memref<80xi32, #tpu.memory_space<hbm>>) target(%arg18 : memref<80xi32, #tpu.memory_space<vmem>>) target_semaphore(%arg25 : memref<!tpu.dma_semaphore, #tpu.memory_space<semaphore_mem>>)
    %dma_wait3A = arith.constant 0 : i32
    %dma_wait3A_63 = tpu.memref_slice %arg3[%dma_wait3A] : memref<320000xi32, #tpu.memory_space<hbm>> -> memref<80xi32, #tpu.memory_space<hbm>>
    %dma_wait3A_64 = arith.constant 0 : i32
    %dma_wait3A_65 = tpu.memref_slice %arg3[%dma_wait3A_64] : memref<320000xi32, #tpu.memory_space<hbm>> -> memref<80xi32, #tpu.memory_space<hbm>>
    tpu.wait_dma2 semaphore(%arg22 : memref<!tpu.dma_semaphore, #tpu.memory_space<semaphore_mem>>) src(%dma_wait3A_65 : memref<80xi32, #tpu.memory_space<hbm>>) dst(%arg11 : memref<80xi32, #tpu.memory_space<vmem>>)
    %dma_wait3A_66 = arith.constant 0 : i32
    %dma_wait3A_67 = tpu.memref_slice %arg4[%dma_wait3A_66] : memref<320000xi32, #tpu.memory_space<hbm>> -> memref<80xi32, #tpu.memory_space<hbm>>
    %dma_wait3A_68 = arith.constant 0 : i32
    %dma_wait3A_69 = tpu.memref_slice %arg4[%dma_wait3A_68] : memref<320000xi32, #tpu.memory_space<hbm>> -> memref<80xi32, #tpu.memory_space<hbm>>
    tpu.wait_dma2 semaphore(%arg22 : memref<!tpu.dma_semaphore, #tpu.memory_space<semaphore_mem>>) src(%dma_wait3A_69 : memref<80xi32, #tpu.memory_space<hbm>>) dst(%arg15 : memref<80xi32, #tpu.memory_space<vmem>>)
    %dma_start3A_70 = arith.constant 0 : i32
    %dma_start3A_71 = arith.constant 0 : i32
    %dma_start3A_72 = tpu.memref_slice %arg2[%dma_start3A_70, %dma_start3A_71] : memref<10000x128xf32, #tpu.memory_space<hbm>> -> memref<10000x128xf32, #tpu.memory_space<hbm>>
    tpu.enqueue_indirect_dma source(%dma_start3A_72 : memref<10000x128xf32, #tpu.memory_space<hbm>>) target(%arg19 : memref<80x128xf32, #tpu.memory_space<vmem>>) offsets(%arg11 : memref<80xi32, #tpu.memory_space<vmem>>) semaphore(%arg26 : memref<!tpu.dma_semaphore, #tpu.memory_space<semaphore_mem>>)
    %scan3A = arith.constant 0 : i32
    %scan3A_73 = arith.constant 0 : i32
    %scan3A_74 = arith.constant 31 : i32
    %scan3A_75 = arith.addi %scan3A_73, %scan3A_74 : i32
    %scan3A_76 = arith.constant 1 : i32
    scf.for %scan3A_117 = %scan3A_73 to %scan3A_75 step %scan3A_76  : i32 {
      %mul3A_118 = arith.constant 4 : i32
      %mul3A_119 = arith.muli %mul3A_118, %scan3A_117 : i32
      %add3A_120 = arith.constant 0 : i32
      %add3A_121 = arith.addi %mul3A_119, %add3A_120 : i32
      %dma_wait3A_122 = arith.constant 0 : i32
      %dma_wait3A_123 = arith.constant 0 : i32
      %dma_wait3A_124 = tpu.memref_slice %arg2[%dma_wait3A_122, %dma_wait3A_123] : memref<10000x128xf32, #tpu.memory_space<hbm>> -> memref<10000x128xf32, #tpu.memory_space<hbm>>
      tpu.wait_indirect_dma semaphore(%arg26 : memref<!tpu.dma_semaphore, #tpu.memory_space<semaphore_mem>>) src(%dma_wait3A_124 : memref<10000x128xf32, #tpu.memory_space<hbm>>) dst(%arg19 : memref<80x128xf32, #tpu.memory_space<vmem>>)
      %dma_start3A_125 = arith.constant 0 : i32
      %dma_start3A_126 = arith.constant 0 : i32
      %dma_start3A_127 = tpu.memref_slice %arg21[%dma_start3A_125, %dma_start3A_126] : memref<10000x128xf32, #tpu.memory_space<vmem_shared>> -> memref<10000x128xf32, #tpu.memory_space<vmem_shared>>
      tpu.enqueue_indirect_dma source(%arg19 : memref<80x128xf32, #tpu.memory_space<vmem>>) target(%dma_start3A_127 : memref<10000x128xf32, #tpu.memory_space<vmem_shared>>) offsets(%arg15 : memref<80xi32, #tpu.memory_space<vmem>>) semaphore(%arg28 : memref<!tpu.dma_semaphore, #tpu.memory_space<semaphore_mem>>) {add = true}
      %dma_start3A_128 = arith.constant 0 : i32
      %dma_start3A_129 = tpu.memref_slice %arg31[%dma_start3A_128] : memref<10000xf32, #tpu.memory_space<vmem_shared>> -> memref<10000xf32, #tpu.memory_space<vmem_shared>>
      tpu.enqueue_indirect_dma source(%arg30 : memref<80xf32, #tpu.memory_space<vmem>>) target(%dma_start3A_129 : memref<10000xf32, #tpu.memory_space<vmem_shared>>) offsets(%arg15 : memref<80xi32, #tpu.memory_space<vmem>>) semaphore(%arg33 : memref<!tpu.dma_semaphore, #tpu.memory_space<semaphore_mem>>) {add = true}
      %gt3A = arith.constant 0 : i32
      %gt3A_130 = arith.cmpi sgt, %scan3A_117, %gt3A : i32
      %convert_element_type3A_131 = arith.extui %gt3A_130 : i1 to i32
      %cond3A_132 = arith.constant 0 : i32
      %cond3A_133 = arith.cmpi ne, %convert_element_type3A_131, %cond3A_132 : i32
      scf.if %cond3A_133 {
        %dma_wait3A_251 = arith.constant 0 : i32
        %dma_wait3A_252 = arith.constant 0 : i32
        %dma_wait3A_253 = tpu.memref_slice %arg21[%dma_wait3A_251, %dma_wait3A_252] : memref<10000x128xf32, #tpu.memory_space<vmem_shared>> -> memref<10000x128xf32, #tpu.memory_space<vmem_shared>>
        tpu.wait_indirect_dma semaphore(%arg29 : memref<!tpu.dma_semaphore, #tpu.memory_space<semaphore_mem>>) src(%arg20 : memref<80x128xf32, #tpu.memory_space<vmem>>) dst(%dma_wait3A_253 : memref<10000x128xf32, #tpu.memory_space<vmem_shared>>)
        %dma_wait3A_254 = arith.constant 0 : i32
        %dma_wait3A_255 = tpu.memref_slice %arg31[%dma_wait3A_254] : memref<10000xf32, #tpu.memory_space<vmem_shared>> -> memref<10000xf32, #tpu.memory_space<vmem_shared>>
        tpu.wait_indirect_dma semaphore(%arg33 : memref<!tpu.dma_semaphore, #tpu.memory_space<semaphore_mem>>) src(%arg30 : memref<80xf32, #tpu.memory_space<vmem>>) dst(%dma_wait3A_255 : memref<10000xf32, #tpu.memory_space<vmem_shared>>)
        %add3A_256 = arith.constant 3 : i32
        %add3A_257 = arith.addi %add3A_121, %add3A_256 : i32
        %mul3A_258 = arith.constant 80 : i32
        %mul3A_259 = arith.muli %add3A_257, %mul3A_258 : i32
        %add3A_260 = arith.addi %mul3A_39, %mul3A_259 : i32
        %dma_start3A_261 = tpu.memref_slice %arg3[%add3A_260] : memref<320000xi32, #tpu.memory_space<hbm>> -> memref<80xi32, #tpu.memory_space<hbm>>
        %dma_start3A_262 = tpu.memref_slice %arg3[%add3A_260] : memref<320000xi32, #tpu.memory_space<hbm>> -> memref<80xi32, #tpu.memory_space<hbm>>
        tpu.enqueue_dma source(%dma_start3A_262 : memref<80xi32, #tpu.memory_space<hbm>>) target(%arg14 : memref<80xi32, #tpu.memory_space<vmem>>) target_semaphore(%arg25 : memref<!tpu.dma_semaphore, #tpu.memory_space<semaphore_mem>>)
        %dma_start3A_263 = tpu.memref_slice %arg4[%add3A_260] : memref<320000xi32, #tpu.memory_space<hbm>> -> memref<80xi32, #tpu.memory_space<hbm>>
        %dma_start3A_264 = tpu.memref_slice %arg4[%add3A_260] : memref<320000xi32, #tpu.memory_space<hbm>> -> memref<80xi32, #tpu.memory_space<hbm>>
        tpu.enqueue_dma source(%dma_start3A_264 : memref<80xi32, #tpu.memory_space<hbm>>) target(%arg18 : memref<80xi32, #tpu.memory_space<vmem>>) target_semaphore(%arg25 : memref<!tpu.dma_semaphore, #tpu.memory_space<semaphore_mem>>)
      } else {
      }
      %dma_wait3A_134 = arith.constant 0 : i32
      %dma_wait3A_135 = tpu.memref_slice %arg3[%dma_wait3A_134] : memref<320000xi32, #tpu.memory_space<hbm>> -> memref<80xi32, #tpu.memory_space<hbm>>
      %dma_wait3A_136 = arith.constant 0 : i32
      %dma_wait3A_137 = tpu.memref_slice %arg3[%dma_wait3A_136] : memref<320000xi32, #tpu.memory_space<hbm>> -> memref<80xi32, #tpu.memory_space<hbm>>
      tpu.wait_dma2 semaphore(%arg23 : memref<!tpu.dma_semaphore, #tpu.memory_space<semaphore_mem>>) src(%dma_wait3A_137 : memref<80xi32, #tpu.memory_space<hbm>>) dst(%arg12 : memref<80xi32, #tpu.memory_space<vmem>>)
      %dma_wait3A_138 = arith.constant 0 : i32
      %dma_wait3A_139 = tpu.memref_slice %arg4[%dma_wait3A_138] : memref<320000xi32, #tpu.memory_space<hbm>> -> memref<80xi32, #tpu.memory_space<hbm>>
      %dma_wait3A_140 = arith.constant 0 : i32
      %dma_wait3A_141 = tpu.memref_slice %arg4[%dma_wait3A_140] : memref<320000xi32, #tpu.memory_space<hbm>> -> memref<80xi32, #tpu.memory_space<hbm>>
      tpu.wait_dma2 semaphore(%arg23 : memref<!tpu.dma_semaphore, #tpu.memory_space<semaphore_mem>>) src(%dma_wait3A_141 : memref<80xi32, #tpu.memory_space<hbm>>) dst(%arg16 : memref<80xi32, #tpu.memory_space<vmem>>)
      %dma_start3A_142 = arith.constant 0 : i32
      %dma_start3A_143 = arith.constant 0 : i32
      %dma_start3A_144 = tpu.memref_slice %arg2[%dma_start3A_142, %dma_start3A_143] : memref<10000x128xf32, #tpu.memory_space<hbm>> -> memref<10000x128xf32, #tpu.memory_space<hbm>>
      tpu.enqueue_indirect_dma source(%dma_start3A_144 : memref<10000x128xf32, #tpu.memory_space<hbm>>) target(%arg20 : memref<80x128xf32, #tpu.memory_space<vmem>>) offsets(%arg12 : memref<80xi32, #tpu.memory_space<vmem>>) semaphore(%arg27 : memref<!tpu.dma_semaphore, #tpu.memory_space<semaphore_mem>>)
      %mul3A_145 = arith.constant 4 : i32
      %mul3A_146 = arith.muli %mul3A_145, %scan3A_117 : i32
      %add3A_147 = arith.constant 1 : i32
      %add3A_148 = arith.addi %mul3A_146, %add3A_147 : i32
      %dma_wait3A_149 = arith.constant 0 : i32
      %dma_wait3A_150 = arith.constant 0 : i32
      %dma_wait3A_151 = tpu.memref_slice %arg2[%dma_wait3A_149, %dma_wait3A_150] : memref<10000x128xf32, #tpu.memory_space<hbm>> -> memref<10000x128xf32, #tpu.memory_space<hbm>>
      tpu.wait_indirect_dma semaphore(%arg27 : memref<!tpu.dma_semaphore, #tpu.memory_space<semaphore_mem>>) src(%dma_wait3A_151 : memref<10000x128xf32, #tpu.memory_space<hbm>>) dst(%arg20 : memref<80x128xf32, #tpu.memory_space<vmem>>)
      %dma_start3A_152 = arith.constant 0 : i32
      %dma_start3A_153 = arith.constant 0 : i32
      %dma_start3A_154 = tpu.memref_slice %arg21[%dma_start3A_152, %dma_start3A_153] : memref<10000x128xf32, #tpu.memory_space<vmem_shared>> -> memref<10000x128xf32, #tpu.memory_space<vmem_shared>>
      tpu.enqueue_indirect_dma source(%arg20 : memref<80x128xf32, #tpu.memory_space<vmem>>) target(%dma_start3A_154 : memref<10000x128xf32, #tpu.memory_space<vmem_shared>>) offsets(%arg16 : memref<80xi32, #tpu.memory_space<vmem>>) semaphore(%arg29 : memref<!tpu.dma_semaphore, #tpu.memory_space<semaphore_mem>>) {add = true}
      %dma_start3A_155 = arith.constant 0 : i32
      %dma_start3A_156 = tpu.memref_slice %arg31[%dma_start3A_155] : memref<10000xf32, #tpu.memory_space<vmem_shared>> -> memref<10000xf32, #tpu.memory_space<vmem_shared>>
      tpu.enqueue_indirect_dma source(%arg30 : memref<80xf32, #tpu.memory_space<vmem>>) target(%dma_start3A_156 : memref<10000xf32, #tpu.memory_space<vmem_shared>>) offsets(%arg16 : memref<80xi32, #tpu.memory_space<vmem>>) semaphore(%arg33 : memref<!tpu.dma_semaphore, #tpu.memory_space<semaphore_mem>>) {add = true}
      %dma_wait3A_157 = arith.constant 0 : i32
      %dma_wait3A_158 = arith.constant 0 : i32
      %dma_wait3A_159 = tpu.memref_slice %arg21[%dma_wait3A_157, %dma_wait3A_158] : memref<10000x128xf32, #tpu.memory_space<vmem_shared>> -> memref<10000x128xf32, #tpu.memory_space<vmem_shared>>
      tpu.wait_indirect_dma semaphore(%arg28 : memref<!tpu.dma_semaphore, #tpu.memory_space<semaphore_mem>>) src(%arg19 : memref<80x128xf32, #tpu.memory_space<vmem>>) dst(%dma_wait3A_159 : memref<10000x128xf32, #tpu.memory_space<vmem_shared>>)
      %dma_wait3A_160 = arith.constant 0 : i32
      %dma_wait3A_161 = tpu.memref_slice %arg31[%dma_wait3A_160] : memref<10000xf32, #tpu.memory_space<vmem_shared>> -> memref<10000xf32, #tpu.memory_space<vmem_shared>>
      tpu.wait_indirect_dma semaphore(%arg33 : memref<!tpu.dma_semaphore, #tpu.memory_space<semaphore_mem>>) src(%arg30 : memref<80xf32, #tpu.memory_space<vmem>>) dst(%dma_wait3A_161 : memref<10000xf32, #tpu.memory_space<vmem_shared>>)
      %add3A_162 = arith.constant 3 : i32
      %add3A_163 = arith.addi %add3A_148, %add3A_162 : i32
      %mul3A_164 = arith.constant 80 : i32
      %mul3A_165 = arith.muli %add3A_163, %mul3A_164 : i32
      %add3A_166 = arith.addi %mul3A_39, %mul3A_165 : i32
      %dma_start3A_167 = tpu.memref_slice %arg3[%add3A_166] : memref<320000xi32, #tpu.memory_space<hbm>> -> memref<80xi32, #tpu.memory_space<hbm>>
      %dma_start3A_168 = tpu.memref_slice %arg3[%add3A_166] : memref<320000xi32, #tpu.memory_space<hbm>> -> memref<80xi32, #tpu.memory_space<hbm>>
      tpu.enqueue_dma source(%dma_start3A_168 : memref<80xi32, #tpu.memory_space<hbm>>) target(%arg11 : memref<80xi32, #tpu.memory_space<vmem>>) target_semaphore(%arg22 : memref<!tpu.dma_semaphore, #tpu.memory_space<semaphore_mem>>)
      %dma_start3A_169 = tpu.memref_slice %arg4[%add3A_166] : memref<320000xi32, #tpu.memory_space<hbm>> -> memref<80xi32, #tpu.memory_space<hbm>>
      %dma_start3A_170 = tpu.memref_slice %arg4[%add3A_166] : memref<320000xi32, #tpu.memory_space<hbm>> -> memref<80xi32, #tpu.memory_space<hbm>>
      tpu.enqueue_dma source(%dma_start3A_170 : memref<80xi32, #tpu.memory_space<hbm>>) target(%arg15 : memref<80xi32, #tpu.memory_space<vmem>>) target_semaphore(%arg22 : memref<!tpu.dma_semaphore, #tpu.memory_space<semaphore_mem>>)
      %dma_wait3A_171 = arith.constant 0 : i32
      %dma_wait3A_172 = tpu.memref_slice %arg3[%dma_wait3A_171] : memref<320000xi32, #tpu.memory_space<hbm>> -> memref<80xi32, #tpu.memory_space<hbm>>
      %dma_wait3A_173 = arith.constant 0 : i32
      %dma_wait3A_174 = tpu.memref_slice %arg3[%dma_wait3A_173] : memref<320000xi32, #tpu.memory_space<hbm>> -> memref<80xi32, #tpu.memory_space<hbm>>
      tpu.wait_dma2 semaphore(%arg24 : memref<!tpu.dma_semaphore, #tpu.memory_space<semaphore_mem>>) src(%dma_wait3A_174 : memref<80xi32, #tpu.memory_space<hbm>>) dst(%arg13 : memref<80xi32, #tpu.memory_space<vmem>>)
      %dma_wait3A_175 = arith.constant 0 : i32
      %dma_wait3A_176 = tpu.memref_slice %arg4[%dma_wait3A_175] : memref<320000xi32, #tpu.memory_space<hbm>> -> memref<80xi32, #tpu.memory_space<hbm>>
      %dma_wait3A_177 = arith.constant 0 : i32
      %dma_wait3A_178 = tpu.memref_slice %arg4[%dma_wait3A_177] : memref<320000xi32, #tpu.memory_space<hbm>> -> memref<80xi32, #tpu.memory_space<hbm>>
      tpu.wait_dma2 semaphore(%arg24 : memref<!tpu.dma_semaphore, #tpu.memory_space<semaphore_mem>>) src(%dma_wait3A_178 : memref<80xi32, #tpu.memory_space<hbm>>) dst(%arg17 : memref<80xi32, #tpu.memory_space<vmem>>)
      %dma_start3A_179 = arith.constant 0 : i32
      %dma_start3A_180 = arith.constant 0 : i32
      %dma_start3A_181 = tpu.memref_slice %arg2[%dma_start3A_179, %dma_start3A_180] : memref<10000x128xf32, #tpu.memory_space<hbm>> -> memref<10000x128xf32, #tpu.memory_space<hbm>>
      tpu.enqueue_indirect_dma source(%dma_start3A_181 : memref<10000x128xf32, #tpu.memory_space<hbm>>) target(%arg19 : memref<80x128xf32, #tpu.memory_space<vmem>>) offsets(%arg13 : memref<80xi32, #tpu.memory_space<vmem>>) semaphore(%arg26 : memref<!tpu.dma_semaphore, #tpu.memory_space<semaphore_mem>>)
      %mul3A_182 = arith.constant 4 : i32
      %mul3A_183 = arith.muli %mul3A_182, %scan3A_117 : i32
      %add3A_184 = arith.constant 2 : i32
      %add3A_185 = arith.addi %mul3A_183, %add3A_184 : i32
      %dma_wait3A_186 = arith.constant 0 : i32
      %dma_wait3A_187 = arith.constant 0 : i32
      %dma_wait3A_188 = tpu.memref_slice %arg2[%dma_wait3A_186, %dma_wait3A_187] : memref<10000x128xf32, #tpu.memory_space<hbm>> -> memref<10000x128xf32, #tpu.memory_space<hbm>>
      tpu.wait_indirect_dma semaphore(%arg26 : memref<!tpu.dma_semaphore, #tpu.memory_space<semaphore_mem>>) src(%dma_wait3A_188 : memref<10000x128xf32, #tpu.memory_space<hbm>>) dst(%arg19 : memref<80x128xf32, #tpu.memory_space<vmem>>)
      %dma_start3A_189 = arith.constant 0 : i32
      %dma_start3A_190 = arith.constant 0 : i32
      %dma_start3A_191 = tpu.memref_slice %arg21[%dma_start3A_189, %dma_start3A_190] : memref<10000x128xf32, #tpu.memory_space<vmem_shared>> -> memref<10000x128xf32, #tpu.memory_space<vmem_shared>>
      tpu.enqueue_indirect_dma source(%arg19 : memref<80x128xf32, #tpu.memory_space<vmem>>) target(%dma_start3A_191 : memref<10000x128xf32, #tpu.memory_space<vmem_shared>>) offsets(%arg17 : memref<80xi32, #tpu.memory_space<vmem>>) semaphore(%arg28 : memref<!tpu.dma_semaphore, #tpu.memory_space<semaphore_mem>>) {add = true}
      %dma_start3A_192 = arith.constant 0 : i32
      %dma_start3A_193 = tpu.memref_slice %arg31[%dma_start3A_192] : memref<10000xf32, #tpu.memory_space<vmem_shared>> -> memref<10000xf32, #tpu.memory_space<vmem_shared>>
      tpu.enqueue_indirect_dma source(%arg30 : memref<80xf32, #tpu.memory_space<vmem>>) target(%dma_start3A_193 : memref<10000xf32, #tpu.memory_space<vmem_shared>>) offsets(%arg17 : memref<80xi32, #tpu.memory_space<vmem>>) semaphore(%arg33 : memref<!tpu.dma_semaphore, #tpu.memory_space<semaphore_mem>>) {add = true}
      %dma_wait3A_194 = arith.constant 0 : i32
      %dma_wait3A_195 = arith.constant 0 : i32
      %dma_wait3A_196 = tpu.memref_slice %arg21[%dma_wait3A_194, %dma_wait3A_195] : memref<10000x128xf32, #tpu.memory_space<vmem_shared>> -> memref<10000x128xf32, #tpu.memory_space<vmem_shared>>
      tpu.wait_indirect_dma semaphore(%arg29 : memref<!tpu.dma_semaphore, #tpu.memory_space<semaphore_mem>>) src(%arg20 : memref<80x128xf32, #tpu.memory_space<vmem>>) dst(%dma_wait3A_196 : memref<10000x128xf32, #tpu.memory_space<vmem_shared>>)
      %dma_wait3A_197 = arith.constant 0 : i32
      %dma_wait3A_198 = tpu.memref_slice %arg31[%dma_wait3A_197] : memref<10000xf32, #tpu.memory_space<vmem_shared>> -> memref<10000xf32, #tpu.memory_space<vmem_shared>>
      tpu.wait_indirect_dma semaphore(%arg33 : memref<!tpu.dma_semaphore, #tpu.memory_space<semaphore_mem>>) src(%arg30 : memref<80xf32, #tpu.memory_space<vmem>>) dst(%dma_wait3A_198 : memref<10000xf32, #tpu.memory_space<vmem_shared>>)
      %add3A_199 = arith.constant 3 : i32
      %add3A_200 = arith.addi %add3A_185, %add3A_199 : i32
      %lt3A = arith.constant 125 : i32
      %lt3A_201 = arith.cmpi slt, %add3A_200, %lt3A : i32
      %convert_element_type3A_202 = arith.extui %lt3A_201 : i1 to i32
      %cond3A_203 = arith.constant 0 : i32
      %cond3A_204 = arith.cmpi ne, %convert_element_type3A_202, %cond3A_203 : i32
      scf.if %cond3A_204 {
        %add3A_251 = arith.constant 3 : i32
        %add3A_252 = arith.addi %add3A_185, %add3A_251 : i32
        %mul3A_253 = arith.constant 80 : i32
        %mul3A_254 = arith.muli %add3A_252, %mul3A_253 : i32
        %add3A_255 = arith.addi %mul3A_39, %mul3A_254 : i32
        %dma_start3A_256 = tpu.memref_slice %arg3[%add3A_255] : memref<320000xi32, #tpu.memory_space<hbm>> -> memref<80xi32, #tpu.memory_space<hbm>>
        %dma_start3A_257 = tpu.memref_slice %arg3[%add3A_255] : memref<320000xi32, #tpu.memory_space<hbm>> -> memref<80xi32, #tpu.memory_space<hbm>>
        tpu.enqueue_dma source(%dma_start3A_257 : memref<80xi32, #tpu.memory_space<hbm>>) target(%arg12 : memref<80xi32, #tpu.memory_space<vmem>>) target_semaphore(%arg23 : memref<!tpu.dma_semaphore, #tpu.memory_space<semaphore_mem>>)
        %dma_start3A_258 = tpu.memref_slice %arg4[%add3A_255] : memref<320000xi32, #tpu.memory_space<hbm>> -> memref<80xi32, #tpu.memory_space<hbm>>
        %dma_start3A_259 = tpu.memref_slice %arg4[%add3A_255] : memref<320000xi32, #tpu.memory_space<hbm>> -> memref<80xi32, #tpu.memory_space<hbm>>
        tpu.enqueue_dma source(%dma_start3A_259 : memref<80xi32, #tpu.memory_space<hbm>>) target(%arg16 : memref<80xi32, #tpu.memory_space<vmem>>) target_semaphore(%arg23 : memref<!tpu.dma_semaphore, #tpu.memory_space<semaphore_mem>>)
      } else {
      }
      %dma_wait3A_205 = arith.constant 0 : i32
      %dma_wait3A_206 = tpu.memref_slice %arg3[%dma_wait3A_205] : memref<320000xi32, #tpu.memory_space<hbm>> -> memref<80xi32, #tpu.memory_space<hbm>>
      %dma_wait3A_207 = arith.constant 0 : i32
      %dma_wait3A_208 = tpu.memref_slice %arg3[%dma_wait3A_207] : memref<320000xi32, #tpu.memory_space<hbm>> -> memref<80xi32, #tpu.memory_space<hbm>>
      tpu.wait_dma2 semaphore(%arg25 : memref<!tpu.dma_semaphore, #tpu.memory_space<semaphore_mem>>) src(%dma_wait3A_208 : memref<80xi32, #tpu.memory_space<hbm>>) dst(%arg14 : memref<80xi32, #tpu.memory_space<vmem>>)
      %dma_wait3A_209 = arith.constant 0 : i32
      %dma_wait3A_210 = tpu.memref_slice %arg4[%dma_wait3A_209] : memref<320000xi32, #tpu.memory_space<hbm>> -> memref<80xi32, #tpu.memory_space<hbm>>
      %dma_wait3A_211 = arith.constant 0 : i32
      %dma_wait3A_212 = tpu.memref_slice %arg4[%dma_wait3A_211] : memref<320000xi32, #tpu.memory_space<hbm>> -> memref<80xi32, #tpu.memory_space<hbm>>
      tpu.wait_dma2 semaphore(%arg25 : memref<!tpu.dma_semaphore, #tpu.memory_space<semaphore_mem>>) src(%dma_wait3A_212 : memref<80xi32, #tpu.memory_space<hbm>>) dst(%arg18 : memref<80xi32, #tpu.memory_space<vmem>>)
      %dma_start3A_213 = arith.constant 0 : i32
      %dma_start3A_214 = arith.constant 0 : i32
      %dma_start3A_215 = tpu.memref_slice %arg2[%dma_start3A_213, %dma_start3A_214] : memref<10000x128xf32, #tpu.memory_space<hbm>> -> memref<10000x128xf32, #tpu.memory_space<hbm>>
      tpu.enqueue_indirect_dma source(%dma_start3A_215 : memref<10000x128xf32, #tpu.memory_space<hbm>>) target(%arg20 : memref<80x128xf32, #tpu.memory_space<vmem>>) offsets(%arg14 : memref<80xi32, #tpu.memory_space<vmem>>) semaphore(%arg27 : memref<!tpu.dma_semaphore, #tpu.memory_space<semaphore_mem>>)
      %mul3A_216 = arith.constant 4 : i32
      %mul3A_217 = arith.muli %mul3A_216, %scan3A_117 : i32
      %add3A_218 = arith.constant 3 : i32
      %add3A_219 = arith.addi %mul3A_217, %add3A_218 : i32
      %dma_wait3A_220 = arith.constant 0 : i32
      %dma_wait3A_221 = arith.constant 0 : i32
      %dma_wait3A_222 = tpu.memref_slice %arg2[%dma_wait3A_220, %dma_wait3A_221] : memref<10000x128xf32, #tpu.memory_space<hbm>> -> memref<10000x128xf32, #tpu.memory_space<hbm>>
      tpu.wait_indirect_dma semaphore(%arg27 : memref<!tpu.dma_semaphore, #tpu.memory_space<semaphore_mem>>) src(%dma_wait3A_222 : memref<10000x128xf32, #tpu.memory_space<hbm>>) dst(%arg20 : memref<80x128xf32, #tpu.memory_space<vmem>>)
      %dma_start3A_223 = arith.constant 0 : i32
      %dma_start3A_224 = arith.constant 0 : i32
      %dma_start3A_225 = tpu.memref_slice %arg21[%dma_start3A_223, %dma_start3A_224] : memref<10000x128xf32, #tpu.memory_space<vmem_shared>> -> memref<10000x128xf32, #tpu.memory_space<vmem_shared>>
      tpu.enqueue_indirect_dma source(%arg20 : memref<80x128xf32, #tpu.memory_space<vmem>>) target(%dma_start3A_225 : memref<10000x128xf32, #tpu.memory_space<vmem_shared>>) offsets(%arg18 : memref<80xi32, #tpu.memory_space<vmem>>) semaphore(%arg29 : memref<!tpu.dma_semaphore, #tpu.memory_space<semaphore_mem>>) {add = true}
      %dma_start3A_226 = arith.constant 0 : i32
      %dma_start3A_227 = tpu.memref_slice %arg31[%dma_start3A_226] : memref<10000xf32, #tpu.memory_space<vmem_shared>> -> memref<10000xf32, #tpu.memory_space<vmem_shared>>
      tpu.enqueue_indirect_dma source(%arg30 : memref<80xf32, #tpu.memory_space<vmem>>) target(%dma_start3A_227 : memref<10000xf32, #tpu.memory_space<vmem_shared>>) offsets(%arg18 : memref<80xi32, #tpu.memory_space<vmem>>) semaphore(%arg33 : memref<!tpu.dma_semaphore, #tpu.memory_space<semaphore_mem>>) {add = true}
      %dma_wait3A_228 = arith.constant 0 : i32
      %dma_wait3A_229 = arith.constant 0 : i32
      %dma_wait3A_230 = tpu.memref_slice %arg21[%dma_wait3A_228, %dma_wait3A_229] : memref<10000x128xf32, #tpu.memory_space<vmem_shared>> -> memref<10000x128xf32, #tpu.memory_space<vmem_shared>>
      tpu.wait_indirect_dma semaphore(%arg28 : memref<!tpu.dma_semaphore, #tpu.memory_space<semaphore_mem>>) src(%arg19 : memref<80x128xf32, #tpu.memory_space<vmem>>) dst(%dma_wait3A_230 : memref<10000x128xf32, #tpu.memory_space<vmem_shared>>)
      %dma_wait3A_231 = arith.constant 0 : i32
      %dma_wait3A_232 = tpu.memref_slice %arg31[%dma_wait3A_231] : memref<10000xf32, #tpu.memory_space<vmem_shared>> -> memref<10000xf32, #tpu.memory_space<vmem_shared>>
      tpu.wait_indirect_dma semaphore(%arg33 : memref<!tpu.dma_semaphore, #tpu.memory_space<semaphore_mem>>) src(%arg30 : memref<80xf32, #tpu.memory_space<vmem>>) dst(%dma_wait3A_232 : memref<10000xf32, #tpu.memory_space<vmem_shared>>)
      %add3A_233 = arith.constant 3 : i32
      %add3A_234 = arith.addi %add3A_219, %add3A_233 : i32
      %lt3A_235 = arith.constant 125 : i32
      %lt3A_236 = arith.cmpi slt, %add3A_234, %lt3A_235 : i32
      %convert_element_type3A_237 = arith.extui %lt3A_236 : i1 to i32
      %cond3A_238 = arith.constant 0 : i32
      %cond3A_239 = arith.cmpi ne, %convert_element_type3A_237, %cond3A_238 : i32
      scf.if %cond3A_239 {
        %add3A_251 = arith.constant 3 : i32
        %add3A_252 = arith.addi %add3A_219, %add3A_251 : i32
        %mul3A_253 = arith.constant 80 : i32
        %mul3A_254 = arith.muli %add3A_252, %mul3A_253 : i32
        %add3A_255 = arith.addi %mul3A_39, %mul3A_254 : i32
        %dma_start3A_256 = tpu.memref_slice %arg3[%add3A_255] : memref<320000xi32, #tpu.memory_space<hbm>> -> memref<80xi32, #tpu.memory_space<hbm>>
        %dma_start3A_257 = tpu.memref_slice %arg3[%add3A_255] : memref<320000xi32, #tpu.memory_space<hbm>> -> memref<80xi32, #tpu.memory_space<hbm>>
        tpu.enqueue_dma source(%dma_start3A_257 : memref<80xi32, #tpu.memory_space<hbm>>) target(%arg13 : memref<80xi32, #tpu.memory_space<vmem>>) target_semaphore(%arg24 : memref<!tpu.dma_semaphore, #tpu.memory_space<semaphore_mem>>)
        %dma_start3A_258 = tpu.memref_slice %arg4[%add3A_255] : memref<320000xi32, #tpu.memory_space<hbm>> -> memref<80xi32, #tpu.memory_space<hbm>>
        %dma_start3A_259 = tpu.memref_slice %arg4[%add3A_255] : memref<320000xi32, #tpu.memory_space<hbm>> -> memref<80xi32, #tpu.memory_space<hbm>>
        tpu.enqueue_dma source(%dma_start3A_259 : memref<80xi32, #tpu.memory_space<hbm>>) target(%arg17 : memref<80xi32, #tpu.memory_space<vmem>>) target_semaphore(%arg24 : memref<!tpu.dma_semaphore, #tpu.memory_space<semaphore_mem>>)
      } else {
      }
      %dma_wait3A_240 = arith.constant 0 : i32
      %dma_wait3A_241 = tpu.memref_slice %arg3[%dma_wait3A_240] : memref<320000xi32, #tpu.memory_space<hbm>> -> memref<80xi32, #tpu.memory_space<hbm>>
      %dma_wait3A_242 = arith.constant 0 : i32
      %dma_wait3A_243 = tpu.memref_slice %arg3[%dma_wait3A_242] : memref<320000xi32, #tpu.memory_space<hbm>> -> memref<80xi32, #tpu.memory_space<hbm>>
      tpu.wait_dma2 semaphore(%arg22 : memref<!tpu.dma_semaphore, #tpu.memory_space<semaphore_mem>>) src(%dma_wait3A_243 : memref<80xi32, #tpu.memory_space<hbm>>) dst(%arg11 : memref<80xi32, #tpu.memory_space<vmem>>)
      %dma_wait3A_244 = arith.constant 0 : i32
      %dma_wait3A_245 = tpu.memref_slice %arg4[%dma_wait3A_244] : memref<320000xi32, #tpu.memory_space<hbm>> -> memref<80xi32, #tpu.memory_space<hbm>>
      %dma_wait3A_246 = arith.constant 0 : i32
      %dma_wait3A_247 = tpu.memref_slice %arg4[%dma_wait3A_246] : memref<320000xi32, #tpu.memory_space<hbm>> -> memref<80xi32, #tpu.memory_space<hbm>>
      tpu.wait_dma2 semaphore(%arg22 : memref<!tpu.dma_semaphore, #tpu.memory_space<semaphore_mem>>) src(%dma_wait3A_247 : memref<80xi32, #tpu.memory_space<hbm>>) dst(%arg15 : memref<80xi32, #tpu.memory_space<vmem>>)
      %dma_start3A_248 = arith.constant 0 : i32
      %dma_start3A_249 = arith.constant 0 : i32
      %dma_start3A_250 = tpu.memref_slice %arg2[%dma_start3A_248, %dma_start3A_249] : memref<10000x128xf32, #tpu.memory_space<hbm>> -> memref<10000x128xf32, #tpu.memory_space<hbm>>
      tpu.enqueue_indirect_dma source(%dma_start3A_250 : memref<10000x128xf32, #tpu.memory_space<hbm>>) target(%arg19 : memref<80x128xf32, #tpu.memory_space<vmem>>) offsets(%arg11 : memref<80xi32, #tpu.memory_space<vmem>>) semaphore(%arg26 : memref<!tpu.dma_semaphore, #tpu.memory_space<semaphore_mem>>)
    }
    %scan3A_77 = arith.constant 31 : i32
    %dma_wait3A_78 = arith.constant 0 : i32
    %dma_wait3A_79 = arith.constant 0 : i32
    %dma_wait3A_80 = tpu.memref_slice %arg2[%dma_wait3A_78, %dma_wait3A_79] : memref<10000x128xf32, #tpu.memory_space<hbm>> -> memref<10000x128xf32, #tpu.memory_space<hbm>>
    tpu.wait_indirect_dma semaphore(%arg26 : memref<!tpu.dma_semaphore, #tpu.memory_space<semaphore_mem>>) src(%dma_wait3A_80 : memref<10000x128xf32, #tpu.memory_space<hbm>>) dst(%arg19 : memref<80x128xf32, #tpu.memory_space<vmem>>)
    %dma_start3A_81 = arith.constant 0 : i32
    %dma_start3A_82 = arith.constant 0 : i32
    %dma_start3A_83 = tpu.memref_slice %arg21[%dma_start3A_81, %dma_start3A_82] : memref<10000x128xf32, #tpu.memory_space<vmem_shared>> -> memref<10000x128xf32, #tpu.memory_space<vmem_shared>>
    tpu.enqueue_indirect_dma source(%arg19 : memref<80x128xf32, #tpu.memory_space<vmem>>) target(%dma_start3A_83 : memref<10000x128xf32, #tpu.memory_space<vmem_shared>>) offsets(%arg15 : memref<80xi32, #tpu.memory_space<vmem>>) semaphore(%arg28 : memref<!tpu.dma_semaphore, #tpu.memory_space<semaphore_mem>>) {add = true}
    %dma_start3A_84 = arith.constant 0 : i32
    %dma_start3A_85 = tpu.memref_slice %arg31[%dma_start3A_84] : memref<10000xf32, #tpu.memory_space<vmem_shared>> -> memref<10000xf32, #tpu.memory_space<vmem_shared>>
    tpu.enqueue_indirect_dma source(%arg30 : memref<80xf32, #tpu.memory_space<vmem>>) target(%dma_start3A_85 : memref<10000xf32, #tpu.memory_space<vmem_shared>>) offsets(%arg15 : memref<80xi32, #tpu.memory_space<vmem>>) semaphore(%arg33 : memref<!tpu.dma_semaphore, #tpu.memory_space<semaphore_mem>>) {add = true}
    %dma_wait3A_86 = arith.constant 0 : i32
    %dma_wait3A_87 = arith.constant 0 : i32
    %dma_wait3A_88 = tpu.memref_slice %arg21[%dma_wait3A_86, %dma_wait3A_87] : memref<10000x128xf32, #tpu.memory_space<vmem_shared>> -> memref<10000x128xf32, #tpu.memory_space<vmem_shared>>
    tpu.wait_indirect_dma semaphore(%arg29 : memref<!tpu.dma_semaphore, #tpu.memory_space<semaphore_mem>>) src(%arg20 : memref<80x128xf32, #tpu.memory_space<vmem>>) dst(%dma_wait3A_88 : memref<10000x128xf32, #tpu.memory_space<vmem_shared>>)
    %dma_wait3A_89 = arith.constant 0 : i32
    %dma_wait3A_90 = arith.constant 0 : i32
    %dma_wait3A_91 = tpu.memref_slice %arg21[%dma_wait3A_89, %dma_wait3A_90] : memref<10000x128xf32, #tpu.memory_space<vmem_shared>> -> memref<10000x128xf32, #tpu.memory_space<vmem_shared>>
    tpu.wait_indirect_dma semaphore(%arg28 : memref<!tpu.dma_semaphore, #tpu.memory_space<semaphore_mem>>) src(%arg19 : memref<80x128xf32, #tpu.memory_space<vmem>>) dst(%dma_wait3A_91 : memref<10000x128xf32, #tpu.memory_space<vmem_shared>>)
    %dma_wait3A_92 = arith.constant 0 : i32
    %dma_wait3A_93 = tpu.memref_slice %arg31[%dma_wait3A_92] : memref<10000xf32, #tpu.memory_space<vmem_shared>> -> memref<10000xf32, #tpu.memory_space<vmem_shared>>
    tpu.wait_indirect_dma semaphore(%arg33 : memref<!tpu.dma_semaphore, #tpu.memory_space<semaphore_mem>>) src(%arg30 : memref<80xf32, #tpu.memory_space<vmem>>) dst(%dma_wait3A_93 : memref<10000xf32, #tpu.memory_space<vmem_shared>>)
    %dma_wait3A_94 = arith.constant 0 : i32
    %dma_wait3A_95 = tpu.memref_slice %arg31[%dma_wait3A_94] : memref<10000xf32, #tpu.memory_space<vmem_shared>> -> memref<10000xf32, #tpu.memory_space<vmem_shared>>
    tpu.wait_indirect_dma semaphore(%arg33 : memref<!tpu.dma_semaphore, #tpu.memory_space<semaphore_mem>>) src(%arg30 : memref<80xf32, #tpu.memory_space<vmem>>) dst(%dma_wait3A_95 : memref<10000xf32, #tpu.memory_space<vmem_shared>>)
    %barrier3A_96 = arith.constant 0 : index
    tpu.barrier barrier_id(%barrier3A_96)
    %eq3A_97 = arith.constant 0 : i32
    %eq3A_98 = arith.cmpi eq, %arg0, %eq3A_97 : i32
    %convert_element_type3A_99 = arith.extui %eq3A_98 : i1 to i32
    %cond3A_100 = arith.constant 0 : i32
    %cond3A_101 = arith.cmpi ne, %convert_element_type3A_99, %cond3A_100 : i32
    scf.if %cond3A_101 {
      "tpu.region"() ({
        %run_scoped3A = tpu.sem_alloc : memref<!tpu.dma_semaphore, #tpu.memory_space<semaphore_mem>>
        %dma_start3A_122 = arith.constant 0 : i32
        %dma_start3A_123 = tpu.memref_slice %arg7[%mul3A_0, %dma_start3A_122] : memref<10000x128xf32, #tpu.memory_space<hbm>> -> memref<624x128xf32, #tpu.memory_space<hbm>>
        %dma_start3A_124 = arith.constant 0 : i32
        %dma_start3A_125 = tpu.memref_slice %arg21[%mul3A_0, %dma_start3A_124] : memref<10000x128xf32, #tpu.memory_space<vmem_shared>> -> memref<624x128xf32, #tpu.memory_space<vmem_shared>>
        tpu.enqueue_dma source(%dma_start3A_125 : memref<624x128xf32, #tpu.memory_space<vmem_shared>>) target(%dma_start3A_123 : memref<624x128xf32, #tpu.memory_space<hbm>>) target_semaphore(%run_scoped3A : memref<!tpu.dma_semaphore, #tpu.memory_space<semaphore_mem>>)
        %dma_wait3A_126 = arith.constant 0 : i32
        %dma_wait3A_127 = tpu.memref_slice %arg7[%mul3A_0, %dma_wait3A_126] : memref<10000x128xf32, #tpu.memory_space<hbm>> -> memref<624x128xf32, #tpu.memory_space<hbm>>
        %dma_wait3A_128 = arith.constant 0 : i32
        %dma_wait3A_129 = tpu.memref_slice %arg21[%mul3A_0, %dma_wait3A_128] : memref<10000x128xf32, #tpu.memory_space<vmem_shared>> -> memref<624x128xf32, #tpu.memory_space<vmem_shared>>
        tpu.wait_dma2 semaphore(%run_scoped3A : memref<!tpu.dma_semaphore, #tpu.memory_space<semaphore_mem>>) src(%dma_wait3A_129 : memref<624x128xf32, #tpu.memory_space<vmem_shared>>) dst(%dma_wait3A_127 : memref<624x128xf32, #tpu.memory_space<hbm>>)
        tpu.yield
      }) : () -> ()
      %eq3A_117 = arith.constant 15 : i32
      %eq3A_118 = arith.cmpi eq, %arg1, %eq3A_117 : i32
      %convert_element_type3A_119 = arith.extui %eq3A_118 : i1 to i32
      %cond3A_120 = arith.constant 0 : i32
      %cond3A_121 = arith.cmpi ne, %convert_element_type3A_119, %cond3A_120 : i32
      scf.if %cond3A_121 {
        "tpu.region"() ({
          %run_scoped3A = tpu.sem_alloc : memref<!tpu.dma_semaphore, #tpu.memory_space<semaphore_mem>>
          %dma_start3A_122 = arith.constant 9984 : i32
          %dma_start3A_123 = arith.constant 0 : i32
          %dma_start3A_124 = tpu.memref_slice %arg7[%dma_start3A_122, %dma_start3A_123] : memref<10000x128xf32, #tpu.memory_space<hbm>> -> memref<16x128xf32, #tpu.memory_space<hbm>>
          %dma_start3A_125 = arith.constant 9984 : i32
          %dma_start3A_126 = arith.constant 0 : i32
          %dma_start3A_127 = tpu.memref_slice %arg21[%dma_start3A_125, %dma_start3A_126] : memref<10000x128xf32, #tpu.memory_space<vmem_shared>> -> memref<16x128xf32, #tpu.memory_space<vmem_shared>>
          tpu.enqueue_dma source(%dma_start3A_127 : memref<16x128xf32, #tpu.memory_space<vmem_shared>>) target(%dma_start3A_124 : memref<16x128xf32, #tpu.memory_space<hbm>>) target_semaphore(%run_scoped3A : memref<!tpu.dma_semaphore, #tpu.memory_space<semaphore_mem>>)
          %dma_wait3A_128 = arith.constant 9984 : i32
          %dma_wait3A_129 = arith.constant 0 : i32
          %dma_wait3A_130 = tpu.memref_slice %arg7[%dma_wait3A_128, %dma_wait3A_129] : memref<10000x128xf32, #tpu.memory_space<hbm>> -> memref<16x128xf32, #tpu.memory_space<hbm>>
          %dma_wait3A_131 = arith.constant 9984 : i32
          %dma_wait3A_132 = arith.constant 0 : i32
          %dma_wait3A_133 = tpu.memref_slice %arg21[%dma_wait3A_131, %dma_wait3A_132] : memref<10000x128xf32, #tpu.memory_space<vmem_shared>> -> memref<16x128xf32, #tpu.memory_space<vmem_shared>>
          tpu.wait_dma2 semaphore(%run_scoped3A : memref<!tpu.dma_semaphore, #tpu.memory_space<semaphore_mem>>) src(%dma_wait3A_133 : memref<16x128xf32, #tpu.memory_space<vmem_shared>>) dst(%dma_wait3A_130 : memref<16x128xf32, #tpu.memory_space<hbm>>)
          tpu.yield
        }) : () -> ()
      } else {
      }
    } else {
    }
    %eq3A_102 = arith.constant 1 : i32
    %eq3A_103 = arith.cmpi eq, %arg0, %eq3A_102 : i32
    %convert_element_type3A_104 = arith.extui %eq3A_103 : i1 to i32
    %cond3A_105 = arith.constant 0 : i32
    %cond3A_106 = arith.cmpi ne, %convert_element_type3A_104, %cond3A_105 : i32
    scf.if %cond3A_106 {
      "tpu.region"() ({
        %run_scoped3A = tpu.sem_alloc : memref<!tpu.dma_semaphore, #tpu.memory_space<semaphore_mem>>
        %dma_start3A_122 = arith.constant 0 : i32
        %dma_start3A_123 = tpu.memref_slice %arg8[%mul3A_0, %dma_start3A_122] : memref<10000x128xf32, #tpu.memory_space<hbm>> -> memref<624x128xf32, #tpu.memory_space<hbm>>
        %dma_start3A_124 = arith.constant 0 : i32
        %dma_start3A_125 = tpu.memref_slice %arg21[%mul3A_0, %dma_start3A_124] : memref<10000x128xf32, #tpu.memory_space<vmem_shared>> -> memref<624x128xf32, #tpu.memory_space<vmem_shared>>
        tpu.enqueue_dma source(%dma_start3A_125 : memref<624x128xf32, #tpu.memory_space<vmem_shared>>) target(%dma_start3A_123 : memref<624x128xf32, #tpu.memory_space<hbm>>) target_semaphore(%run_scoped3A : memref<!tpu.dma_semaphore, #tpu.memory_space<semaphore_mem>>)
        %dma_wait3A_126 = arith.constant 0 : i32
        %dma_wait3A_127 = tpu.memref_slice %arg8[%mul3A_0, %dma_wait3A_126] : memref<10000x128xf32, #tpu.memory_space<hbm>> -> memref<624x128xf32, #tpu.memory_space<hbm>>
        %dma_wait3A_128 = arith.constant 0 : i32
        %dma_wait3A_129 = tpu.memref_slice %arg21[%mul3A_0, %dma_wait3A_128] : memref<10000x128xf32, #tpu.memory_space<vmem_shared>> -> memref<624x128xf32, #tpu.memory_space<vmem_shared>>
        tpu.wait_dma2 semaphore(%run_scoped3A : memref<!tpu.dma_semaphore, #tpu.memory_space<semaphore_mem>>) src(%dma_wait3A_129 : memref<624x128xf32, #tpu.memory_space<vmem_shared>>) dst(%dma_wait3A_127 : memref<624x128xf32, #tpu.memory_space<hbm>>)
        tpu.yield
      }) : () -> ()
      %eq3A_117 = arith.constant 15 : i32
      %eq3A_118 = arith.cmpi eq, %arg1, %eq3A_117 : i32
      %convert_element_type3A_119 = arith.extui %eq3A_118 : i1 to i32
      %cond3A_120 = arith.constant 0 : i32
      %cond3A_121 = arith.cmpi ne, %convert_element_type3A_119, %cond3A_120 : i32
      scf.if %cond3A_121 {
        "tpu.region"() ({
          %run_scoped3A = tpu.sem_alloc : memref<!tpu.dma_semaphore, #tpu.memory_space<semaphore_mem>>
          %dma_start3A_122 = arith.constant 9984 : i32
          %dma_start3A_123 = arith.constant 0 : i32
          %dma_start3A_124 = tpu.memref_slice %arg8[%dma_start3A_122, %dma_start3A_123] : memref<10000x128xf32, #tpu.memory_space<hbm>> -> memref<16x128xf32, #tpu.memory_space<hbm>>
          %dma_start3A_125 = arith.constant 9984 : i32
          %dma_start3A_126 = arith.constant 0 : i32
          %dma_start3A_127 = tpu.memref_slice %arg21[%dma_start3A_125, %dma_start3A_126] : memref<10000x128xf32, #tpu.memory_space<vmem_shared>> -> memref<16x128xf32, #tpu.memory_space<vmem_shared>>
          tpu.enqueue_dma source(%dma_start3A_127 : memref<16x128xf32, #tpu.memory_space<vmem_shared>>) target(%dma_start3A_124 : memref<16x128xf32, #tpu.memory_space<hbm>>) target_semaphore(%run_scoped3A : memref<!tpu.dma_semaphore, #tpu.memory_space<semaphore_mem>>)
          %dma_wait3A_128 = arith.constant 9984 : i32
          %dma_wait3A_129 = arith.constant 0 : i32
          %dma_wait3A_130 = tpu.memref_slice %arg8[%dma_wait3A_128, %dma_wait3A_129] : memref<10000x128xf32, #tpu.memory_space<hbm>> -> memref<16x128xf32, #tpu.memory_space<hbm>>
          %dma_wait3A_131 = arith.constant 9984 : i32
          %dma_wait3A_132 = arith.constant 0 : i32
          %dma_wait3A_133 = tpu.memref_slice %arg21[%dma_wait3A_131, %dma_wait3A_132] : memref<10000x128xf32, #tpu.memory_space<vmem_shared>> -> memref<16x128xf32, #tpu.memory_space<vmem_shared>>
          tpu.wait_dma2 semaphore(%run_scoped3A : memref<!tpu.dma_semaphore, #tpu.memory_space<semaphore_mem>>) src(%dma_wait3A_133 : memref<16x128xf32, #tpu.memory_space<vmem_shared>>) dst(%dma_wait3A_130 : memref<16x128xf32, #tpu.memory_space<hbm>>)
          tpu.yield
        }) : () -> ()
      } else {
      }
    } else {
    }
    %eq3A_107 = arith.constant 0 : i32
    %eq3A_108 = arith.cmpi eq, %arg0, %eq3A_107 : i32
    %convert_element_type3A_109 = arith.extui %eq3A_108 : i1 to i32
    %cond3A_110 = arith.constant 0 : i32
    %cond3A_111 = arith.cmpi ne, %convert_element_type3A_109, %cond3A_110 : i32
    scf.if %cond3A_111 {
      "tpu.region"() ({
        %run_scoped3A = tpu.sem_alloc : memref<!tpu.dma_semaphore, #tpu.memory_space<semaphore_mem>>
        %dma_start3A_122 = tpu.memref_slice %arg31[%mul3A_0] : memref<10000xf32, #tpu.memory_space<vmem_shared>> -> memref<624xf32, #tpu.memory_space<vmem_shared>>
        %dma_start3A_123 = tpu.memref_slice %arg31[%mul3A_0] : memref<10000xf32, #tpu.memory_space<vmem_shared>> -> memref<624xf32, #tpu.memory_space<vmem_shared>>
        tpu.enqueue_dma source(%dma_start3A_123 : memref<624xf32, #tpu.memory_space<vmem_shared>>) target(%arg32 : memref<624xf32, #tpu.memory_space<vmem>>) target_semaphore(%run_scoped3A : memref<!tpu.dma_semaphore, #tpu.memory_space<semaphore_mem>>)
        %dma_wait3A_124 = tpu.memref_slice %arg31[%mul3A_0] : memref<10000xf32, #tpu.memory_space<vmem_shared>> -> memref<624xf32, #tpu.memory_space<vmem_shared>>
        %dma_wait3A_125 = tpu.memref_slice %arg31[%mul3A_0] : memref<10000xf32, #tpu.memory_space<vmem_shared>> -> memref<624xf32, #tpu.memory_space<vmem_shared>>
        tpu.wait_dma2 semaphore(%run_scoped3A : memref<!tpu.dma_semaphore, #tpu.memory_space<semaphore_mem>>) src(%dma_wait3A_125 : memref<624xf32, #tpu.memory_space<vmem_shared>>) dst(%arg32 : memref<624xf32, #tpu.memory_space<vmem>>)
        tpu.yield
      }) : () -> ()
      "tpu.region"() ({
        %run_scoped3A = tpu.sem_alloc : memref<!tpu.dma_semaphore, #tpu.memory_space<semaphore_mem>>
        %dma_start3A_122 = tpu.memref_slice %arg9[%mul3A_0] : memref<10000xf32, #tpu.memory_space<hbm>> -> memref<624xf32, #tpu.memory_space<hbm>>
        %dma_start3A_123 = tpu.memref_slice %arg9[%mul3A_0] : memref<10000xf32, #tpu.memory_space<hbm>> -> memref<624xf32, #tpu.memory_space<hbm>>
        tpu.enqueue_dma source(%arg32 : memref<624xf32, #tpu.memory_space<vmem>>) target(%dma_start3A_123 : memref<624xf32, #tpu.memory_space<hbm>>) target_semaphore(%run_scoped3A : memref<!tpu.dma_semaphore, #tpu.memory_space<semaphore_mem>>)
        %dma_wait3A_124 = tpu.memref_slice %arg9[%mul3A_0] : memref<10000xf32, #tpu.memory_space<hbm>> -> memref<624xf32, #tpu.memory_space<hbm>>
        %dma_wait3A_125 = tpu.memref_slice %arg9[%mul3A_0] : memref<10000xf32, #tpu.memory_space<hbm>> -> memref<624xf32, #tpu.memory_space<hbm>>
        tpu.wait_dma2 semaphore(%run_scoped3A : memref<!tpu.dma_semaphore, #tpu.memory_space<semaphore_mem>>) src(%arg32 : memref<624xf32, #tpu.memory_space<vmem>>) dst(%dma_wait3A_125 : memref<624xf32, #tpu.memory_space<hbm>>)
        tpu.yield
      }) : () -> ()
      %eq3A_117 = arith.constant 15 : i32
      %eq3A_118 = arith.cmpi eq, %arg1, %eq3A_117 : i32
      %convert_element_type3A_119 = arith.extui %eq3A_118 : i1 to i32
      %cond3A_120 = arith.constant 0 : i32
      %cond3A_121 = arith.cmpi ne, %convert_element_type3A_119, %cond3A_120 : i32
      scf.if %cond3A_121 {
        "tpu.region"() ({
          %run_scoped3A = tpu.sem_alloc : memref<!tpu.dma_semaphore, #tpu.memory_space<semaphore_mem>>
          %dma_start3A_122 = arith.constant 0 : i32
          %dma_start3A_123 = tpu.memref_slice %arg32[%dma_start3A_122] : memref<624xf32, #tpu.memory_space<vmem>> -> memref<16xf32, #tpu.memory_space<vmem>>
          %dma_start3A_124 = arith.constant 9984 : i32
          %dma_start3A_125 = tpu.memref_slice %arg31[%dma_start3A_124] : memref<10000xf32, #tpu.memory_space<vmem_shared>> -> memref<16xf32, #tpu.memory_space<vmem_shared>>
          %dma_start3A_126 = arith.constant 0 : i32
          %dma_start3A_127 = tpu.memref_slice %arg32[%dma_start3A_126] : memref<624xf32, #tpu.memory_space<vmem>> -> memref<16xf32, #tpu.memory_space<vmem>>
          %dma_start3A_128 = arith.constant 9984 : i32
          %dma_start3A_129 = tpu.memref_slice %arg31[%dma_start3A_128] : memref<10000xf32, #tpu.memory_space<vmem_shared>> -> memref<16xf32, #tpu.memory_space<vmem_shared>>
          tpu.enqueue_dma source(%dma_start3A_129 : memref<16xf32, #tpu.memory_space<vmem_shared>>) target(%dma_start3A_127 : memref<16xf32, #tpu.memory_space<vmem>>) target_semaphore(%run_scoped3A : memref<!tpu.dma_semaphore, #tpu.memory_space<semaphore_mem>>)
          %dma_wait3A_130 = arith.constant 0 : i32
          %dma_wait3A_131 = tpu.memref_slice %arg32[%dma_wait3A_130] : memref<624xf32, #tpu.memory_space<vmem>> -> memref<16xf32, #tpu.memory_space<vmem>>
          %dma_wait3A_132 = arith.constant 9984 : i32
          %dma_wait3A_133 = tpu.memref_slice %arg31[%dma_wait3A_132] : memref<10000xf32, #tpu.memory_space<vmem_shared>> -> memref<16xf32, #tpu.memory_space<vmem_shared>>
          %dma_wait3A_134 = arith.constant 0 : i32
          %dma_wait3A_135 = tpu.memref_slice %arg32[%dma_wait3A_134] : memref<624xf32, #tpu.memory_space<vmem>> -> memref<16xf32, #tpu.memory_space<vmem>>
          %dma_wait3A_136 = arith.constant 9984 : i32
          %dma_wait3A_137 = tpu.memref_slice %arg31[%dma_wait3A_136] : memref<10000xf32, #tpu.memory_space<vmem_shared>> -> memref<16xf32, #tpu.memory_space<vmem_shared>>
          tpu.wait_dma2 semaphore(%run_scoped3A : memref<!tpu.dma_semaphore, #tpu.memory_space<semaphore_mem>>) src(%dma_wait3A_137 : memref<16xf32, #tpu.memory_space<vmem_shared>>) dst(%dma_wait3A_135 : memref<16xf32, #tpu.memory_space<vmem>>)
          tpu.yield
        }) : () -> ()
        "tpu.region"() ({
          %run_scoped3A = tpu.sem_alloc : memref<!tpu.dma_semaphore, #tpu.memory_space<semaphore_mem>>
          %dma_start3A_122 = arith.constant 0 : i32
          %dma_start3A_123 = tpu.memref_slice %arg32[%dma_start3A_122] : memref<624xf32, #tpu.memory_space<vmem>> -> memref<16xf32, #tpu.memory_space<vmem>>
          %dma_start3A_124 = arith.constant 9984 : i32
          %dma_start3A_125 = tpu.memref_slice %arg9[%dma_start3A_124] : memref<10000xf32, #tpu.memory_space<hbm>> -> memref<16xf32, #tpu.memory_space<hbm>>
          %dma_start3A_126 = arith.constant 9984 : i32
          %dma_start3A_127 = tpu.memref_slice %arg9[%dma_start3A_126] : memref<10000xf32, #tpu.memory_space<hbm>> -> memref<16xf32, #tpu.memory_space<hbm>>
          %dma_start3A_128 = arith.constant 0 : i32
          %dma_start3A_129 = tpu.memref_slice %arg32[%dma_start3A_128] : memref<624xf32, #tpu.memory_space<vmem>> -> memref<16xf32, #tpu.memory_space<vmem>>
          tpu.enqueue_dma source(%dma_start3A_129 : memref<16xf32, #tpu.memory_space<vmem>>) target(%dma_start3A_127 : memref<16xf32, #tpu.memory_space<hbm>>) target_semaphore(%run_scoped3A : memref<!tpu.dma_semaphore, #tpu.memory_space<semaphore_mem>>)
          %dma_wait3A_130 = arith.constant 0 : i32
          %dma_wait3A_131 = tpu.memref_slice %arg32[%dma_wait3A_130] : memref<624xf32, #tpu.memory_space<vmem>> -> memref<16xf32, #tpu.memory_space<vmem>>
          %dma_wait3A_132 = arith.constant 9984 : i32
          %dma_wait3A_133 = tpu.memref_slice %arg9[%dma_wait3A_132] : memref<10000xf32, #tpu.memory_space<hbm>> -> memref<16xf32, #tpu.memory_space<hbm>>
          %dma_wait3A_134 = arith.constant 9984 : i32
          %dma_wait3A_135 = tpu.memref_slice %arg9[%dma_wait3A_134] : memref<10000xf32, #tpu.memory_space<hbm>> -> memref<16xf32, #tpu.memory_space<hbm>>
          %dma_wait3A_136 = arith.constant 0 : i32
          %dma_wait3A_137 = tpu.memref_slice %arg32[%dma_wait3A_136] : memref<624xf32, #tpu.memory_space<vmem>> -> memref<16xf32, #tpu.memory_space<vmem>>
          tpu.wait_dma2 semaphore(%run_scoped3A : memref<!tpu.dma_semaphore, #tpu.memory_space<semaphore_mem>>) src(%dma_wait3A_137 : memref<16xf32, #tpu.memory_space<vmem>>) dst(%dma_wait3A_135 : memref<16xf32, #tpu.memory_space<hbm>>)
          tpu.yield
        }) : () -> ()
      } else {
      }
    } else {
    }
    %eq3A_112 = arith.constant 1 : i32
    %eq3A_113 = arith.cmpi eq, %arg0, %eq3A_112 : i32
    %convert_element_type3A_114 = arith.extui %eq3A_113 : i1 to i32
    %cond3A_115 = arith.constant 0 : i32
    %cond3A_116 = arith.cmpi ne, %convert_element_type3A_114, %cond3A_115 : i32
    scf.if %cond3A_116 {
      "tpu.region"() ({
        %run_scoped3A = tpu.sem_alloc : memref<!tpu.dma_semaphore, #tpu.memory_space<semaphore_mem>>
        %dma_start3A_122 = tpu.memref_slice %arg31[%mul3A_0] : memref<10000xf32, #tpu.memory_space<vmem_shared>> -> memref<624xf32, #tpu.memory_space<vmem_shared>>
        %dma_start3A_123 = tpu.memref_slice %arg31[%mul3A_0] : memref<10000xf32, #tpu.memory_space<vmem_shared>> -> memref<624xf32, #tpu.memory_space<vmem_shared>>
        tpu.enqueue_dma source(%dma_start3A_123 : memref<624xf32, #tpu.memory_space<vmem_shared>>) target(%arg32 : memref<624xf32, #tpu.memory_space<vmem>>) target_semaphore(%run_scoped3A : memref<!tpu.dma_semaphore, #tpu.memory_space<semaphore_mem>>)
        %dma_wait3A_124 = tpu.memref_slice %arg31[%mul3A_0] : memref<10000xf32, #tpu.memory_space<vmem_shared>> -> memref<624xf32, #tpu.memory_space<vmem_shared>>
        %dma_wait3A_125 = tpu.memref_slice %arg31[%mul3A_0] : memref<10000xf32, #tpu.memory_space<vmem_shared>> -> memref<624xf32, #tpu.memory_space<vmem_shared>>
        tpu.wait_dma2 semaphore(%run_scoped3A : memref<!tpu.dma_semaphore, #tpu.memory_space<semaphore_mem>>) src(%dma_wait3A_125 : memref<624xf32, #tpu.memory_space<vmem_shared>>) dst(%arg32 : memref<624xf32, #tpu.memory_space<vmem>>)
        tpu.yield
      }) : () -> ()
      "tpu.region"() ({
        %run_scoped3A = tpu.sem_alloc : memref<!tpu.dma_semaphore, #tpu.memory_space<semaphore_mem>>
        %dma_start3A_122 = tpu.memref_slice %arg10[%mul3A_0] : memref<10000xf32, #tpu.memory_space<hbm>> -> memref<624xf32, #tpu.memory_space<hbm>>
        %dma_start3A_123 = tpu.memref_slice %arg10[%mul3A_0] : memref<10000xf32, #tpu.memory_space<hbm>> -> memref<624xf32, #tpu.memory_space<hbm>>
        tpu.enqueue_dma source(%arg32 : memref<624xf32, #tpu.memory_space<vmem>>) target(%dma_start3A_123 : memref<624xf32, #tpu.memory_space<hbm>>) target_semaphore(%run_scoped3A : memref<!tpu.dma_semaphore, #tpu.memory_space<semaphore_mem>>)
        %dma_wait3A_124 = tpu.memref_slice %arg10[%mul3A_0] : memref<10000xf32, #tpu.memory_space<hbm>> -> memref<624xf32, #tpu.memory_space<hbm>>
        %dma_wait3A_125 = tpu.memref_slice %arg10[%mul3A_0] : memref<10000xf32, #tpu.memory_space<hbm>> -> memref<624xf32, #tpu.memory_space<hbm>>
        tpu.wait_dma2 semaphore(%run_scoped3A : memref<!tpu.dma_semaphore, #tpu.memory_space<semaphore_mem>>) src(%arg32 : memref<624xf32, #tpu.memory_space<vmem>>) dst(%dma_wait3A_125 : memref<624xf32, #tpu.memory_space<hbm>>)
        tpu.yield
      }) : () -> ()
      %eq3A_117 = arith.constant 15 : i32
      %eq3A_118 = arith.cmpi eq, %arg1, %eq3A_117 : i32
      %convert_element_type3A_119 = arith.extui %eq3A_118 : i1 to i32
      %cond3A_120 = arith.constant 0 : i32
      %cond3A_121 = arith.cmpi ne, %convert_element_type3A_119, %cond3A_120 : i32
      scf.if %cond3A_121 {
        "tpu.region"() ({
          %run_scoped3A = tpu.sem_alloc : memref<!tpu.dma_semaphore, #tpu.memory_space<semaphore_mem>>
          %dma_start3A_122 = arith.constant 0 : i32
          %dma_start3A_123 = tpu.memref_slice %arg32[%dma_start3A_122] : memref<624xf32, #tpu.memory_space<vmem>> -> memref<16xf32, #tpu.memory_space<vmem>>
          %dma_start3A_124 = arith.constant 9984 : i32
          %dma_start3A_125 = tpu.memref_slice %arg31[%dma_start3A_124] : memref<10000xf32, #tpu.memory_space<vmem_shared>> -> memref<16xf32, #tpu.memory_space<vmem_shared>>
          %dma_start3A_126 = arith.constant 0 : i32
          %dma_start3A_127 = tpu.memref_slice %arg32[%dma_start3A_126] : memref<624xf32, #tpu.memory_space<vmem>> -> memref<16xf32, #tpu.memory_space<vmem>>
          %dma_start3A_128 = arith.constant 9984 : i32
          %dma_start3A_129 = tpu.memref_slice %arg31[%dma_start3A_128] : memref<10000xf32, #tpu.memory_space<vmem_shared>> -> memref<16xf32, #tpu.memory_space<vmem_shared>>
          tpu.enqueue_dma source(%dma_start3A_129 : memref<16xf32, #tpu.memory_space<vmem_shared>>) target(%dma_start3A_127 : memref<16xf32, #tpu.memory_space<vmem>>) target_semaphore(%run_scoped3A : memref<!tpu.dma_semaphore, #tpu.memory_space<semaphore_mem>>)
          %dma_wait3A_130 = arith.constant 0 : i32
          %dma_wait3A_131 = tpu.memref_slice %arg32[%dma_wait3A_130] : memref<624xf32, #tpu.memory_space<vmem>> -> memref<16xf32, #tpu.memory_space<vmem>>
          %dma_wait3A_132 = arith.constant 9984 : i32
          %dma_wait3A_133 = tpu.memref_slice %arg31[%dma_wait3A_132] : memref<10000xf32, #tpu.memory_space<vmem_shared>> -> memref<16xf32, #tpu.memory_space<vmem_shared>>
          %dma_wait3A_134 = arith.constant 0 : i32
          %dma_wait3A_135 = tpu.memref_slice %arg32[%dma_wait3A_134] : memref<624xf32, #tpu.memory_space<vmem>> -> memref<16xf32, #tpu.memory_space<vmem>>
          %dma_wait3A_136 = arith.constant 9984 : i32
          %dma_wait3A_137 = tpu.memref_slice %arg31[%dma_wait3A_136] : memref<10000xf32, #tpu.memory_space<vmem_shared>> -> memref<16xf32, #tpu.memory_space<vmem_shared>>
          tpu.wait_dma2 semaphore(%run_scoped3A : memref<!tpu.dma_semaphore, #tpu.memory_space<semaphore_mem>>) src(%dma_wait3A_137 : memref<16xf32, #tpu.memory_space<vmem_shared>>) dst(%dma_wait3A_135 : memref<16xf32, #tpu.memory_space<vmem>>)
          tpu.yield
        }) : () -> ()
        "tpu.region"() ({
          %run_scoped3A = tpu.sem_alloc : memref<!tpu.dma_semaphore, #tpu.memory_space<semaphore_mem>>
          %dma_start3A_122 = arith.constant 0 : i32
          %dma_start3A_123 = tpu.memref_slice %arg32[%dma_start3A_122] : memref<624xf32, #tpu.memory_space<vmem>> -> memref<16xf32, #tpu.memory_space<vmem>>
          %dma_start3A_124 = arith.constant 9984 : i32
          %dma_start3A_125 = tpu.memref_slice %arg10[%dma_start3A_124] : memref<10000xf32, #tpu.memory_space<hbm>> -> memref<16xf32, #tpu.memory_space<hbm>>
          %dma_start3A_126 = arith.constant 9984 : i32
          %dma_start3A_127 = tpu.memref_slice %arg10[%dma_start3A_126] : memref<10000xf32, #tpu.memory_space<hbm>> -> memref<16xf32, #tpu.memory_space<hbm>>
          %dma_start3A_128 = arith.constant 0 : i32
          %dma_start3A_129 = tpu.memref_slice %arg32[%dma_start3A_128] : memref<624xf32, #tpu.memory_space<vmem>> -> memref<16xf32, #tpu.memory_space<vmem>>
          tpu.enqueue_dma source(%dma_start3A_129 : memref<16xf32, #tpu.memory_space<vmem>>) target(%dma_start3A_127 : memref<16xf32, #tpu.memory_space<hbm>>) target_semaphore(%run_scoped3A : memref<!tpu.dma_semaphore, #tpu.memory_space<semaphore_mem>>)
          %dma_wait3A_130 = arith.constant 0 : i32
          %dma_wait3A_131 = tpu.memref_slice %arg32[%dma_wait3A_130] : memref<624xf32, #tpu.memory_space<vmem>> -> memref<16xf32, #tpu.memory_space<vmem>>
          %dma_wait3A_132 = arith.constant 9984 : i32
          %dma_wait3A_133 = tpu.memref_slice %arg10[%dma_wait3A_132] : memref<10000xf32, #tpu.memory_space<hbm>> -> memref<16xf32, #tpu.memory_space<hbm>>
          %dma_wait3A_134 = arith.constant 9984 : i32
          %dma_wait3A_135 = tpu.memref_slice %arg10[%dma_wait3A_134] : memref<10000xf32, #tpu.memory_space<hbm>> -> memref<16xf32, #tpu.memory_space<hbm>>
          %dma_wait3A_136 = arith.constant 0 : i32
          %dma_wait3A_137 = tpu.memref_slice %arg32[%dma_wait3A_136] : memref<624xf32, #tpu.memory_space<vmem>> -> memref<16xf32, #tpu.memory_space<vmem>>
          tpu.wait_dma2 semaphore(%run_scoped3A : memref<!tpu.dma_semaphore, #tpu.memory_space<semaphore_mem>>) src(%dma_wait3A_137 : memref<16xf32, #tpu.memory_space<vmem>>) dst(%dma_wait3A_135 : memref<16xf32, #tpu.memory_space<hbm>>)
          tpu.yield
        }) : () -> ()
      } else {
      }
    } else {
    }
    return
  }
}

#map = affine_map<(d0, d1) -> (0, 0)>
#map1 = affine_map<(d0, d1) -> (0)>
module attributes {stable_mosaic.version = 14 : i64} {
  func.func @body(%arg0: i32, %arg1: i32, %arg2: memref<10000x128xf32, #tpu.memory_space<hbm>>, %arg3: memref<320000xi32, #tpu.memory_space<hbm>>, %arg4: memref<320000xi32, #tpu.memory_space<hbm>>, %arg5: memref<10000x128xf32, #tpu.memory_space<hbm>>, %arg6: memref<10000x128xf32, #tpu.memory_space<hbm>>, %arg7: memref<10000x128xf32, #tpu.memory_space<hbm>>, %arg8: memref<80xi32, #tpu.memory_space<vmem>>, %arg9: memref<80xi32, #tpu.memory_space<vmem>>, %arg10: memref<80xi32, #tpu.memory_space<vmem>>, %arg11: memref<80xi32, #tpu.memory_space<vmem>>, %arg12: memref<80xi32, #tpu.memory_space<vmem>>, %arg13: memref<80xi32, #tpu.memory_space<vmem>>, %arg14: memref<80xi32, #tpu.memory_space<vmem>>, %arg15: memref<80xi32, #tpu.memory_space<vmem>>, %arg16: memref<80x128xf32, #tpu.memory_space<vmem>>, %arg17: memref<80x128xf32, #tpu.memory_space<vmem>>, %arg18: memref<10000x128xf32, #tpu.memory_space<vmem_shared>>, %arg19: memref<!tpu.dma_semaphore, #tpu.memory_space<semaphore_mem>>, %arg20: memref<!tpu.dma_semaphore, #tpu.memory_space<semaphore_mem>>, %arg21: memref<!tpu.dma_semaphore, #tpu.memory_space<semaphore_mem>>, %arg22: memref<!tpu.dma_semaphore, #tpu.memory_space<semaphore_mem>>, %arg23: memref<!tpu.dma_semaphore, #tpu.memory_space<semaphore_mem>>, %arg24: memref<!tpu.dma_semaphore, #tpu.memory_space<semaphore_mem>>, %arg25: memref<!tpu.dma_semaphore, #tpu.memory_space<semaphore_mem>>, %arg26: memref<!tpu.dma_semaphore, #tpu.memory_space<semaphore_mem>>) attributes {dimension_semantics = [#tpu.dimension_semantics<core_parallel>, #tpu.dimension_semantics<subcore_parallel>], iteration_bounds = array<i64: 2, 16>, scalar_prefetch = 0 : i64, scratch_operands = 19 : i64, tpu.core_type = #tpu.core_type<sc_vector_subcore>, window_params = [{transform_indices = #map}, {transform_indices = #map1}, {transform_indices = #map1}, {transform_indices = #map}, {transform_indices = #map}, {transform_indices = #map}]} {
    %mul3A = arith.constant 624 : i32
    %mul3A_0 = arith.muli %arg1, %mul3A : i32
    "tpu.region"() ({
      %run_scoped3A = tpu.sem_alloc : memref<!tpu.dma_semaphore, #tpu.memory_space<semaphore_mem>>
      %dma_start3A_68 = arith.constant 0 : i32
      %dma_start3A_69 = tpu.memref_slice %arg18[%mul3A_0, %dma_start3A_68] : memref<10000x128xf32, #tpu.memory_space<vmem_shared>> -> memref<624x128xf32, #tpu.memory_space<vmem_shared>>
      %dma_start3A_70 = arith.constant 0 : i32
      %dma_start3A_71 = tpu.memref_slice %arg5[%mul3A_0, %dma_start3A_70] : memref<10000x128xf32, #tpu.memory_space<hbm>> -> memref<624x128xf32, #tpu.memory_space<hbm>>
      tpu.enqueue_dma source(%dma_start3A_71 : memref<624x128xf32, #tpu.memory_space<hbm>>) target(%dma_start3A_69 : memref<624x128xf32, #tpu.memory_space<vmem_shared>>) target_semaphore(%run_scoped3A : memref<!tpu.dma_semaphore, #tpu.memory_space<semaphore_mem>>)
      %dma_wait3A_72 = arith.constant 0 : i32
      %dma_wait3A_73 = tpu.memref_slice %arg18[%mul3A_0, %dma_wait3A_72] : memref<10000x128xf32, #tpu.memory_space<vmem_shared>> -> memref<624x128xf32, #tpu.memory_space<vmem_shared>>
      %dma_wait3A_74 = arith.constant 0 : i32
      %dma_wait3A_75 = tpu.memref_slice %arg5[%mul3A_0, %dma_wait3A_74] : memref<10000x128xf32, #tpu.memory_space<hbm>> -> memref<624x128xf32, #tpu.memory_space<hbm>>
      tpu.wait_dma2 semaphore(%run_scoped3A : memref<!tpu.dma_semaphore, #tpu.memory_space<semaphore_mem>>) src(%dma_wait3A_75 : memref<624x128xf32, #tpu.memory_space<hbm>>) dst(%dma_wait3A_73 : memref<624x128xf32, #tpu.memory_space<vmem_shared>>)
      tpu.yield
    }) : () -> ()
    %eq3A = arith.constant 15 : i32
    %eq3A_1 = arith.cmpi eq, %arg1, %eq3A : i32
    %convert_element_type3A = arith.extui %eq3A_1 : i1 to i32
    %cond3A = arith.constant 0 : i32
    %cond3A_2 = arith.cmpi ne, %convert_element_type3A, %cond3A : i32
    scf.if %cond3A_2 {
      "tpu.region"() ({
        %run_scoped3A = tpu.sem_alloc : memref<!tpu.dma_semaphore, #tpu.memory_space<semaphore_mem>>
        %dma_start3A_68 = arith.constant 9984 : i32
        %dma_start3A_69 = arith.constant 0 : i32
        %dma_start3A_70 = tpu.memref_slice %arg18[%dma_start3A_68, %dma_start3A_69] : memref<10000x128xf32, #tpu.memory_space<vmem_shared>> -> memref<16x128xf32, #tpu.memory_space<vmem_shared>>
        %dma_start3A_71 = arith.constant 9984 : i32
        %dma_start3A_72 = arith.constant 0 : i32
        %dma_start3A_73 = tpu.memref_slice %arg5[%dma_start3A_71, %dma_start3A_72] : memref<10000x128xf32, #tpu.memory_space<hbm>> -> memref<16x128xf32, #tpu.memory_space<hbm>>
        tpu.enqueue_dma source(%dma_start3A_73 : memref<16x128xf32, #tpu.memory_space<hbm>>) target(%dma_start3A_70 : memref<16x128xf32, #tpu.memory_space<vmem_shared>>) target_semaphore(%run_scoped3A : memref<!tpu.dma_semaphore, #tpu.memory_space<semaphore_mem>>)
        %dma_wait3A_74 = arith.constant 9984 : i32
        %dma_wait3A_75 = arith.constant 0 : i32
        %dma_wait3A_76 = tpu.memref_slice %arg18[%dma_wait3A_74, %dma_wait3A_75] : memref<10000x128xf32, #tpu.memory_space<vmem_shared>> -> memref<16x128xf32, #tpu.memory_space<vmem_shared>>
        %dma_wait3A_77 = arith.constant 9984 : i32
        %dma_wait3A_78 = arith.constant 0 : i32
        %dma_wait3A_79 = tpu.memref_slice %arg5[%dma_wait3A_77, %dma_wait3A_78] : memref<10000x128xf32, #tpu.memory_space<hbm>> -> memref<16x128xf32, #tpu.memory_space<hbm>>
        tpu.wait_dma2 semaphore(%run_scoped3A : memref<!tpu.dma_semaphore, #tpu.memory_space<semaphore_mem>>) src(%dma_wait3A_79 : memref<16x128xf32, #tpu.memory_space<hbm>>) dst(%dma_wait3A_76 : memref<16x128xf32, #tpu.memory_space<vmem_shared>>)
        tpu.yield
      }) : () -> ()
    } else {
    }
    %barrier3A = arith.constant 0 : index
    tpu.barrier barrier_id(%barrier3A)
    %mul3A_3 = arith.constant 16 : i32
    %mul3A_4 = arith.muli %arg0, %mul3A_3 : i32
    %add3A = arith.addi %mul3A_4, %arg1 : i32
    %mul3A_5 = arith.constant 10000 : i32
    %mul3A_6 = arith.muli %add3A, %mul3A_5 : i32
    %add3A_7 = arith.constant 0 : i32
    %add3A_8 = arith.addi %mul3A_6, %add3A_7 : i32
    %dma_start3A = tpu.memref_slice %arg3[%add3A_8] : memref<320000xi32, #tpu.memory_space<hbm>> -> memref<80xi32, #tpu.memory_space<hbm>>
    %dma_start3A_9 = tpu.memref_slice %arg3[%add3A_8] : memref<320000xi32, #tpu.memory_space<hbm>> -> memref<80xi32, #tpu.memory_space<hbm>>
    tpu.enqueue_dma source(%dma_start3A_9 : memref<80xi32, #tpu.memory_space<hbm>>) target(%arg8 : memref<80xi32, #tpu.memory_space<vmem>>) target_semaphore(%arg19 : memref<!tpu.dma_semaphore, #tpu.memory_space<semaphore_mem>>)
    %dma_start3A_10 = tpu.memref_slice %arg4[%add3A_8] : memref<320000xi32, #tpu.memory_space<hbm>> -> memref<80xi32, #tpu.memory_space<hbm>>
    %dma_start3A_11 = tpu.memref_slice %arg4[%add3A_8] : memref<320000xi32, #tpu.memory_space<hbm>> -> memref<80xi32, #tpu.memory_space<hbm>>
    tpu.enqueue_dma source(%dma_start3A_11 : memref<80xi32, #tpu.memory_space<hbm>>) target(%arg12 : memref<80xi32, #tpu.memory_space<vmem>>) target_semaphore(%arg19 : memref<!tpu.dma_semaphore, #tpu.memory_space<semaphore_mem>>)
    %add3A_12 = arith.constant 80 : i32
    %add3A_13 = arith.addi %mul3A_6, %add3A_12 : i32
    %dma_start3A_14 = tpu.memref_slice %arg3[%add3A_13] : memref<320000xi32, #tpu.memory_space<hbm>> -> memref<80xi32, #tpu.memory_space<hbm>>
    %dma_start3A_15 = tpu.memref_slice %arg3[%add3A_13] : memref<320000xi32, #tpu.memory_space<hbm>> -> memref<80xi32, #tpu.memory_space<hbm>>
    tpu.enqueue_dma source(%dma_start3A_15 : memref<80xi32, #tpu.memory_space<hbm>>) target(%arg9 : memref<80xi32, #tpu.memory_space<vmem>>) target_semaphore(%arg20 : memref<!tpu.dma_semaphore, #tpu.memory_space<semaphore_mem>>)
    %dma_start3A_16 = tpu.memref_slice %arg4[%add3A_13] : memref<320000xi32, #tpu.memory_space<hbm>> -> memref<80xi32, #tpu.memory_space<hbm>>
    %dma_start3A_17 = tpu.memref_slice %arg4[%add3A_13] : memref<320000xi32, #tpu.memory_space<hbm>> -> memref<80xi32, #tpu.memory_space<hbm>>
    tpu.enqueue_dma source(%dma_start3A_17 : memref<80xi32, #tpu.memory_space<hbm>>) target(%arg13 : memref<80xi32, #tpu.memory_space<vmem>>) target_semaphore(%arg20 : memref<!tpu.dma_semaphore, #tpu.memory_space<semaphore_mem>>)
    %add3A_18 = arith.constant 160 : i32
    %add3A_19 = arith.addi %mul3A_6, %add3A_18 : i32
    %dma_start3A_20 = tpu.memref_slice %arg3[%add3A_19] : memref<320000xi32, #tpu.memory_space<hbm>> -> memref<80xi32, #tpu.memory_space<hbm>>
    %dma_start3A_21 = tpu.memref_slice %arg3[%add3A_19] : memref<320000xi32, #tpu.memory_space<hbm>> -> memref<80xi32, #tpu.memory_space<hbm>>
    tpu.enqueue_dma source(%dma_start3A_21 : memref<80xi32, #tpu.memory_space<hbm>>) target(%arg10 : memref<80xi32, #tpu.memory_space<vmem>>) target_semaphore(%arg21 : memref<!tpu.dma_semaphore, #tpu.memory_space<semaphore_mem>>)
    %dma_start3A_22 = tpu.memref_slice %arg4[%add3A_19] : memref<320000xi32, #tpu.memory_space<hbm>> -> memref<80xi32, #tpu.memory_space<hbm>>
    %dma_start3A_23 = tpu.memref_slice %arg4[%add3A_19] : memref<320000xi32, #tpu.memory_space<hbm>> -> memref<80xi32, #tpu.memory_space<hbm>>
    tpu.enqueue_dma source(%dma_start3A_23 : memref<80xi32, #tpu.memory_space<hbm>>) target(%arg14 : memref<80xi32, #tpu.memory_space<vmem>>) target_semaphore(%arg21 : memref<!tpu.dma_semaphore, #tpu.memory_space<semaphore_mem>>)
    %add3A_24 = arith.constant 240 : i32
    %add3A_25 = arith.addi %mul3A_6, %add3A_24 : i32
    %dma_start3A_26 = tpu.memref_slice %arg3[%add3A_25] : memref<320000xi32, #tpu.memory_space<hbm>> -> memref<80xi32, #tpu.memory_space<hbm>>
    %dma_start3A_27 = tpu.memref_slice %arg3[%add3A_25] : memref<320000xi32, #tpu.memory_space<hbm>> -> memref<80xi32, #tpu.memory_space<hbm>>
    tpu.enqueue_dma source(%dma_start3A_27 : memref<80xi32, #tpu.memory_space<hbm>>) target(%arg11 : memref<80xi32, #tpu.memory_space<vmem>>) target_semaphore(%arg22 : memref<!tpu.dma_semaphore, #tpu.memory_space<semaphore_mem>>)
    %dma_start3A_28 = tpu.memref_slice %arg4[%add3A_25] : memref<320000xi32, #tpu.memory_space<hbm>> -> memref<80xi32, #tpu.memory_space<hbm>>
    %dma_start3A_29 = tpu.memref_slice %arg4[%add3A_25] : memref<320000xi32, #tpu.memory_space<hbm>> -> memref<80xi32, #tpu.memory_space<hbm>>
    tpu.enqueue_dma source(%dma_start3A_29 : memref<80xi32, #tpu.memory_space<hbm>>) target(%arg15 : memref<80xi32, #tpu.memory_space<vmem>>) target_semaphore(%arg22 : memref<!tpu.dma_semaphore, #tpu.memory_space<semaphore_mem>>)
    %dma_wait3A = arith.constant 0 : i32
    %dma_wait3A_30 = tpu.memref_slice %arg3[%dma_wait3A] : memref<320000xi32, #tpu.memory_space<hbm>> -> memref<80xi32, #tpu.memory_space<hbm>>
    %dma_wait3A_31 = arith.constant 0 : i32
    %dma_wait3A_32 = tpu.memref_slice %arg3[%dma_wait3A_31] : memref<320000xi32, #tpu.memory_space<hbm>> -> memref<80xi32, #tpu.memory_space<hbm>>
    tpu.wait_dma2 semaphore(%arg19 : memref<!tpu.dma_semaphore, #tpu.memory_space<semaphore_mem>>) src(%dma_wait3A_32 : memref<80xi32, #tpu.memory_space<hbm>>) dst(%arg8 : memref<80xi32, #tpu.memory_space<vmem>>)
    %dma_wait3A_33 = arith.constant 0 : i32
    %dma_wait3A_34 = tpu.memref_slice %arg4[%dma_wait3A_33] : memref<320000xi32, #tpu.memory_space<hbm>> -> memref<80xi32, #tpu.memory_space<hbm>>
    %dma_wait3A_35 = arith.constant 0 : i32
    %dma_wait3A_36 = tpu.memref_slice %arg4[%dma_wait3A_35] : memref<320000xi32, #tpu.memory_space<hbm>> -> memref<80xi32, #tpu.memory_space<hbm>>
    tpu.wait_dma2 semaphore(%arg19 : memref<!tpu.dma_semaphore, #tpu.memory_space<semaphore_mem>>) src(%dma_wait3A_36 : memref<80xi32, #tpu.memory_space<hbm>>) dst(%arg12 : memref<80xi32, #tpu.memory_space<vmem>>)
    %dma_start3A_37 = arith.constant 0 : i32
    %dma_start3A_38 = arith.constant 0 : i32
    %dma_start3A_39 = tpu.memref_slice %arg2[%dma_start3A_37, %dma_start3A_38] : memref<10000x128xf32, #tpu.memory_space<hbm>> -> memref<10000x128xf32, #tpu.memory_space<hbm>>
    tpu.enqueue_indirect_dma source(%dma_start3A_39 : memref<10000x128xf32, #tpu.memory_space<hbm>>) target(%arg16 : memref<80x128xf32, #tpu.memory_space<vmem>>) offsets(%arg8 : memref<80xi32, #tpu.memory_space<vmem>>) semaphore(%arg23 : memref<!tpu.dma_semaphore, #tpu.memory_space<semaphore_mem>>)
    %scan3A = arith.constant 0 : i32
    %scan3A_40 = arith.constant 0 : i32
    %scan3A_41 = arith.constant 31 : i32
    %scan3A_42 = arith.addi %scan3A_40, %scan3A_41 : i32
    %scan3A_43 = arith.constant 1 : i32
    scf.for %scan3A_68 = %scan3A_40 to %scan3A_42 step %scan3A_43  : i32 {
      %mul3A_69 = arith.constant 4 : i32
      %mul3A_70 = arith.muli %mul3A_69, %scan3A_68 : i32
      %add3A_71 = arith.constant 0 : i32
      %add3A_72 = arith.addi %mul3A_70, %add3A_71 : i32
      %dma_wait3A_73 = arith.constant 0 : i32
      %dma_wait3A_74 = arith.constant 0 : i32
      %dma_wait3A_75 = tpu.memref_slice %arg2[%dma_wait3A_73, %dma_wait3A_74] : memref<10000x128xf32, #tpu.memory_space<hbm>> -> memref<10000x128xf32, #tpu.memory_space<hbm>>
      tpu.wait_indirect_dma semaphore(%arg23 : memref<!tpu.dma_semaphore, #tpu.memory_space<semaphore_mem>>) src(%dma_wait3A_75 : memref<10000x128xf32, #tpu.memory_space<hbm>>) dst(%arg16 : memref<80x128xf32, #tpu.memory_space<vmem>>)
      %dma_start3A_76 = arith.constant 0 : i32
      %dma_start3A_77 = arith.constant 0 : i32
      %dma_start3A_78 = tpu.memref_slice %arg18[%dma_start3A_76, %dma_start3A_77] : memref<10000x128xf32, #tpu.memory_space<vmem_shared>> -> memref<10000x128xf32, #tpu.memory_space<vmem_shared>>
      tpu.enqueue_indirect_dma source(%arg16 : memref<80x128xf32, #tpu.memory_space<vmem>>) target(%dma_start3A_78 : memref<10000x128xf32, #tpu.memory_space<vmem_shared>>) offsets(%arg12 : memref<80xi32, #tpu.memory_space<vmem>>) semaphore(%arg25 : memref<!tpu.dma_semaphore, #tpu.memory_space<semaphore_mem>>) {add = true}
      %gt3A = arith.constant 0 : i32
      %gt3A_79 = arith.cmpi sgt, %scan3A_68, %gt3A : i32
      %convert_element_type3A_80 = arith.extui %gt3A_79 : i1 to i32
      %cond3A_81 = arith.constant 0 : i32
      %cond3A_82 = arith.cmpi ne, %convert_element_type3A_80, %cond3A_81 : i32
      scf.if %cond3A_82 {
        %dma_wait3A_188 = arith.constant 0 : i32
        %dma_wait3A_189 = arith.constant 0 : i32
        %dma_wait3A_190 = tpu.memref_slice %arg18[%dma_wait3A_188, %dma_wait3A_189] : memref<10000x128xf32, #tpu.memory_space<vmem_shared>> -> memref<10000x128xf32, #tpu.memory_space<vmem_shared>>
        tpu.wait_indirect_dma semaphore(%arg26 : memref<!tpu.dma_semaphore, #tpu.memory_space<semaphore_mem>>) src(%arg17 : memref<80x128xf32, #tpu.memory_space<vmem>>) dst(%dma_wait3A_190 : memref<10000x128xf32, #tpu.memory_space<vmem_shared>>)
        %add3A_191 = arith.constant 3 : i32
        %add3A_192 = arith.addi %add3A_72, %add3A_191 : i32
        %mul3A_193 = arith.constant 80 : i32
        %mul3A_194 = arith.muli %add3A_192, %mul3A_193 : i32
        %add3A_195 = arith.addi %mul3A_6, %mul3A_194 : i32
        %dma_start3A_196 = tpu.memref_slice %arg3[%add3A_195] : memref<320000xi32, #tpu.memory_space<hbm>> -> memref<80xi32, #tpu.memory_space<hbm>>
        %dma_start3A_197 = tpu.memref_slice %arg3[%add3A_195] : memref<320000xi32, #tpu.memory_space<hbm>> -> memref<80xi32, #tpu.memory_space<hbm>>
        tpu.enqueue_dma source(%dma_start3A_197 : memref<80xi32, #tpu.memory_space<hbm>>) target(%arg11 : memref<80xi32, #tpu.memory_space<vmem>>) target_semaphore(%arg22 : memref<!tpu.dma_semaphore, #tpu.memory_space<semaphore_mem>>)
        %dma_start3A_198 = tpu.memref_slice %arg4[%add3A_195] : memref<320000xi32, #tpu.memory_space<hbm>> -> memref<80xi32, #tpu.memory_space<hbm>>
        %dma_start3A_199 = tpu.memref_slice %arg4[%add3A_195] : memref<320000xi32, #tpu.memory_space<hbm>> -> memref<80xi32, #tpu.memory_space<hbm>>
        tpu.enqueue_dma source(%dma_start3A_199 : memref<80xi32, #tpu.memory_space<hbm>>) target(%arg15 : memref<80xi32, #tpu.memory_space<vmem>>) target_semaphore(%arg22 : memref<!tpu.dma_semaphore, #tpu.memory_space<semaphore_mem>>)
      } else {
      }
      %dma_wait3A_83 = arith.constant 0 : i32
      %dma_wait3A_84 = tpu.memref_slice %arg3[%dma_wait3A_83] : memref<320000xi32, #tpu.memory_space<hbm>> -> memref<80xi32, #tpu.memory_space<hbm>>
      %dma_wait3A_85 = arith.constant 0 : i32
      %dma_wait3A_86 = tpu.memref_slice %arg3[%dma_wait3A_85] : memref<320000xi32, #tpu.memory_space<hbm>> -> memref<80xi32, #tpu.memory_space<hbm>>
      tpu.wait_dma2 semaphore(%arg20 : memref<!tpu.dma_semaphore, #tpu.memory_space<semaphore_mem>>) src(%dma_wait3A_86 : memref<80xi32, #tpu.memory_space<hbm>>) dst(%arg9 : memref<80xi32, #tpu.memory_space<vmem>>)
      %dma_wait3A_87 = arith.constant 0 : i32
      %dma_wait3A_88 = tpu.memref_slice %arg4[%dma_wait3A_87] : memref<320000xi32, #tpu.memory_space<hbm>> -> memref<80xi32, #tpu.memory_space<hbm>>
      %dma_wait3A_89 = arith.constant 0 : i32
      %dma_wait3A_90 = tpu.memref_slice %arg4[%dma_wait3A_89] : memref<320000xi32, #tpu.memory_space<hbm>> -> memref<80xi32, #tpu.memory_space<hbm>>
      tpu.wait_dma2 semaphore(%arg20 : memref<!tpu.dma_semaphore, #tpu.memory_space<semaphore_mem>>) src(%dma_wait3A_90 : memref<80xi32, #tpu.memory_space<hbm>>) dst(%arg13 : memref<80xi32, #tpu.memory_space<vmem>>)
      %dma_start3A_91 = arith.constant 0 : i32
      %dma_start3A_92 = arith.constant 0 : i32
      %dma_start3A_93 = tpu.memref_slice %arg2[%dma_start3A_91, %dma_start3A_92] : memref<10000x128xf32, #tpu.memory_space<hbm>> -> memref<10000x128xf32, #tpu.memory_space<hbm>>
      tpu.enqueue_indirect_dma source(%dma_start3A_93 : memref<10000x128xf32, #tpu.memory_space<hbm>>) target(%arg17 : memref<80x128xf32, #tpu.memory_space<vmem>>) offsets(%arg9 : memref<80xi32, #tpu.memory_space<vmem>>) semaphore(%arg24 : memref<!tpu.dma_semaphore, #tpu.memory_space<semaphore_mem>>)
      %mul3A_94 = arith.constant 4 : i32
      %mul3A_95 = arith.muli %mul3A_94, %scan3A_68 : i32
      %add3A_96 = arith.constant 1 : i32
      %add3A_97 = arith.addi %mul3A_95, %add3A_96 : i32
      %dma_wait3A_98 = arith.constant 0 : i32
      %dma_wait3A_99 = arith.constant 0 : i32
      %dma_wait3A_100 = tpu.memref_slice %arg2[%dma_wait3A_98, %dma_wait3A_99] : memref<10000x128xf32, #tpu.memory_space<hbm>> -> memref<10000x128xf32, #tpu.memory_space<hbm>>
      tpu.wait_indirect_dma semaphore(%arg24 : memref<!tpu.dma_semaphore, #tpu.memory_space<semaphore_mem>>) src(%dma_wait3A_100 : memref<10000x128xf32, #tpu.memory_space<hbm>>) dst(%arg17 : memref<80x128xf32, #tpu.memory_space<vmem>>)
      %dma_start3A_101 = arith.constant 0 : i32
      %dma_start3A_102 = arith.constant 0 : i32
      %dma_start3A_103 = tpu.memref_slice %arg18[%dma_start3A_101, %dma_start3A_102] : memref<10000x128xf32, #tpu.memory_space<vmem_shared>> -> memref<10000x128xf32, #tpu.memory_space<vmem_shared>>
      tpu.enqueue_indirect_dma source(%arg17 : memref<80x128xf32, #tpu.memory_space<vmem>>) target(%dma_start3A_103 : memref<10000x128xf32, #tpu.memory_space<vmem_shared>>) offsets(%arg13 : memref<80xi32, #tpu.memory_space<vmem>>) semaphore(%arg26 : memref<!tpu.dma_semaphore, #tpu.memory_space<semaphore_mem>>) {add = true}
      %dma_wait3A_104 = arith.constant 0 : i32
      %dma_wait3A_105 = arith.constant 0 : i32
      %dma_wait3A_106 = tpu.memref_slice %arg18[%dma_wait3A_104, %dma_wait3A_105] : memref<10000x128xf32, #tpu.memory_space<vmem_shared>> -> memref<10000x128xf32, #tpu.memory_space<vmem_shared>>
      tpu.wait_indirect_dma semaphore(%arg25 : memref<!tpu.dma_semaphore, #tpu.memory_space<semaphore_mem>>) src(%arg16 : memref<80x128xf32, #tpu.memory_space<vmem>>) dst(%dma_wait3A_106 : memref<10000x128xf32, #tpu.memory_space<vmem_shared>>)
      %add3A_107 = arith.constant 3 : i32
      %add3A_108 = arith.addi %add3A_97, %add3A_107 : i32
      %mul3A_109 = arith.constant 80 : i32
      %mul3A_110 = arith.muli %add3A_108, %mul3A_109 : i32
      %add3A_111 = arith.addi %mul3A_6, %mul3A_110 : i32
      %dma_start3A_112 = tpu.memref_slice %arg3[%add3A_111] : memref<320000xi32, #tpu.memory_space<hbm>> -> memref<80xi32, #tpu.memory_space<hbm>>
      %dma_start3A_113 = tpu.memref_slice %arg3[%add3A_111] : memref<320000xi32, #tpu.memory_space<hbm>> -> memref<80xi32, #tpu.memory_space<hbm>>
      tpu.enqueue_dma source(%dma_start3A_113 : memref<80xi32, #tpu.memory_space<hbm>>) target(%arg8 : memref<80xi32, #tpu.memory_space<vmem>>) target_semaphore(%arg19 : memref<!tpu.dma_semaphore, #tpu.memory_space<semaphore_mem>>)
      %dma_start3A_114 = tpu.memref_slice %arg4[%add3A_111] : memref<320000xi32, #tpu.memory_space<hbm>> -> memref<80xi32, #tpu.memory_space<hbm>>
      %dma_start3A_115 = tpu.memref_slice %arg4[%add3A_111] : memref<320000xi32, #tpu.memory_space<hbm>> -> memref<80xi32, #tpu.memory_space<hbm>>
      tpu.enqueue_dma source(%dma_start3A_115 : memref<80xi32, #tpu.memory_space<hbm>>) target(%arg12 : memref<80xi32, #tpu.memory_space<vmem>>) target_semaphore(%arg19 : memref<!tpu.dma_semaphore, #tpu.memory_space<semaphore_mem>>)
      %dma_wait3A_116 = arith.constant 0 : i32
      %dma_wait3A_117 = tpu.memref_slice %arg3[%dma_wait3A_116] : memref<320000xi32, #tpu.memory_space<hbm>> -> memref<80xi32, #tpu.memory_space<hbm>>
      %dma_wait3A_118 = arith.constant 0 : i32
      %dma_wait3A_119 = tpu.memref_slice %arg3[%dma_wait3A_118] : memref<320000xi32, #tpu.memory_space<hbm>> -> memref<80xi32, #tpu.memory_space<hbm>>
      tpu.wait_dma2 semaphore(%arg21 : memref<!tpu.dma_semaphore, #tpu.memory_space<semaphore_mem>>) src(%dma_wait3A_119 : memref<80xi32, #tpu.memory_space<hbm>>) dst(%arg10 : memref<80xi32, #tpu.memory_space<vmem>>)
      %dma_wait3A_120 = arith.constant 0 : i32
      %dma_wait3A_121 = tpu.memref_slice %arg4[%dma_wait3A_120] : memref<320000xi32, #tpu.memory_space<hbm>> -> memref<80xi32, #tpu.memory_space<hbm>>
      %dma_wait3A_122 = arith.constant 0 : i32
      %dma_wait3A_123 = tpu.memref_slice %arg4[%dma_wait3A_122] : memref<320000xi32, #tpu.memory_space<hbm>> -> memref<80xi32, #tpu.memory_space<hbm>>
      tpu.wait_dma2 semaphore(%arg21 : memref<!tpu.dma_semaphore, #tpu.memory_space<semaphore_mem>>) src(%dma_wait3A_123 : memref<80xi32, #tpu.memory_space<hbm>>) dst(%arg14 : memref<80xi32, #tpu.memory_space<vmem>>)
      %dma_start3A_124 = arith.constant 0 : i32
      %dma_start3A_125 = arith.constant 0 : i32
      %dma_start3A_126 = tpu.memref_slice %arg2[%dma_start3A_124, %dma_start3A_125] : memref<10000x128xf32, #tpu.memory_space<hbm>> -> memref<10000x128xf32, #tpu.memory_space<hbm>>
      tpu.enqueue_indirect_dma source(%dma_start3A_126 : memref<10000x128xf32, #tpu.memory_space<hbm>>) target(%arg16 : memref<80x128xf32, #tpu.memory_space<vmem>>) offsets(%arg10 : memref<80xi32, #tpu.memory_space<vmem>>) semaphore(%arg23 : memref<!tpu.dma_semaphore, #tpu.memory_space<semaphore_mem>>)
      %mul3A_127 = arith.constant 4 : i32
      %mul3A_128 = arith.muli %mul3A_127, %scan3A_68 : i32
      %add3A_129 = arith.constant 2 : i32
      %add3A_130 = arith.addi %mul3A_128, %add3A_129 : i32
      %dma_wait3A_131 = arith.constant 0 : i32
      %dma_wait3A_132 = arith.constant 0 : i32
      %dma_wait3A_133 = tpu.memref_slice %arg2[%dma_wait3A_131, %dma_wait3A_132] : memref<10000x128xf32, #tpu.memory_space<hbm>> -> memref<10000x128xf32, #tpu.memory_space<hbm>>
      tpu.wait_indirect_dma semaphore(%arg23 : memref<!tpu.dma_semaphore, #tpu.memory_space<semaphore_mem>>) src(%dma_wait3A_133 : memref<10000x128xf32, #tpu.memory_space<hbm>>) dst(%arg16 : memref<80x128xf32, #tpu.memory_space<vmem>>)
      %dma_start3A_134 = arith.constant 0 : i32
      %dma_start3A_135 = arith.constant 0 : i32
      %dma_start3A_136 = tpu.memref_slice %arg18[%dma_start3A_134, %dma_start3A_135] : memref<10000x128xf32, #tpu.memory_space<vmem_shared>> -> memref<10000x128xf32, #tpu.memory_space<vmem_shared>>
      tpu.enqueue_indirect_dma source(%arg16 : memref<80x128xf32, #tpu.memory_space<vmem>>) target(%dma_start3A_136 : memref<10000x128xf32, #tpu.memory_space<vmem_shared>>) offsets(%arg14 : memref<80xi32, #tpu.memory_space<vmem>>) semaphore(%arg25 : memref<!tpu.dma_semaphore, #tpu.memory_space<semaphore_mem>>) {add = true}
      %dma_wait3A_137 = arith.constant 0 : i32
      %dma_wait3A_138 = arith.constant 0 : i32
      %dma_wait3A_139 = tpu.memref_slice %arg18[%dma_wait3A_137, %dma_wait3A_138] : memref<10000x128xf32, #tpu.memory_space<vmem_shared>> -> memref<10000x128xf32, #tpu.memory_space<vmem_shared>>
      tpu.wait_indirect_dma semaphore(%arg26 : memref<!tpu.dma_semaphore, #tpu.memory_space<semaphore_mem>>) src(%arg17 : memref<80x128xf32, #tpu.memory_space<vmem>>) dst(%dma_wait3A_139 : memref<10000x128xf32, #tpu.memory_space<vmem_shared>>)
      %add3A_140 = arith.constant 3 : i32
      %add3A_141 = arith.addi %add3A_130, %add3A_140 : i32
      %lt3A = arith.constant 125 : i32
      %lt3A_142 = arith.cmpi slt, %add3A_141, %lt3A : i32
      %convert_element_type3A_143 = arith.extui %lt3A_142 : i1 to i32
      %cond3A_144 = arith.constant 0 : i32
      %cond3A_145 = arith.cmpi ne, %convert_element_type3A_143, %cond3A_144 : i32
      scf.if %cond3A_145 {
        %add3A_188 = arith.constant 3 : i32
        %add3A_189 = arith.addi %add3A_130, %add3A_188 : i32
        %mul3A_190 = arith.constant 80 : i32
        %mul3A_191 = arith.muli %add3A_189, %mul3A_190 : i32
        %add3A_192 = arith.addi %mul3A_6, %mul3A_191 : i32
        %dma_start3A_193 = tpu.memref_slice %arg3[%add3A_192] : memref<320000xi32, #tpu.memory_space<hbm>> -> memref<80xi32, #tpu.memory_space<hbm>>
        %dma_start3A_194 = tpu.memref_slice %arg3[%add3A_192] : memref<320000xi32, #tpu.memory_space<hbm>> -> memref<80xi32, #tpu.memory_space<hbm>>
        tpu.enqueue_dma source(%dma_start3A_194 : memref<80xi32, #tpu.memory_space<hbm>>) target(%arg9 : memref<80xi32, #tpu.memory_space<vmem>>) target_semaphore(%arg20 : memref<!tpu.dma_semaphore, #tpu.memory_space<semaphore_mem>>)
        %dma_start3A_195 = tpu.memref_slice %arg4[%add3A_192] : memref<320000xi32, #tpu.memory_space<hbm>> -> memref<80xi32, #tpu.memory_space<hbm>>
        %dma_start3A_196 = tpu.memref_slice %arg4[%add3A_192] : memref<320000xi32, #tpu.memory_space<hbm>> -> memref<80xi32, #tpu.memory_space<hbm>>
        tpu.enqueue_dma source(%dma_start3A_196 : memref<80xi32, #tpu.memory_space<hbm>>) target(%arg13 : memref<80xi32, #tpu.memory_space<vmem>>) target_semaphore(%arg20 : memref<!tpu.dma_semaphore, #tpu.memory_space<semaphore_mem>>)
      } else {
      }
      %dma_wait3A_146 = arith.constant 0 : i32
      %dma_wait3A_147 = tpu.memref_slice %arg3[%dma_wait3A_146] : memref<320000xi32, #tpu.memory_space<hbm>> -> memref<80xi32, #tpu.memory_space<hbm>>
      %dma_wait3A_148 = arith.constant 0 : i32
      %dma_wait3A_149 = tpu.memref_slice %arg3[%dma_wait3A_148] : memref<320000xi32, #tpu.memory_space<hbm>> -> memref<80xi32, #tpu.memory_space<hbm>>
      tpu.wait_dma2 semaphore(%arg22 : memref<!tpu.dma_semaphore, #tpu.memory_space<semaphore_mem>>) src(%dma_wait3A_149 : memref<80xi32, #tpu.memory_space<hbm>>) dst(%arg11 : memref<80xi32, #tpu.memory_space<vmem>>)
      %dma_wait3A_150 = arith.constant 0 : i32
      %dma_wait3A_151 = tpu.memref_slice %arg4[%dma_wait3A_150] : memref<320000xi32, #tpu.memory_space<hbm>> -> memref<80xi32, #tpu.memory_space<hbm>>
      %dma_wait3A_152 = arith.constant 0 : i32
      %dma_wait3A_153 = tpu.memref_slice %arg4[%dma_wait3A_152] : memref<320000xi32, #tpu.memory_space<hbm>> -> memref<80xi32, #tpu.memory_space<hbm>>
      tpu.wait_dma2 semaphore(%arg22 : memref<!tpu.dma_semaphore, #tpu.memory_space<semaphore_mem>>) src(%dma_wait3A_153 : memref<80xi32, #tpu.memory_space<hbm>>) dst(%arg15 : memref<80xi32, #tpu.memory_space<vmem>>)
      %dma_start3A_154 = arith.constant 0 : i32
      %dma_start3A_155 = arith.constant 0 : i32
      %dma_start3A_156 = tpu.memref_slice %arg2[%dma_start3A_154, %dma_start3A_155] : memref<10000x128xf32, #tpu.memory_space<hbm>> -> memref<10000x128xf32, #tpu.memory_space<hbm>>
      tpu.enqueue_indirect_dma source(%dma_start3A_156 : memref<10000x128xf32, #tpu.memory_space<hbm>>) target(%arg17 : memref<80x128xf32, #tpu.memory_space<vmem>>) offsets(%arg11 : memref<80xi32, #tpu.memory_space<vmem>>) semaphore(%arg24 : memref<!tpu.dma_semaphore, #tpu.memory_space<semaphore_mem>>)
      %mul3A_157 = arith.constant 4 : i32
      %mul3A_158 = arith.muli %mul3A_157, %scan3A_68 : i32
      %add3A_159 = arith.constant 3 : i32
      %add3A_160 = arith.addi %mul3A_158, %add3A_159 : i32
      %dma_wait3A_161 = arith.constant 0 : i32
      %dma_wait3A_162 = arith.constant 0 : i32
      %dma_wait3A_163 = tpu.memref_slice %arg2[%dma_wait3A_161, %dma_wait3A_162] : memref<10000x128xf32, #tpu.memory_space<hbm>> -> memref<10000x128xf32, #tpu.memory_space<hbm>>
      tpu.wait_indirect_dma semaphore(%arg24 : memref<!tpu.dma_semaphore, #tpu.memory_space<semaphore_mem>>) src(%dma_wait3A_163 : memref<10000x128xf32, #tpu.memory_space<hbm>>) dst(%arg17 : memref<80x128xf32, #tpu.memory_space<vmem>>)
      %dma_start3A_164 = arith.constant 0 : i32
      %dma_start3A_165 = arith.constant 0 : i32
      %dma_start3A_166 = tpu.memref_slice %arg18[%dma_start3A_164, %dma_start3A_165] : memref<10000x128xf32, #tpu.memory_space<vmem_shared>> -> memref<10000x128xf32, #tpu.memory_space<vmem_shared>>
      tpu.enqueue_indirect_dma source(%arg17 : memref<80x128xf32, #tpu.memory_space<vmem>>) target(%dma_start3A_166 : memref<10000x128xf32, #tpu.memory_space<vmem_shared>>) offsets(%arg15 : memref<80xi32, #tpu.memory_space<vmem>>) semaphore(%arg26 : memref<!tpu.dma_semaphore, #tpu.memory_space<semaphore_mem>>) {add = true}
      %dma_wait3A_167 = arith.constant 0 : i32
      %dma_wait3A_168 = arith.constant 0 : i32
      %dma_wait3A_169 = tpu.memref_slice %arg18[%dma_wait3A_167, %dma_wait3A_168] : memref<10000x128xf32, #tpu.memory_space<vmem_shared>> -> memref<10000x128xf32, #tpu.memory_space<vmem_shared>>
      tpu.wait_indirect_dma semaphore(%arg25 : memref<!tpu.dma_semaphore, #tpu.memory_space<semaphore_mem>>) src(%arg16 : memref<80x128xf32, #tpu.memory_space<vmem>>) dst(%dma_wait3A_169 : memref<10000x128xf32, #tpu.memory_space<vmem_shared>>)
      %add3A_170 = arith.constant 3 : i32
      %add3A_171 = arith.addi %add3A_160, %add3A_170 : i32
      %lt3A_172 = arith.constant 125 : i32
      %lt3A_173 = arith.cmpi slt, %add3A_171, %lt3A_172 : i32
      %convert_element_type3A_174 = arith.extui %lt3A_173 : i1 to i32
      %cond3A_175 = arith.constant 0 : i32
      %cond3A_176 = arith.cmpi ne, %convert_element_type3A_174, %cond3A_175 : i32
      scf.if %cond3A_176 {
        %add3A_188 = arith.constant 3 : i32
        %add3A_189 = arith.addi %add3A_160, %add3A_188 : i32
        %mul3A_190 = arith.constant 80 : i32
        %mul3A_191 = arith.muli %add3A_189, %mul3A_190 : i32
        %add3A_192 = arith.addi %mul3A_6, %mul3A_191 : i32
        %dma_start3A_193 = tpu.memref_slice %arg3[%add3A_192] : memref<320000xi32, #tpu.memory_space<hbm>> -> memref<80xi32, #tpu.memory_space<hbm>>
        %dma_start3A_194 = tpu.memref_slice %arg3[%add3A_192] : memref<320000xi32, #tpu.memory_space<hbm>> -> memref<80xi32, #tpu.memory_space<hbm>>
        tpu.enqueue_dma source(%dma_start3A_194 : memref<80xi32, #tpu.memory_space<hbm>>) target(%arg10 : memref<80xi32, #tpu.memory_space<vmem>>) target_semaphore(%arg21 : memref<!tpu.dma_semaphore, #tpu.memory_space<semaphore_mem>>)
        %dma_start3A_195 = tpu.memref_slice %arg4[%add3A_192] : memref<320000xi32, #tpu.memory_space<hbm>> -> memref<80xi32, #tpu.memory_space<hbm>>
        %dma_start3A_196 = tpu.memref_slice %arg4[%add3A_192] : memref<320000xi32, #tpu.memory_space<hbm>> -> memref<80xi32, #tpu.memory_space<hbm>>
        tpu.enqueue_dma source(%dma_start3A_196 : memref<80xi32, #tpu.memory_space<hbm>>) target(%arg14 : memref<80xi32, #tpu.memory_space<vmem>>) target_semaphore(%arg21 : memref<!tpu.dma_semaphore, #tpu.memory_space<semaphore_mem>>)
      } else {
      }
      %dma_wait3A_177 = arith.constant 0 : i32
      %dma_wait3A_178 = tpu.memref_slice %arg3[%dma_wait3A_177] : memref<320000xi32, #tpu.memory_space<hbm>> -> memref<80xi32, #tpu.memory_space<hbm>>
      %dma_wait3A_179 = arith.constant 0 : i32
      %dma_wait3A_180 = tpu.memref_slice %arg3[%dma_wait3A_179] : memref<320000xi32, #tpu.memory_space<hbm>> -> memref<80xi32, #tpu.memory_space<hbm>>
      tpu.wait_dma2 semaphore(%arg19 : memref<!tpu.dma_semaphore, #tpu.memory_space<semaphore_mem>>) src(%dma_wait3A_180 : memref<80xi32, #tpu.memory_space<hbm>>) dst(%arg8 : memref<80xi32, #tpu.memory_space<vmem>>)
      %dma_wait3A_181 = arith.constant 0 : i32
      %dma_wait3A_182 = tpu.memref_slice %arg4[%dma_wait3A_181] : memref<320000xi32, #tpu.memory_space<hbm>> -> memref<80xi32, #tpu.memory_space<hbm>>
      %dma_wait3A_183 = arith.constant 0 : i32
      %dma_wait3A_184 = tpu.memref_slice %arg4[%dma_wait3A_183] : memref<320000xi32, #tpu.memory_space<hbm>> -> memref<80xi32, #tpu.memory_space<hbm>>
      tpu.wait_dma2 semaphore(%arg19 : memref<!tpu.dma_semaphore, #tpu.memory_space<semaphore_mem>>) src(%dma_wait3A_184 : memref<80xi32, #tpu.memory_space<hbm>>) dst(%arg12 : memref<80xi32, #tpu.memory_space<vmem>>)
      %dma_start3A_185 = arith.constant 0 : i32
      %dma_start3A_186 = arith.constant 0 : i32
      %dma_start3A_187 = tpu.memref_slice %arg2[%dma_start3A_185, %dma_start3A_186] : memref<10000x128xf32, #tpu.memory_space<hbm>> -> memref<10000x128xf32, #tpu.memory_space<hbm>>
      tpu.enqueue_indirect_dma source(%dma_start3A_187 : memref<10000x128xf32, #tpu.memory_space<hbm>>) target(%arg16 : memref<80x128xf32, #tpu.memory_space<vmem>>) offsets(%arg8 : memref<80xi32, #tpu.memory_space<vmem>>) semaphore(%arg23 : memref<!tpu.dma_semaphore, #tpu.memory_space<semaphore_mem>>)
    }
    %scan3A_44 = arith.constant 31 : i32
    %dma_wait3A_45 = arith.constant 0 : i32
    %dma_wait3A_46 = arith.constant 0 : i32
    %dma_wait3A_47 = tpu.memref_slice %arg2[%dma_wait3A_45, %dma_wait3A_46] : memref<10000x128xf32, #tpu.memory_space<hbm>> -> memref<10000x128xf32, #tpu.memory_space<hbm>>
    tpu.wait_indirect_dma semaphore(%arg23 : memref<!tpu.dma_semaphore, #tpu.memory_space<semaphore_mem>>) src(%dma_wait3A_47 : memref<10000x128xf32, #tpu.memory_space<hbm>>) dst(%arg16 : memref<80x128xf32, #tpu.memory_space<vmem>>)
    %dma_start3A_48 = arith.constant 0 : i32
    %dma_start3A_49 = arith.constant 0 : i32
    %dma_start3A_50 = tpu.memref_slice %arg18[%dma_start3A_48, %dma_start3A_49] : memref<10000x128xf32, #tpu.memory_space<vmem_shared>> -> memref<10000x128xf32, #tpu.memory_space<vmem_shared>>
    tpu.enqueue_indirect_dma source(%arg16 : memref<80x128xf32, #tpu.memory_space<vmem>>) target(%dma_start3A_50 : memref<10000x128xf32, #tpu.memory_space<vmem_shared>>) offsets(%arg12 : memref<80xi32, #tpu.memory_space<vmem>>) semaphore(%arg25 : memref<!tpu.dma_semaphore, #tpu.memory_space<semaphore_mem>>) {add = true}
    %dma_wait3A_51 = arith.constant 0 : i32
    %dma_wait3A_52 = arith.constant 0 : i32
    %dma_wait3A_53 = tpu.memref_slice %arg18[%dma_wait3A_51, %dma_wait3A_52] : memref<10000x128xf32, #tpu.memory_space<vmem_shared>> -> memref<10000x128xf32, #tpu.memory_space<vmem_shared>>
    tpu.wait_indirect_dma semaphore(%arg26 : memref<!tpu.dma_semaphore, #tpu.memory_space<semaphore_mem>>) src(%arg17 : memref<80x128xf32, #tpu.memory_space<vmem>>) dst(%dma_wait3A_53 : memref<10000x128xf32, #tpu.memory_space<vmem_shared>>)
    %dma_wait3A_54 = arith.constant 0 : i32
    %dma_wait3A_55 = arith.constant 0 : i32
    %dma_wait3A_56 = tpu.memref_slice %arg18[%dma_wait3A_54, %dma_wait3A_55] : memref<10000x128xf32, #tpu.memory_space<vmem_shared>> -> memref<10000x128xf32, #tpu.memory_space<vmem_shared>>
    tpu.wait_indirect_dma semaphore(%arg25 : memref<!tpu.dma_semaphore, #tpu.memory_space<semaphore_mem>>) src(%arg16 : memref<80x128xf32, #tpu.memory_space<vmem>>) dst(%dma_wait3A_56 : memref<10000x128xf32, #tpu.memory_space<vmem_shared>>)
    %barrier3A_57 = arith.constant 0 : index
    tpu.barrier barrier_id(%barrier3A_57)
    %eq3A_58 = arith.constant 0 : i32
    %eq3A_59 = arith.cmpi eq, %arg0, %eq3A_58 : i32
    %convert_element_type3A_60 = arith.extui %eq3A_59 : i1 to i32
    %cond3A_61 = arith.constant 0 : i32
    %cond3A_62 = arith.cmpi ne, %convert_element_type3A_60, %cond3A_61 : i32
    scf.if %cond3A_62 {
      "tpu.region"() ({
        %run_scoped3A = tpu.sem_alloc : memref<!tpu.dma_semaphore, #tpu.memory_space<semaphore_mem>>
        %dma_start3A_73 = arith.constant 0 : i32
        %dma_start3A_74 = tpu.memref_slice %arg6[%mul3A_0, %dma_start3A_73] : memref<10000x128xf32, #tpu.memory_space<hbm>> -> memref<624x128xf32, #tpu.memory_space<hbm>>
        %dma_start3A_75 = arith.constant 0 : i32
        %dma_start3A_76 = tpu.memref_slice %arg18[%mul3A_0, %dma_start3A_75] : memref<10000x128xf32, #tpu.memory_space<vmem_shared>> -> memref<624x128xf32, #tpu.memory_space<vmem_shared>>
        tpu.enqueue_dma source(%dma_start3A_76 : memref<624x128xf32, #tpu.memory_space<vmem_shared>>) target(%dma_start3A_74 : memref<624x128xf32, #tpu.memory_space<hbm>>) target_semaphore(%run_scoped3A : memref<!tpu.dma_semaphore, #tpu.memory_space<semaphore_mem>>)
        %dma_wait3A_77 = arith.constant 0 : i32
        %dma_wait3A_78 = tpu.memref_slice %arg6[%mul3A_0, %dma_wait3A_77] : memref<10000x128xf32, #tpu.memory_space<hbm>> -> memref<624x128xf32, #tpu.memory_space<hbm>>
        %dma_wait3A_79 = arith.constant 0 : i32
        %dma_wait3A_80 = tpu.memref_slice %arg18[%mul3A_0, %dma_wait3A_79] : memref<10000x128xf32, #tpu.memory_space<vmem_shared>> -> memref<624x128xf32, #tpu.memory_space<vmem_shared>>
        tpu.wait_dma2 semaphore(%run_scoped3A : memref<!tpu.dma_semaphore, #tpu.memory_space<semaphore_mem>>) src(%dma_wait3A_80 : memref<624x128xf32, #tpu.memory_space<vmem_shared>>) dst(%dma_wait3A_78 : memref<624x128xf32, #tpu.memory_space<hbm>>)
        tpu.yield
      }) : () -> ()
      %eq3A_68 = arith.constant 15 : i32
      %eq3A_69 = arith.cmpi eq, %arg1, %eq3A_68 : i32
      %convert_element_type3A_70 = arith.extui %eq3A_69 : i1 to i32
      %cond3A_71 = arith.constant 0 : i32
      %cond3A_72 = arith.cmpi ne, %convert_element_type3A_70, %cond3A_71 : i32
      scf.if %cond3A_72 {
        "tpu.region"() ({
          %run_scoped3A = tpu.sem_alloc : memref<!tpu.dma_semaphore, #tpu.memory_space<semaphore_mem>>
          %dma_start3A_73 = arith.constant 9984 : i32
          %dma_start3A_74 = arith.constant 0 : i32
          %dma_start3A_75 = tpu.memref_slice %arg6[%dma_start3A_73, %dma_start3A_74] : memref<10000x128xf32, #tpu.memory_space<hbm>> -> memref<16x128xf32, #tpu.memory_space<hbm>>
          %dma_start3A_76 = arith.constant 9984 : i32
          %dma_start3A_77 = arith.constant 0 : i32
          %dma_start3A_78 = tpu.memref_slice %arg18[%dma_start3A_76, %dma_start3A_77] : memref<10000x128xf32, #tpu.memory_space<vmem_shared>> -> memref<16x128xf32, #tpu.memory_space<vmem_shared>>
          tpu.enqueue_dma source(%dma_start3A_78 : memref<16x128xf32, #tpu.memory_space<vmem_shared>>) target(%dma_start3A_75 : memref<16x128xf32, #tpu.memory_space<hbm>>) target_semaphore(%run_scoped3A : memref<!tpu.dma_semaphore, #tpu.memory_space<semaphore_mem>>)
          %dma_wait3A_79 = arith.constant 9984 : i32
          %dma_wait3A_80 = arith.constant 0 : i32
          %dma_wait3A_81 = tpu.memref_slice %arg6[%dma_wait3A_79, %dma_wait3A_80] : memref<10000x128xf32, #tpu.memory_space<hbm>> -> memref<16x128xf32, #tpu.memory_space<hbm>>
          %dma_wait3A_82 = arith.constant 9984 : i32
          %dma_wait3A_83 = arith.constant 0 : i32
          %dma_wait3A_84 = tpu.memref_slice %arg18[%dma_wait3A_82, %dma_wait3A_83] : memref<10000x128xf32, #tpu.memory_space<vmem_shared>> -> memref<16x128xf32, #tpu.memory_space<vmem_shared>>
          tpu.wait_dma2 semaphore(%run_scoped3A : memref<!tpu.dma_semaphore, #tpu.memory_space<semaphore_mem>>) src(%dma_wait3A_84 : memref<16x128xf32, #tpu.memory_space<vmem_shared>>) dst(%dma_wait3A_81 : memref<16x128xf32, #tpu.memory_space<hbm>>)
          tpu.yield
        }) : () -> ()
      } else {
      }
    } else {
    }
    %eq3A_63 = arith.constant 1 : i32
    %eq3A_64 = arith.cmpi eq, %arg0, %eq3A_63 : i32
    %convert_element_type3A_65 = arith.extui %eq3A_64 : i1 to i32
    %cond3A_66 = arith.constant 0 : i32
    %cond3A_67 = arith.cmpi ne, %convert_element_type3A_65, %cond3A_66 : i32
    scf.if %cond3A_67 {
      "tpu.region"() ({
        %run_scoped3A = tpu.sem_alloc : memref<!tpu.dma_semaphore, #tpu.memory_space<semaphore_mem>>
        %dma_start3A_73 = arith.constant 0 : i32
        %dma_start3A_74 = tpu.memref_slice %arg7[%mul3A_0, %dma_start3A_73] : memref<10000x128xf32, #tpu.memory_space<hbm>> -> memref<624x128xf32, #tpu.memory_space<hbm>>
        %dma_start3A_75 = arith.constant 0 : i32
        %dma_start3A_76 = tpu.memref_slice %arg18[%mul3A_0, %dma_start3A_75] : memref<10000x128xf32, #tpu.memory_space<vmem_shared>> -> memref<624x128xf32, #tpu.memory_space<vmem_shared>>
        tpu.enqueue_dma source(%dma_start3A_76 : memref<624x128xf32, #tpu.memory_space<vmem_shared>>) target(%dma_start3A_74 : memref<624x128xf32, #tpu.memory_space<hbm>>) target_semaphore(%run_scoped3A : memref<!tpu.dma_semaphore, #tpu.memory_space<semaphore_mem>>)
        %dma_wait3A_77 = arith.constant 0 : i32
        %dma_wait3A_78 = tpu.memref_slice %arg7[%mul3A_0, %dma_wait3A_77] : memref<10000x128xf32, #tpu.memory_space<hbm>> -> memref<624x128xf32, #tpu.memory_space<hbm>>
        %dma_wait3A_79 = arith.constant 0 : i32
        %dma_wait3A_80 = tpu.memref_slice %arg18[%mul3A_0, %dma_wait3A_79] : memref<10000x128xf32, #tpu.memory_space<vmem_shared>> -> memref<624x128xf32, #tpu.memory_space<vmem_shared>>
        tpu.wait_dma2 semaphore(%run_scoped3A : memref<!tpu.dma_semaphore, #tpu.memory_space<semaphore_mem>>) src(%dma_wait3A_80 : memref<624x128xf32, #tpu.memory_space<vmem_shared>>) dst(%dma_wait3A_78 : memref<624x128xf32, #tpu.memory_space<hbm>>)
        tpu.yield
      }) : () -> ()
      %eq3A_68 = arith.constant 15 : i32
      %eq3A_69 = arith.cmpi eq, %arg1, %eq3A_68 : i32
      %convert_element_type3A_70 = arith.extui %eq3A_69 : i1 to i32
      %cond3A_71 = arith.constant 0 : i32
      %cond3A_72 = arith.cmpi ne, %convert_element_type3A_70, %cond3A_71 : i32
      scf.if %cond3A_72 {
        "tpu.region"() ({
          %run_scoped3A = tpu.sem_alloc : memref<!tpu.dma_semaphore, #tpu.memory_space<semaphore_mem>>
          %dma_start3A_73 = arith.constant 9984 : i32
          %dma_start3A_74 = arith.constant 0 : i32
          %dma_start3A_75 = tpu.memref_slice %arg7[%dma_start3A_73, %dma_start3A_74] : memref<10000x128xf32, #tpu.memory_space<hbm>> -> memref<16x128xf32, #tpu.memory_space<hbm>>
          %dma_start3A_76 = arith.constant 9984 : i32
          %dma_start3A_77 = arith.constant 0 : i32
          %dma_start3A_78 = tpu.memref_slice %arg18[%dma_start3A_76, %dma_start3A_77] : memref<10000x128xf32, #tpu.memory_space<vmem_shared>> -> memref<16x128xf32, #tpu.memory_space<vmem_shared>>
          tpu.enqueue_dma source(%dma_start3A_78 : memref<16x128xf32, #tpu.memory_space<vmem_shared>>) target(%dma_start3A_75 : memref<16x128xf32, #tpu.memory_space<hbm>>) target_semaphore(%run_scoped3A : memref<!tpu.dma_semaphore, #tpu.memory_space<semaphore_mem>>)
          %dma_wait3A_79 = arith.constant 9984 : i32
          %dma_wait3A_80 = arith.constant 0 : i32
          %dma_wait3A_81 = tpu.memref_slice %arg7[%dma_wait3A_79, %dma_wait3A_80] : memref<10000x128xf32, #tpu.memory_space<hbm>> -> memref<16x128xf32, #tpu.memory_space<hbm>>
          %dma_wait3A_82 = arith.constant 9984 : i32
          %dma_wait3A_83 = arith.constant 0 : i32
          %dma_wait3A_84 = tpu.memref_slice %arg18[%dma_wait3A_82, %dma_wait3A_83] : memref<10000x128xf32, #tpu.memory_space<vmem_shared>> -> memref<16x128xf32, #tpu.memory_space<vmem_shared>>
          tpu.wait_dma2 semaphore(%run_scoped3A : memref<!tpu.dma_semaphore, #tpu.memory_space<semaphore_mem>>) src(%dma_wait3A_84 : memref<16x128xf32, #tpu.memory_space<vmem_shared>>) dst(%dma_wait3A_81 : memref<16x128xf32, #tpu.memory_space<hbm>>)
          tpu.yield
        }) : () -> ()
      } else {
      }
    } else {
    }
    return
  }
}

module attributes {stable_mosaic.version = 14 : i64} {
  func.func @_prep_body(%arg0: memref<10000x128xf32, #tpu.memory_space<vmem>>, %arg1: memref<128x128xf32, #tpu.memory_space<vmem>>, %arg2: memref<128x128xf32, #tpu.memory_space<vmem>>, %arg3: memref<10000x128xf32, #tpu.memory_space<vmem>>, %arg4: memref<10000x128xf32, #tpu.memory_space<vmem>>) attributes {dimension_semantics = [], scalar_prefetch = 0 : i64, scratch_operands = 0 : i64, tpu.core_type = #tpu.core_type<tc>} {
    %get3A = arith.constant 0 : index
    %get3A_0 = arith.constant 0 : index
    %get3A_1 = vector.load %arg0[%get3A, %get3A_0] : memref<10000x128xf32, #tpu.memory_space<vmem>>, vector<10000x128xf32>
    %get3A_2 = arith.constant 0 : index
    %get3A_3 = arith.constant 0 : index
    %get3A_4 = vector.load %arg1[%get3A_2, %get3A_3] : memref<128x128xf32, #tpu.memory_space<vmem>>, vector<128x128xf32>
    %dot_general3A = arith.constant dense<0.000000e+00> : vector<10000x128xf32>
    %dot_general3A_5 = tpu.matmul %get3A_1, %get3A_4, %dot_general3A {dimension_numbers = #tpu.dot_dimension_numbers<[1], [1], [0], [0], [0, 0, 1, 0], [], []>, transpose_lhs_hint = false} : vector<10000x128xf32>, vector<128x128xf32>, vector<10000x128xf32> -> vector<10000x128xf32>
    %swap3A = arith.constant 0 : index
    %swap3A_6 = arith.constant 0 : index
    %swap3A_7 = vector.load %arg3[%swap3A, %swap3A_6] : memref<10000x128xf32, #tpu.memory_space<vmem>>, vector<10000x128xf32>
    tpu.vector_store %arg3[%swap3A, %swap3A_6], %dot_general3A_5 {strides = array<i32>} : memref<10000x128xf32, #tpu.memory_space<vmem>>, vector<10000x128xf32>,
    %get3A_8 = arith.constant 0 : index
    %get3A_9 = arith.constant 0 : index
    %get3A_10 = vector.load %arg2[%get3A_8, %get3A_9] : memref<128x128xf32, #tpu.memory_space<vmem>>, vector<128x128xf32>
    %dot_general3A_11 = arith.constant dense<0.000000e+00> : vector<10000x128xf32>
    %dot_general3A_12 = tpu.matmul %get3A_1, %get3A_10, %dot_general3A_11 {dimension_numbers = #tpu.dot_dimension_numbers<[1], [1], [0], [0], [0, 0, 1, 0], [], []>, transpose_lhs_hint = false} : vector<10000x128xf32>, vector<128x128xf32>, vector<10000x128xf32> -> vector<10000x128xf32>
    %swap3A_13 = arith.constant 0 : index
    %swap3A_14 = arith.constant 0 : index
    %swap3A_15 = vector.load %arg4[%swap3A_13, %swap3A_14] : memref<10000x128xf32, #tpu.memory_space<vmem>>, vector<10000x128xf32>
    tpu.vector_store %arg4[%swap3A_13, %swap3A_14], %dot_general3A_12 {strides = array<i32>} : memref<10000x128xf32, #tpu.memory_space<vmem>>, vector<10000x128xf32>,
    return
  }
}

module attributes {stable_mosaic.version = 14 : i64} {
  func.func @_norm_body(%arg0: memref<10000x128xf32, #tpu.memory_space<vmem>>, %arg1: memref<10000x128xf32, #tpu.memory_space<vmem>>, %arg2: memref<10000x1xf32, #tpu.memory_space<vmem>>, %arg3: memref<10000x1xf32, #tpu.memory_space<vmem>>, %arg4: memref<10000x128xf32, #tpu.memory_space<vmem>>, %arg5: memref<1x128xf32, #tpu.memory_space<vmem>>, %arg6: memref<1x128xf32, #tpu.memory_space<vmem>>, %arg7: memref<1x128xf32, #tpu.memory_space<vmem>>, %arg8: memref<128x128xf32, #tpu.memory_space<vmem>>, %arg9: memref<128x128xf32, #tpu.memory_space<vmem>>, %arg10: memref<10000x128xf32, #tpu.memory_space<vmem>>, %arg11: memref<10000x128xf32, #tpu.memory_space<vmem>>) attributes {dimension_semantics = [], scalar_prefetch = 0 : i64, scratch_operands = 0 : i64, tpu.core_type = #tpu.core_type<tc>} {
    %get3A = arith.constant 0 : index
    %get3A_0 = arith.constant 0 : index
    %get3A_1 = vector.load %arg0[%get3A, %get3A_0] : memref<10000x128xf32, #tpu.memory_space<vmem>>, vector<10000x128xf32>
    %get3A_2 = arith.constant 0 : index
    %get3A_3 = arith.constant 0 : index
    %get3A_4 = vector.load %arg1[%get3A_2, %get3A_3] : memref<10000x128xf32, #tpu.memory_space<vmem>>, vector<10000x128xf32>
    %get3A_5 = arith.constant 0 : index
    %get3A_6 = arith.constant 0 : index
    %get3A_7 = vector.load %arg2[%get3A_5, %get3A_6] : memref<10000x1xf32, #tpu.memory_space<vmem>>, vector<10000x1xf32>
    %get3A_8 = arith.constant 0 : index
    %get3A_9 = arith.constant 0 : index
    %get3A_10 = vector.load %arg3[%get3A_8, %get3A_9] : memref<10000x1xf32, #tpu.memory_space<vmem>>, vector<10000x1xf32>
    %get3A_11 = arith.constant 0 : index
    %get3A_12 = arith.constant 0 : index
    %get3A_13 = vector.load %arg4[%get3A_11, %get3A_12] : memref<10000x128xf32, #tpu.memory_space<vmem>>, vector<10000x128xf32>
    %get3A_14 = arith.constant 0 : index
    %get3A_15 = arith.constant 0 : index
    %get3A_16 = vector.load %arg5[%get3A_14, %get3A_15] : memref<1x128xf32, #tpu.memory_space<vmem>>, vector<1x128xf32>
    %get3A_17 = arith.constant 0 : index
    %get3A_18 = arith.constant 0 : index
    %get3A_19 = vector.load %arg6[%get3A_17, %get3A_18] : memref<1x128xf32, #tpu.memory_space<vmem>>, vector<1x128xf32>
    %get3A_20 = arith.constant 0 : index
    %get3A_21 = arith.constant 0 : index
    %get3A_22 = vector.load %arg7[%get3A_20, %get3A_21] : memref<1x128xf32, #tpu.memory_space<vmem>>, vector<1x128xf32>
    %add3A = arith.addf %get3A_7, %get3A_10 : vector<10000x1xf32>
    %max3A = arith.constant 1.000000e+00 : f32
    %max3A_23 = vector.broadcast %max3A : f32 to vector<10000x1xf32>
    %max3A_24 = arith.maximumf %add3A, %max3A_23 : vector<10000x1xf32>
    %add3A_25 = arith.addf %get3A_1, %get3A_4 : vector<10000x128xf32>
    %div3A = vector.broadcast %max3A_24 : vector<10000x1xf32> to vector<10000x128xf32>
    %div3A_26 = arith.divf %add3A_25, %div3A : vector<10000x128xf32>
    %add3A_27 = vector.broadcast %get3A_16 : vector<1x128xf32> to vector<10000x128xf32>
    %add3A_28 = arith.addf %div3A_26, %add3A_27 : vector<10000x128xf32>
    %add3A_29 = arith.addf %add3A_28, %get3A_13 : vector<10000x128xf32>
    %reduce_sum3A = arith.constant dense<0.000000e+00> : vector<128xf32>
    %reduce_sum3A_30 = vector.multi_reduction <add>, %add3A_29, %reduce_sum3A [0] : vector<10000x128xf32> to vector<128xf32>
    %broadcast_in_dim3A = vector.shape_cast %reduce_sum3A_30 : vector<128xf32> to vector<1x128xf32>
    %div3A_31 = arith.constant 1.000000e+04 : f32
    %div3A_32 = vector.broadcast %div3A_31 : f32 to vector<1x128xf32>
    %div3A_33 = arith.divf %broadcast_in_dim3A, %div3A_32 : vector<1x128xf32>
    %sub3A = vector.broadcast %div3A_33 : vector<1x128xf32> to vector<10000x128xf32>
    %sub3A_34 = arith.subf %add3A_29, %sub3A : vector<10000x128xf32>
    %square3A = arith.mulf %sub3A_34, %sub3A_34 : vector<10000x128xf32>
    %reduce_sum3A_35 = arith.constant dense<0.000000e+00> : vector<128xf32>
    %reduce_sum3A_36 = vector.multi_reduction <add>, %square3A, %reduce_sum3A_35 [0] : vector<10000x128xf32> to vector<128xf32>
    %broadcast_in_dim3A_37 = vector.shape_cast %reduce_sum3A_36 : vector<128xf32> to vector<1x128xf32>
    %div3A_38 = arith.constant 1.000000e+04 : f32
    %div3A_39 = vector.broadcast %div3A_38 : f32 to vector<1x128xf32>
    %div3A_40 = arith.divf %broadcast_in_dim3A_37, %div3A_39 : vector<1x128xf32>
    %sub3A_41 = vector.broadcast %div3A_33 : vector<1x128xf32> to vector<10000x128xf32>
    %sub3A_42 = arith.subf %add3A_29, %sub3A_41 : vector<10000x128xf32>
    %mul3A = vector.broadcast %get3A_19 : vector<1x128xf32> to vector<10000x128xf32>
    %mul3A_43 = arith.mulf %mul3A, %sub3A_42 : vector<10000x128xf32>
    %add3A_44 = arith.constant 9.99999974E-6 : f32
    %add3A_45 = vector.broadcast %add3A_44 : f32 to vector<1x128xf32>
    %add3A_46 = arith.addf %div3A_40, %add3A_45 : vector<1x128xf32>
    %rsqrt3A = math.rsqrt %add3A_46 : vector<1x128xf32>
    %mul3A_47 = vector.broadcast %rsqrt3A : vector<1x128xf32> to vector<10000x128xf32>
    %mul3A_48 = arith.mulf %mul3A_43, %mul3A_47 : vector<10000x128xf32>
    %add3A_49 = vector.broadcast %get3A_22 : vector<1x128xf32> to vector<10000x128xf32>
    %add3A_50 = arith.addf %mul3A_48, %add3A_49 : vector<10000x128xf32>
    %max3A_51 = arith.constant 0.000000e+00 : f32
    %max3A_52 = vector.broadcast %max3A_51 : f32 to vector<10000x128xf32>
    %max3A_53 = arith.maximumf %add3A_50, %max3A_52 : vector<10000x128xf32>
    %get3A_54 = arith.constant 0 : index
    %get3A_55 = arith.constant 0 : index
    %get3A_56 = vector.load %arg8[%get3A_54, %get3A_55] : memref<128x128xf32, #tpu.memory_space<vmem>>, vector<128x128xf32>
    %dot_general3A = arith.constant dense<0.000000e+00> : vector<10000x128xf32>
    %dot_general3A_57 = tpu.matmul %max3A_53, %get3A_56, %dot_general3A {dimension_numbers = #tpu.dot_dimension_numbers<[1], [1], [0], [0], [0, 0, 1, 0], [], []>, transpose_lhs_hint = false} : vector<10000x128xf32>, vector<128x128xf32>, vector<10000x128xf32> -> vector<10000x128xf32>
    %swap3A = arith.constant 0 : index
    %swap3A_58 = arith.constant 0 : index
    %swap3A_59 = vector.load %arg10[%swap3A, %swap3A_58] : memref<10000x128xf32, #tpu.memory_space<vmem>>, vector<10000x128xf32>
    tpu.vector_store %arg10[%swap3A, %swap3A_58], %dot_general3A_57 {strides = array<i32>} : memref<10000x128xf32, #tpu.memory_space<vmem>>, vector<10000x128xf32>,
    %get3A_60 = arith.constant 0 : index
    %get3A_61 = arith.constant 0 : index
    %get3A_62 = vector.load %arg9[%get3A_60, %get3A_61] : memref<128x128xf32, #tpu.memory_space<vmem>>, vector<128x128xf32>
    %dot_general3A_63 = arith.constant dense<0.000000e+00> : vector<10000x128xf32>
    %dot_general3A_64 = tpu.matmul %max3A_53, %get3A_62, %dot_general3A_63 {dimension_numbers = #tpu.dot_dimension_numbers<[1], [1], [0], [0], [0, 0, 1, 0], [], []>, transpose_lhs_hint = false} : vector<10000x128xf32>, vector<128x128xf32>, vector<10000x128xf32> -> vector<10000x128xf32>
    %swap3A_65 = arith.constant 0 : index
    %swap3A_66 = arith.constant 0 : index
    %swap3A_67 = vector.load %arg11[%swap3A_65, %swap3A_66] : memref<10000x128xf32, #tpu.memory_space<vmem>>, vector<10000x128xf32>
    tpu.vector_store %arg11[%swap3A_65, %swap3A_66], %dot_general3A_64 {strides = array<i32>} : memref<10000x128xf32, #tpu.memory_space<vmem>>, vector<10000x128xf32>,
    return
  }
}

module attributes {stable_mosaic.version = 14 : i64} {
  func.func @_final_body(%arg0: memref<10000x128xf32, #tpu.memory_space<vmem>>, %arg1: memref<10000x128xf32, #tpu.memory_space<vmem>>, %arg2: memref<10000x1xf32, #tpu.memory_space<vmem>>, %arg3: memref<10000x1xf32, #tpu.memory_space<vmem>>, %arg4: memref<10000x128xf32, #tpu.memory_space<vmem>>, %arg5: memref<1x128xf32, #tpu.memory_space<vmem>>, %arg6: memref<1x128xf32, #tpu.memory_space<vmem>>, %arg7: memref<1x128xf32, #tpu.memory_space<vmem>>, %arg8: memref<10000x1xi32, #tpu.memory_space<vmem>>, %arg9: memref<64x128xf32, #tpu.memory_space<vmem>>, %arg10: memref<64xf32, #tpu.memory_space<vmem>>, %arg11: memref<10x64xf32, #tpu.memory_space<vmem>>, %arg12: memref<10xf32, #tpu.memory_space<vmem>>, %arg13: memref<64x10xf32, #tpu.memory_space<vmem>>) attributes {dimension_semantics = [], scalar_prefetch = 0 : i64, scratch_operands = 0 : i64, tpu.core_type = #tpu.core_type<tc>} {
    %get3A = arith.constant 0 : index
    %get3A_0 = arith.constant 0 : index
    %get3A_1 = vector.load %arg0[%get3A, %get3A_0] : memref<10000x128xf32, #tpu.memory_space<vmem>>, vector<10000x128xf32>
    %get3A_2 = arith.constant 0 : index
    %get3A_3 = arith.constant 0 : index
    %get3A_4 = vector.load %arg1[%get3A_2, %get3A_3] : memref<10000x128xf32, #tpu.memory_space<vmem>>, vector<10000x128xf32>
    %get3A_5 = arith.constant 0 : index
    %get3A_6 = arith.constant 0 : index
    %get3A_7 = vector.load %arg2[%get3A_5, %get3A_6] : memref<10000x1xf32, #tpu.memory_space<vmem>>, vector<10000x1xf32>
    %get3A_8 = arith.constant 0 : index
    %get3A_9 = arith.constant 0 : index
    %get3A_10 = vector.load %arg3[%get3A_8, %get3A_9] : memref<10000x1xf32, #tpu.memory_space<vmem>>, vector<10000x1xf32>
    %get3A_11 = arith.constant 0 : index
    %get3A_12 = arith.constant 0 : index
    %get3A_13 = vector.load %arg4[%get3A_11, %get3A_12] : memref<10000x128xf32, #tpu.memory_space<vmem>>, vector<10000x128xf32>
    %get3A_14 = arith.constant 0 : index
    %get3A_15 = arith.constant 0 : index
    %get3A_16 = vector.load %arg5[%get3A_14, %get3A_15] : memref<1x128xf32, #tpu.memory_space<vmem>>, vector<1x128xf32>
    %get3A_17 = arith.constant 0 : index
    %get3A_18 = arith.constant 0 : index
    %get3A_19 = vector.load %arg6[%get3A_17, %get3A_18] : memref<1x128xf32, #tpu.memory_space<vmem>>, vector<1x128xf32>
    %get3A_20 = arith.constant 0 : index
    %get3A_21 = arith.constant 0 : index
    %get3A_22 = vector.load %arg7[%get3A_20, %get3A_21] : memref<1x128xf32, #tpu.memory_space<vmem>>, vector<1x128xf32>
    %add3A = arith.addf %get3A_7, %get3A_10 : vector<10000x1xf32>
    %max3A = arith.constant 1.000000e+00 : f32
    %max3A_23 = vector.broadcast %max3A : f32 to vector<10000x1xf32>
    %max3A_24 = arith.maximumf %add3A, %max3A_23 : vector<10000x1xf32>
    %add3A_25 = arith.addf %get3A_1, %get3A_4 : vector<10000x128xf32>
    %div3A = vector.broadcast %max3A_24 : vector<10000x1xf32> to vector<10000x128xf32>
    %div3A_26 = arith.divf %add3A_25, %div3A : vector<10000x128xf32>
    %add3A_27 = vector.broadcast %get3A_16 : vector<1x128xf32> to vector<10000x128xf32>
    %add3A_28 = arith.addf %div3A_26, %add3A_27 : vector<10000x128xf32>
    %add3A_29 = arith.addf %add3A_28, %get3A_13 : vector<10000x128xf32>
    %reduce_sum3A = arith.constant dense<0.000000e+00> : vector<128xf32>
    %reduce_sum3A_30 = vector.multi_reduction <add>, %add3A_29, %reduce_sum3A [0] : vector<10000x128xf32> to vector<128xf32>
    %broadcast_in_dim3A = vector.shape_cast %reduce_sum3A_30 : vector<128xf32> to vector<1x128xf32>
    %div3A_31 = arith.constant 1.000000e+04 : f32
    %div3A_32 = vector.broadcast %div3A_31 : f32 to vector<1x128xf32>
    %div3A_33 = arith.divf %broadcast_in_dim3A, %div3A_32 : vector<1x128xf32>
    %sub3A = vector.broadcast %div3A_33 : vector<1x128xf32> to vector<10000x128xf32>
    %sub3A_34 = arith.subf %add3A_29, %sub3A : vector<10000x128xf32>
    %square3A = arith.mulf %sub3A_34, %sub3A_34 : vector<10000x128xf32>
    %reduce_sum3A_35 = arith.constant dense<0.000000e+00> : vector<128xf32>
    %reduce_sum3A_36 = vector.multi_reduction <add>, %square3A, %reduce_sum3A_35 [0] : vector<10000x128xf32> to vector<128xf32>
    %broadcast_in_dim3A_37 = vector.shape_cast %reduce_sum3A_36 : vector<128xf32> to vector<1x128xf32>
    %div3A_38 = arith.constant 1.000000e+04 : f32
    %div3A_39 = vector.broadcast %div3A_38 : f32 to vector<1x128xf32>
    %div3A_40 = arith.divf %broadcast_in_dim3A_37, %div3A_39 : vector<1x128xf32>
    %sub3A_41 = vector.broadcast %div3A_33 : vector<1x128xf32> to vector<10000x128xf32>
    %sub3A_42 = arith.subf %add3A_29, %sub3A_41 : vector<10000x128xf32>
    %mul3A = vector.broadcast %get3A_19 : vector<1x128xf32> to vector<10000x128xf32>
    %mul3A_43 = arith.mulf %mul3A, %sub3A_42 : vector<10000x128xf32>
    %add3A_44 = arith.constant 9.99999974E-6 : f32
    %add3A_45 = vector.broadcast %add3A_44 : f32 to vector<1x128xf32>
    %add3A_46 = arith.addf %div3A_40, %add3A_45 : vector<1x128xf32>
    %rsqrt3A = math.rsqrt %add3A_46 : vector<1x128xf32>
    %mul3A_47 = vector.broadcast %rsqrt3A : vector<1x128xf32> to vector<10000x128xf32>
    %mul3A_48 = arith.mulf %mul3A_43, %mul3A_47 : vector<10000x128xf32>
    %add3A_49 = vector.broadcast %get3A_22 : vector<1x128xf32> to vector<10000x128xf32>
    %add3A_50 = arith.addf %mul3A_48, %add3A_49 : vector<10000x128xf32>
    %max3A_51 = arith.constant 0.000000e+00 : f32
    %max3A_52 = vector.broadcast %max3A_51 : f32 to vector<10000x128xf32>
    %max3A_53 = arith.maximumf %add3A_50, %max3A_52 : vector<10000x128xf32>
    %get3A_54 = arith.constant 0 : index
    %get3A_55 = arith.constant 0 : index
    %get3A_56 = vector.load %arg8[%get3A_54, %get3A_55] : memref<10000x1xi32, #tpu.memory_space<vmem>>, vector<10000x1xi32>
    %iota3A = tpu.iota {dimensions = array<i32: 1>} : vector<10000x64xi32>
    %eq3A = vector.broadcast %get3A_56 : vector<10000x1xi32> to vector<10000x64xi32>
    %eq3A_57 = arith.cmpi eq, %eq3A, %iota3A : vector<10000x64xi32>
    %convert_element_type3A = arith.extui %eq3A_57 : vector<10000x64xi1> to vector<10000x64xi32>
    %convert_element_type3A_58 = arith.sitofp %convert_element_type3A : vector<10000x64xi32> to vector<10000x64xf32>
    %dot_general3A = arith.constant dense<0.000000e+00> : vector<64x128xf32>
    %dot_general3A_59 = tpu.matmul %convert_element_type3A_58, %max3A_53, %dot_general3A {dimension_numbers = #tpu.dot_dimension_numbers<[0], [0], [1], [1], [0, 1, 1, 1], [], []>, transpose_lhs_hint = false} : vector<10000x64xf32>, vector<10000x128xf32>, vector<64x128xf32> -> vector<64x128xf32>
    %reduce_sum3A_60 = arith.constant dense<0.000000e+00> : vector<64xf32>
    %reduce_sum3A_61 = vector.multi_reduction <add>, %convert_element_type3A_58, %reduce_sum3A_60 [0] : vector<10000x64xf32> to vector<64xf32>
    %broadcast_in_dim3A_62 = vector.shape_cast %reduce_sum3A_61 : vector<64xf32> to vector<64x1xf32>
    %max3A_63 = arith.constant 1.000000e+00 : f32
    %max3A_64 = vector.broadcast %max3A_63 : f32 to vector<64x1xf32>
    %max3A_65 = arith.maximumf %broadcast_in_dim3A_62, %max3A_64 : vector<64x1xf32>
    %div3A_66 = vector.broadcast %max3A_65 : vector<64x1xf32> to vector<64x128xf32>
    %div3A_67 = arith.divf %dot_general3A_59, %div3A_66 : vector<64x128xf32>
    %get3A_68 = arith.constant 0 : index
    %get3A_69 = arith.constant 0 : index
    %get3A_70 = vector.load %arg9[%get3A_68, %get3A_69] : memref<64x128xf32, #tpu.memory_space<vmem>>, vector<64x128xf32>
    %dot_general3A_71 = arith.constant dense<0.000000e+00> : vector<64x64xf32>
    %dot_general3A_72 = tpu.matmul %div3A_67, %get3A_70, %dot_general3A_71 {dimension_numbers = #tpu.dot_dimension_numbers<[1], [1], [0], [0], [0, 0, 1, 0], [], []>, transpose_lhs_hint = false} : vector<64x128xf32>, vector<64x128xf32>, vector<64x64xf32> -> vector<64x64xf32>
    %get3A_73 = arith.constant 0 : index
    %get3A_74 = vector.load %arg10[%get3A_73] : memref<64xf32, #tpu.memory_space<vmem>>, vector<64xf32>
    %broadcast_in_dim3A_75 = vector.shape_cast %get3A_74 : vector<64xf32> to vector<1x64xf32>
    %add3A_76 = vector.broadcast %broadcast_in_dim3A_75 : vector<1x64xf32> to vector<64x64xf32>
    %add3A_77 = arith.addf %dot_general3A_72, %add3A_76 : vector<64x64xf32>
    %max3A_78 = arith.constant 0.000000e+00 : f32
    %max3A_79 = vector.broadcast %max3A_78 : f32 to vector<64x64xf32>
    %max3A_80 = arith.maximumf %add3A_77, %max3A_79 : vector<64x64xf32>
    %get3A_81 = arith.constant 0 : index
    %get3A_82 = arith.constant 0 : index
    %get3A_83 = vector.load %arg11[%get3A_81, %get3A_82] : memref<10x64xf32, #tpu.memory_space<vmem>>, vector<10x64xf32>
    %dot_general3A_84 = arith.constant dense<0.000000e+00> : vector<64x10xf32>
    %dot_general3A_85 = tpu.matmul %max3A_80, %get3A_83, %dot_general3A_84 {dimension_numbers = #tpu.dot_dimension_numbers<[1], [1], [0], [0], [0, 0, 1, 0], [], []>, transpose_lhs_hint = false} : vector<64x64xf32>, vector<10x64xf32>, vector<64x10xf32> -> vector<64x10xf32>
    %get3A_86 = arith.constant 0 : index
    %get3A_87 = vector.load %arg12[%get3A_86] : memref<10xf32, #tpu.memory_space<vmem>>, vector<10xf32>
    %broadcast_in_dim3A_88 = vector.shape_cast %get3A_87 : vector<10xf32> to vector<1x10xf32>
    %add3A_89 = vector.broadcast %broadcast_in_dim3A_88 : vector<1x10xf32> to vector<64x10xf32>
    %add3A_90 = arith.addf %dot_general3A_85, %add3A_89 : vector<64x10xf32>
    %swap3A = arith.constant 0 : index
    %swap3A_91 = arith.constant 0 : index
    %swap3A_92 = vector.load %arg13[%swap3A, %swap3A_91] : memref<64x10xf32, #tpu.memory_space<vmem>>, vector<64x10xf32>
    tpu.vector_store %arg13[%swap3A, %swap3A_91], %add3A_90 {strides = array<i32>} : memref<64x10xf32, #tpu.memory_space<vmem>>, vector<64x10xf32>,
    return
  }
}

</mosaic_0001>

<sc_bundles>
// kernel: kernel.12.cloned.1.call-start
scs
__scs_entry_jumppad:
0x0: {  	(pc) =	sbr.rel $0x88, $3  }
0x1: {  	(tag) =	ssettag $0x0;
	lr =	simm.s32 $0x1  }
0x2: {  	[smem:$0x3F8B] =	sst lr;
	_ =	strace $0xD0000000  }
0x3: {  	_ = 	snop  }
0x4: {  	_ = 	snop  }
0x5: {  	_ = 	snop  }
0x6: {  	_ = 	snop  }
0x7: {  	_ = 	snop  }
__scs_overlays_trampoline_lowered:
0x8: {  	[smem:$0x3F9A] =	sst s0  }
0x9: {  	[smem:$0x3F9B] =	sst s1  }
0xa: {  	[smem:$0x3F9C] =	sst s2  }
0xb: {  	[smem:$0x3F9D] =	sst s3  }
0xc: {  	[smem:$0x3F9E] =	sst s4  }
0xd: {  	[smem:$0x3F9F] =	sst s5  }
0xe: {  	[smem:$0x3FA0] =	sst s6  }
0xf: {  	[smem:$0x3FA1] =	sst s7  }
0x10: {  	[smem:$0x3FA2] =	sst s8  }
0x11: {  	[smem:$0x3FA3] =	sst s9;
	s0 =	simm.s32 @!p0 $0x0  }
0x12: {  	s1 =	sld [smem:$0x3F89];
	s0 =	simm.s32 @p0 $0x1  }
0x13: {  	[smem:$0x3FA4] =	sst s0;
	s0 =	simm.s32 @!p1 $0x0  }
0x14: {  	s2 =	sld [smem:$0x3F88];
	s0 =	simm.s32 @p1 $0x1  }
0x15: {  	[smem:$0x3FA5] =	sst s0;
	s0 =	simm.s32 @!p2 $0x0  }
0x16: {  	s3 =	sld [smem:$0x3FDB];
	s0 =	simm.s32 @p2 $0x1  }
0x17: {  	s4 =	simm.s32 $0x1BF5;
	[smem:$0x3FA7] =	sst s0  }
0x18: {  	s0 =	sld [smem:$0x3F8A];
	_ =	swait.ge [sflag:s4], $0x0  }
0x19: {  	s7 =	sld [smem:$0x3F8B]  }
0x1a: {  	s8 =	sadd.s32 $0xFFFFE003, lr  }
0x1b: {  	s9 =	sadd.s32 $0xFFFFFEF7, lr;
	s5 =	simm.s32 $0xFFFFFFFF;
	p2 =	slt.u32 s8, $0xFFFFF086  }
0x1c: {  	p1 =	slt.u32 s9, $0xF7A;
	s5 =	simm.s32 @!p2 $0x0  }
0x1d: {  	s5 =	simm.s32 @p1 $0x1;
	p0 =	seq.s32 s7, s2  }
0x1e: {  	s7 =	smul.u32 @!p0 $0xF7A, s2;
	p2 =	seq.s32 @!p0 s5, $0x0  }
0x1f: {  	s9 =	smul.u32 $0xF7A, s1;
	s8 =	simm.s32 @!p0 $0x1BF5;
	p2 =	por !p2, p0  }
0x20: {  	[sflag:s8] =	ssyncset.s32 @!p0 $0xFFFFF086;
	s6 =	sadd.s32 @!p0 s3, s7;
	s7 =	simm.s32 @!p0 $0x108  }
0x21: {  	s3 =	sadd.s32 s3, s9;
	s6 =	sadd.s32 @!p0 $0x88, s6;
	s7 =	simm.s32 @p2 $0x1082  }
0x22: {  	[simem:s7], [sflag:s8] =	dma.local @!p0 [hbm:s6], $0xF7A  }
0x23: {  	s9 =	sor.u32 $0xD0000000, s2;
	s6 =	simm.s32 $0x108;
	_ =	swait.ge @!p0 [sflag:s8], $0x0  }
0x24: {  	s3 =	sadd.s32 $0x88, s3;
	s6 =	simm.s32 @!p1 $0x1082;
	[sflag:s4] =	ssyncset.s32 $0xFFFFF086  }
0x25: {  	[simem:s6], [sflag:s4] =	dma.local [hbm:s3], $0xF7A  }
0x26: {  	[smem:$0x3F8B] =	sst s1;
	(tag) =	ssettag s2;
	_ =	strace s9  }
0x27: {  	s1 =	sld [smem:$0x3F9B]  }
0x28: {  	s2 =	sld [smem:$0x3F9C]  }
0x29: {  	s4 =	sld [smem:$0x3F9E]  }
0x2a: {  	p0 =	seq.s32 s5, $0x0;
	s5 =	sld [smem:$0x3F9F]  }
0x2b: {  	s6 =	sld [smem:$0x3FA0]  }
0x2c: {  	s7 =	sld [smem:$0x3FA1]  }
0x2d: {  	s3 =	simm.s32 $0x108;
	s8 =	sld [smem:$0x3FA2]  }
0x2e: {  	s3 =	simm.s32 @!p0 $0x1082;
	s9 =	sld [smem:$0x3FA3]  }
0x2f: {  	lr =	sadd.s32 s0, s3;
	s0 =	sld [smem:$0x3F9A]  }
0x30: {  	s3 =	sld [smem:$0x3F9D]  }
0x31: {  	[smem:$0x3FA6] =	sst s10  }
0x32: {  	s10 =	sld [smem:$0x3FA4];
	_ =	sdelay $0x3  }
0x33: {  	p0 =	seq.s32 s10, $0x1;
	s10 =	sld [smem:$0x3FA6];
	_ =	sdelay $0x3  }
0x34: {  	[smem:$0x3FA6] =	sst s10  }
0x35: {  	s10 =	sld [smem:$0x3FA5];
	_ =	sdelay $0x3  }
0x36: {  	p1 =	seq.s32 s10, $0x1;
	s10 =	sld [smem:$0x3FA6];
	_ =	sdelay $0x3  }
0x37: {  	[smem:$0x3FA6] =	sst s10  }
0x38: {  	s10 =	sld [smem:$0x3FA7]  }
0x39: {  	_ = 	snop;
	(pc) =	sbr.ind lr, $3  }
0x3a: {  	_ = 	snop  }
0x3b: {  	_ = 	snop  }
0x3c: {  	p2 =	seq.s32 s10, $0x1;
	s10 =	sld [smem:$0x3FA6]  }
0x3d: {  	_ =	shalt  }
0x3e: {  	_ =	shalt  }
0x3f: {  	_ =	shalt  }
0x40: {  	_ =	shalt  }
0x41: {  	_ =	shalt  }
0x42: {  	_ =	shalt  }
0x43: {  	_ =	shalt  }
0x44: {  	_ =	shalt  }
0x45: {  	_ =	shalt  }
0x46: {  	_ =	shalt  }
0x47: {  	_ =	shalt  }
0x48: {  	_ =	shalt  }
0x49: {  	_ =	shalt  }
0x4a: {  	_ =	shalt  }
0x4b: {  	_ =	shalt  }
0x4c: {  	_ =	shalt  }
0x4d: {  	_ =	shalt  }
0x4e: {  	_ =	shalt  }
0x4f: {  	_ =	shalt  }
0x50: {  	_ =	shalt  }
0x51: {  	_ =	shalt  }
0x52: {  	_ =	shalt  }
0x53: {  	_ =	shalt  }
0x54: {  	_ =	shalt  }
0x55: {  	_ =	shalt  }
0x56: {  	_ =	shalt  }
0x57: {  	_ =	shalt  }
0x58: {  	_ =	shalt  }
0x59: {  	_ =	shalt  }
0x5a: {  	_ =	shalt  }
0x5b: {  	_ =	shalt  }
0x5c: {  	_ =	shalt  }
0x5d: {  	_ =	shalt  }
0x5e: {  	_ =	shalt  }
0x5f: {  	_ =	shalt  }
0x60: {  	_ =	shalt  }
0x61: {  	_ =	shalt  }
0x62: {  	_ =	shalt  }
0x63: {  	_ =	shalt  }
0x64: {  	_ =	shalt  }
0x65: {  	_ =	shalt  }
0x66: {  	_ =	shalt  }
0x67: {  	_ =	shalt  }
0x68: {  	_ =	shalt  }
0x69: {  	_ =	shalt  }
0x6a: {  	_ =	shalt  }
0x6b: {  	_ =	shalt  }
0x6c: {  	_ =	shalt  }
0x6d: {  	_ =	shalt  }
0x6e: {  	_ =	shalt  }
0x6f: {  	_ =	shalt  }
0x70: {  	_ =	shalt  }
0x71: {  	_ =	shalt  }
0x72: {  	_ =	shalt  }
0x73: {  	_ =	shalt  }
0x74: {  	_ =	shalt  }
0x75: {  	_ =	shalt  }
0x76: {  	_ =	shalt  }
0x77: {  	_ =	shalt  }
0x78: {  	_ =	shalt  }
0x79: {  	_ =	shalt  }
0x7a: {  	_ =	shalt  }
0x7b: {  	_ =	shalt  }
0x7c: {  	_ =	shalt  }
0x7d: {  	_ =	shalt  }
0x7e: {  	_ =	shalt  }
0x7f: {  	_ =	shalt  }
0x80: {  	_ =	shalt  }
0x81: {  	_ =	shalt  }
0x82: {  	_ =	shalt  }
0x83: {  	_ =	shalt  }
0x84: {  	_ =	shalt  }
0x85: {  	_ =	shalt  }
0x86: {  	_ =	shalt  }
0x87: {  	_ =	shalt  }
.Lfunc_end0:
.L_simem_size_0:
called_computation.1_lowered:
.L_overlay_start_0:
0x88: {  	s2 =	sld [smem:$0x3FD9]  }
0x89: {  	s3 =	sld [smem:$0x3FFE];
	_ =	sdelay $0x1  }
0x8a: {  	s1 =	srdreg.scid  }
0x8b: {  	s0 =	sand.u32 $0x1, s1  }
0x8c: {  	s16 =	sshll.u32 s0, $0xA;
	s2 =	sadd.s32 s3, s2  }
0x8d: {  	s2 =	sadd.s32 s2, s16  }
0x8e: {  	[smem:$0x3FB2] =	sst s2  }
0x8f: {  	_ = 	snop  }
0x90: {  	(tm) =	ssettm $0x1  }
0x91: {  	s17 =	sld [smem:$0x3FFB];
	_ =	sdelay $0x3  }
0x92: {  	_ =	strace s17  }
0x93: {  	s2 =	sld [smem:$0x3FFC];
	_ =	sdelay $0x3  }
0x94: {  	_ =	strace s2  }
0x95: {  	s2 =	sld [smem:$0x3FFD];
	_ =	sdelay $0x3  }
0x96: {  	_ =	strace s2  }
0x97: {  	_ =	strace $0x8FFFFFFF  }
0x98: {  	s18 =	sld [smem:$0x3FDB];
	_ =	sdelay $0x1  }
0x99: {  	s19 =	simm.s32 $_scs_section_size  }
0x9a: {  	s4 =	simm.s32 $_size__tile_overlayer_lowered;
	s5 =	simm.s32 $_tile_overlayer_lowered  }
0x9b: {  	s22 =	simm.s32 $0x1BFF;
	s21 =	sshll.u32 s5, $0x1;
	s2 =	sadd.s32 s19, s18  }
0x9c: {  	s6 =	simm.s32 $0x0;
	s20 =	sshll.u32 s4, $0x1;
	s4 =	sadd.s32 s21, s2  }
0x9d: {  	[timem:s6], [sflag:s22] =	dma.local [hbm:s4], s20  }
0x9e: {  	_ =	swait.ge [sflag:s22], s20  }
0x9f: {  	s3 =	ssub.s32 $0x0, s20;
	[sflag:s22] =	ssyncset.done $0x0  }
0xa0: {  	[sflag:s22] =	ssyncadd.s32 s3;
	_ =	sdelay $0x1  }
0xa1: {  	s23 =	simm.s32 $0x1B8B  }
0xa2: {  	_ =	swait.ge [sflag:s23], $0x1  }
0xa3: {  	[sflag:s23] =	ssyncset.done $0x0  }
0xa4: {  	s25 =	simm.s32 $0x1B8E;
	s24 =	sld [smem:$0x3FFE];
	[sflag:s23] =	ssyncadd.s32 $0xFFFFFFFF  }
0xa5: {  	s26 =	simm.s32 $execute0_lowered;
	[smem:$0x3FD2] =	sst s25  }
0xa6: {  	s4 =	sshll.u32 s26, $0x1;
	_ =	strace $0x80000049;
	[dreg:$0x1] =	wrdreg $0xFFFFFFFF  }
0xa7: {  	s28 =	simm.s32 $_size_execute0_lowered;
	s2 =	sadd.s32 s2, s4;
	[dreg:$0x0] =	wrdreg $0x0  }
0xa8: {  	s4 =	sshll.u32 s28, $0x1;
	[dreg:$0x2] =	wrdreg s2  }
0xa9: {  	[dreg:$0x3] =	wrdreg s4  }
0xaa: {  	[dreg:$0x4] =	wrdreg $0xC0  }
0xab: {  	_ =	task [dreg:s6], $0x5FFFF  }
0xac: {  	[dreg:$0x1] =	wrdreg $0xFFFFFFFF  }
0xad: {  	[dreg:$0x0] =	wrdreg $0x60  }
0xae: {  	[dreg:$0x2] =	wrdreg s24  }
0xaf: {  	[dreg:$0x3] =	wrdreg $0x54000  }
0xb0: {  	[dreg:$0x4] =	wrdreg $0x9  }
0xb1: {  	_ =	task.clear_ibuf [dreg:s6], $0x5FFFF;
	_ =	strace $0x90000049  }
0xb2: {  	s29 =	simm.s32 $0x9;
	_ =	strace $0x8000004B  }
0xb3: {  	_ =	swait.ge [sflag:s29], $0x1  }
0xb4: {  	[sflag:s29] =	ssyncadd.s32 $0xFFFFFFFF  }
0xb5: {  	_ =	strace $0x9000004B  }
0xb6: {  	_ =	sfence  }
0xb7: {  	s30 =	sld [smem:$0x0];
	_ =	sdelay $0x2  }
0xb8: {  	s31 =	sshll.u32 s1, $0xD;
	s1 =	sshrl.u32 s1, $0x2  }
0xb9: {  	s3 =	sand.u32 $0x4000, s31;
	s1 =	sadd.s32 s1, s30  }
0xba: {  	s0 =	sor.u32 s3, s0;
	s1 =	sshll.u32 s1, $0x11  }
0xbb: {  	s0 =	sor.u32 s1, s0  }
0xbc: {  	s0 =	sadd.s32 $0x8F2B, s0  }
0xbd: {  	[sflag:s0] =	ssyncadd.remote.s32 $0x1  }
0xbe: {  	_ =	sfence.sel $0xFFFF  }
0xbf: {  	[dreg:$0x0] =	wrdreg $0xFFFFFFFF;
	(pc) =	sbr.abs _section_cstart, $3  }
0xc0: {  	[dreg:$0x1] =	wrdreg $0xFFFFFFFF  }
0xc1: {  	_ =	task.clear_ibuf [dreg:s6], $0x2FFFF;
	_ =	strace $0x9FFFFFFF  }
0xc2: {  	(tm) =	ssettm $0x7FFFFFFF  }
0xc3: {  	_ =	shalt  }
tec
execute0_lowered:
.L_overlay_start_1:
0x0: {  	(tag) =	ssettag $0x1  }
0x1: {  	s0 =	rddreg [dreg:$0x0]  }
0x2: {  	s2 =	rddreg [dreg:$0x1]  }
0x3: {  	s3 =	simm.s32 $0x0;
	s15 =	stileid.u32;
	s7 =	srdreg.scid  }
0x4: {  	s28 =	simm.s32 $0x80;
	s29 =	simm.s32 $0x280;
	s30 =	simm.s32 $0x100  }
0x5: {  	s31 =	simm.s32 $0x300;
	[smem:$0x7FF] =	sst s3;
	s1 =	smul.u32 $0x2700, s15  }
0x6: {  	s4 =	sadd.s32 $0x41600, s0;
	s5 =	sadd.s32 $0x10600, s0;
	s6 =	sadd.s32 $0x6800, s0  }
0x7: {  	s7 =	sand.u32 $0x1, s7;
	s16 =	sadd.s32 $0xB6C00, s0;
	s9 =	smul.u32 $0x4E000, s15  }
0x8: {  	s17 =	sadd.s32 $0x106200, s0;
	s20 =	sshll.u32 s15, $0x6;
	s21 =	sadd.s32 $0x138000, s2  }
0x9: {  	s14 =	smul.u32 $0x2710, s15;
	p1 =	sne.s32 s15, $0xF;
	p2 =	seq.s32 s15, $0xF  }
0xa: {  	_ =	strace $0x8000004A;
	s10 =	sshll.u32 s7, $0x4;
	[dreg:$0xd] =	wrdreg s21  }
0xb: {  	s11 =	ssub.s32 $0x2, s7;
	s18 =	sor.u32 $0x1C09, s20;
	[dreg:$0x8] =	wrdreg s16  }
0xc: {  	s25 =	smul.u32 $0x27100, s7;
	p0 =	seq.s32 s7, $0x1;
	[dreg:$0x9] =	wrdreg s17  }
0xd: {  	s7 =	simm.s32 $0x1;
	s8 =	sadd.s32 s1, s0;
	s10 =	sor.u32 s15, s10  }
0xe: {  	s9 =	sshrl.u32 s9, $0x2;
	s0 =	sadd.s32 $0x8F800, s0;
	[dreg:$0xc] =	wrdreg s18  }
0xf: {  	s12 =	sshrl.u32 s11, $0x1;
	s9 =	sadd.s32 s9, s2;
	[dreg:$0xe] =	wrdreg s0  }
0x10: {  	s15 =	simm.s32 $0x3;
	s8 =	sadd.s32 $0x68800, s8;
	[dreg:$0xa] =	wrdreg s9  }
0x11: {  	s10 =	smul.u32 $0x2710, s10;
	s12 =	ssub.s32 s11, s12;
	[dreg:$0xb] =	wrdreg s8  }
0x12: {  	s9 =	sadd.s32 s14, s25;
	s25 =	sadd.s32 s16, s1;
	s1 =	sadd.s32 s17, s1  }
0x13: {  	s14 =	simm.s32 $0x7;
	s16 =	simm.s32 $0x8;
	[dreg:$0x17] =	wrdreg s25  }
0x14: {  	s8 =	sshrl.u32 s10, $0x3;
	s13 =	sadd.s32 $0x140, s10;
	[dreg:$0x18] =	wrdreg s1  }
0x15: {  	s17 =	simm.s32 $0x4;
	s22 =	sadd.s32 s5, s8;
	[dreg:$0x3] =	wrdreg s13  }
0x16: {  	s21 =	sadd.s32 $0xF0, s9;
	s23 =	sadd.s32 s6, s8;
	[dreg:$0xf] =	wrdreg s22  }
0x17: {  	s24 =	sadd.s32 $0xA, s8;
	s13 =	sadd.s32 $0x190, s10;
	[dreg:$0x10] =	wrdreg s23  }
0x18: {  	s1 =	simm.s32 $0x380;
	s26 =	sadd.s32 s5, s24;
	[dreg:$0x4] =	wrdreg s13  }
0x19: {  	s19 =	sadd.s32 $0x14, s8;
	s0 =	sadd.s32 s6, s24;
	[dreg:$0x11] =	wrdreg s26  }
0x1a: {  	s9 =	simm.s32 $0x2;
	s20 =	sadd.s32 s5, s19;
	[dreg:$0x12] =	wrdreg s0  }
0x1b: {  	s8 =	sadd.s32 $0x1E, s8;
	s22 =	sadd.s32 $0x1E0, s10;
	[dreg:$0x13] =	wrdreg s20  }
0x1c: {  	s24 =	sadd.s32 s5, s8;
	s8 =	sadd.s32 s6, s8;
	[dreg:$0x5] =	wrdreg s22  }
0x1d: {  	s10 =	simm.s32 $0x2C00;
	s13 =	simm.s32 $0x6;
	[dreg:$0x15] =	wrdreg s24  }
0x1e: {  	s0 =	sadd.s32 s6, s19;
	[dreg:$0x16] =	wrdreg s8;
	s26 =	smax.u32 s12, $0x1  }
.Ltmp0:
0x1f: {  	s19 =	simm.s32 $0x9;
	s8 =	simm.s32 $0x50;
	(pc) =	sbr.rel .LBB2_1-.Ltmp0, $4  }
0x20: {  	s22 =	simm.s32 $0x400;
	[dreg:$0x14] =	wrdreg s0;
	s0 =	sshrl.u32 s21, $0x3  }
0x21: {  	s20 =	simm.s32 $0x0;
	[dreg:$0x19] =	wrdreg s26;
	s23 =	sadd.s32 s0, s6  }
0x22: {  	s26 =	simm.s32 $0x200;
	s0 =	sadd.s32 s0, s5;
	[dreg:$0x6] =	wrdreg s23  }
0x23: {  	[dreg:$0x7] =	wrdreg s0;
	s0 =	simm.s32 $0x180;
	s23 =	simm.s32 $0x5  }
.LBB2_6:
0x24: {  	s25 =	rddreg [dreg:$0xd]  }
0x25: {  	s11 =	sadd.s32 $0x27000, s12;
	s12 =	sshrl.u32 s25, $0x3  }
0x26: {  	[hbm:s11], [sflag:s18] =	dma.local [spmem:s12], $0x100  }
0x27: {  	_ =	swait.ge [sflag:s19], $0x100  }
0x28: {  	[sflag:s19] =	ssyncset.done $0x0  }
0x29: {  	[sflag:s19] =	ssyncadd.s32 $0xFFFFFF00  }
.LBB2_7:
0x2a: {  	s20 =	sadd.s32 $0x1, s20;
	s11 =	rddreg [dreg:$0x19]  }
0x2b: {  	p3 =	sne.s32 s20, s11  }
.Ltmp1:
0x2c: {  	_ = 	snop;
	(pc) =	sbr.rel @!p3 .LBB2_8-.Ltmp1, $1  }
0x2d: {  	_ =	sdelay $0x3  }
.LBB2_1:
0x2e: {  	[dreg:$0x1a] =	wrdreg s20  }
0x2f: {  	s11 =	rddreg [dreg:$0xa]  }
0x30: {  	s20 =	rddreg [dreg:$0xb];
	s12 =	sshrl.u32 s11, $0x3  }
0x31: {  	[dreg:$0x1b] =	wrdreg s12  }
0x32: {  	[spmem:s12], [sflag:s18] =	dma.local [hbm:s20], $0x2700  }
0x33: {  	_ =	swait.ge [sflag:s19], $0x2700  }
0x34: {  	[sflag:s19] =	ssyncset.done $0x0;
	s11 =	rddreg [dreg:$0xd]  }
0x35: {  	[sflag:s19] =	ssyncadd.s32 $0xFFFFD900;
	s12 =	sshrl.u32 @!p1 s11, $0x3;
	s11 =	rddreg [dreg:$0xe]  }
0x36: {  	[spmem:s12], [sflag:s18] =	dma.local @!p1 [hbm:s11], $0x100  }
0x37: {  	s12 =	simm.s32 @!p1 $0x9  }
0x38: {  	_ =	swait.ge @!p1 [sflag:s12], $0x100  }
0x39: {  	[sflag:s12] =	ssyncset.done @!p1 $0x0  }
0x3a: {  	[sflag:s12] =	ssyncadd.s32 @!p1 $0xFFFFFF00  }
0x3b: {  	[bflag:$0x0] =	sbarrier.arrive $0xFFFF  }
0x3c: {  	s21 =	rddreg [dreg:$0xf]  }
0x3d: {  	[tilespmem:s3], [sflag:$0x1] =	stream.linear.gather [hbm4b:s21+s3], $0x50, $0x38;
	[tilespmem:$0x18C80] =	vst v63  }
0x3e: {  	s24 =	rddreg [dreg:$0x10]  }
0x3f: {  	[tilespmem:s26], [sflag:$0x1] =	stream.linear.gather [hbm4b:s24+s3], $0x50, $0x38;
	[tilespmem:$0x18C80] =	vst v63  }
0x40: {  	s25 =	rddreg [dreg:$0x11]  }
0x41: {  	[tilespmem:s28], [sflag:$0x2] =	stream.linear.gather [hbm4b:s25+s3], $0x50, $0x38;
	[tilespmem:$0x18C80] =	vst v63  }
0x42: {  	s12 =	rddreg [dreg:$0x12]  }
0x43: {  	[tilespmem:s29], [sflag:$0x2] =	stream.linear.gather [hbm4b:s12+s3], $0x50, $0x38;
	[tilespmem:$0x18C80] =	vst v63  }
0x44: {  	s18 =	rddreg [dreg:$0x13]  }
0x45: {  	[tilespmem:s30], [sflag:$0x3] =	stream.linear.gather [hbm4b:s18+s3], $0x50, $0x38;
	[tilespmem:$0x18C80] =	vst v63  }
0x46: {  	s19 =	rddreg [dreg:$0x14]  }
0x47: {  	[tilespmem:s31], [sflag:$0x3] =	stream.linear.gather [hbm4b:s19+s3], $0x50, $0x38;
	[tilespmem:$0x18C80] =	vst v63  }
0x48: {  	s20 =	rddreg [dreg:$0x15]  }
0x49: {  	[tilespmem:s0], [sflag:$0x4] =	stream.linear.gather [hbm4b:s20+s3], $0x50, $0x38;
	[tilespmem:$0x18C80] =	vst v63  }
0x4a: {  	s21 =	rddreg [dreg:$0x16]  }
0x4b: {  	[tilespmem:s1], [sflag:$0x4] =	stream.linear.gather [hbm4b:s21+s3], $0x50, $0x38;
	[tilespmem:$0x18C80] =	vst v63  }
0x4c: {  	_ =	swait.ge [sflag:s7], $0x50  }
0x4d: {  	[sflag:s7] =	ssyncset.done $0x0  }
0x4e: {  	[sflag:s7] =	ssyncadd.s32 $0xFFFFFFB0  }
0x4f: {  	_ =	swait.ge [sflag:s7], $0x50  }
0x50: {  	[sflag:s7] =	ssyncset.done $0x0  }
0x51: {  	[sflag:s7] =	ssyncadd.s32 $0xFFFFFFB0  }
0x52: {  	[tilespmem:s22], [sflag:$0x5] =	stream.indirect.gather [hbm4b:s4+s8], $0x80, s3, s8, $0xb8;
	[tilespmem:$0x18C80] =	vst v63  }
0x53: {  	_ =	swait.ge [sflag:s23], $0x2800  }
0x54: {  	p3 =	por $0x1, $0x1;
	[sflag:s23] =	ssyncset.done $0x0  }
0x55: {  	s12 =	simm.s32 @!p3 $0x8;
	[sflag:s23] =	ssyncadd.s32 $0xFFFFD800  }
0x56: {  	[spmem:s2] =	stream.indirect.scatter.add.f32 [tilespmem:s22], [sflag:$0x7], $0x80, s26, s8, $0xb8;
	[tilespmem:$0x18C80] =	vst v63  }
0x57: {  	s24 =	simm.s32 @!p3 $0x180;
	_ =	swait.ge @!p3 [sflag:s12], $0x2800  }
0x58: {  	s21 =	simm.s32 @!p3 $0x0;
	s20 =	rddreg [dreg:$0x7];
	[sflag:s12] =	ssyncset.done @!p3 $0x0  }
0x59: {  	[sflag:s12] =	ssyncadd.s32 @!p3 $0xFFFFD800;
	s12 =	rddreg [dreg:$0x6];
	s20 =	sadd.s32 @!p3 $0x0, s20  }
0x5a: {  	[tilespmem:s24], [sflag:$0x4] =	stream.linear.gather @!p3 [hbm4b:s20+s21], $0x50, $0x38;
	[tilespmem:$0x18C80] =	vst v63  }
0x5b: {  	s20 =	simm.s32 @!p3 $0x380;
	s12 =	sadd.s32 @!p3 $0x0, s12  }
0x5c: {  	[tilespmem:s20], [sflag:$0x4] =	stream.linear.gather @!p3 [hbm4b:s12+s21], $0x50, $0x38;
	[tilespmem:$0x18C80] =	vst v63  }
0x5d: {  	_ =	swait.ge [sflag:s9], $0x50  }
0x5e: {  	[sflag:s9] =	ssyncset.done $0x0  }
0x5f: {  	[sflag:s9] =	ssyncadd.s32 $0xFFFFFFB0  }
0x60: {  	_ =	swait.ge [sflag:s9], $0x50  }
0x61: {  	[sflag:s9] =	ssyncset.done $0x0  }
0x62: {  	[sflag:s9] =	ssyncadd.s32 $0xFFFFFFB0  }
0x63: {  	[tilespmem:s10], [sflag:$0x6] =	stream.indirect.gather [hbm4b:s4+s8], $0x80, s28, s8, $0xb8;
	[tilespmem:$0x18C80] =	vst v63  }
0x64: {  	_ =	swait.ge [sflag:s13], $0x2800  }
0x65: {  	[sflag:s13] =	ssyncset.done $0x0  }
0x66: {  	[sflag:s13] =	ssyncadd.s32 $0xFFFFD800  }
0x67: {  	[spmem:s2] =	stream.indirect.scatter.add.f32 [tilespmem:s10], [sflag:$0x8], $0x80, s29, s8, $0xb8;
	[tilespmem:$0x18C80] =	vst v63  }
0x68: {  	s20 =	simm.s32 $0x0;
	_ =	swait.ge [sflag:s14], $0x2800  }
0x69: {  	s20 =	simm.s32 @p3 $0x0;
	s24 =	rddreg [dreg:$0x3]  }
0x6a: {  	s12 =	sadd.s32 s20, s24  }
0x6b: {  	[sflag:s14] =	ssyncset.done $0x0;
	s12 =	sshrl.u32 s12, $0x3  }
0x6c: {  	[sflag:s14] =	ssyncadd.s32 $0xFFFFD800;
	s25 =	sadd.s32 s5, s12  }
0x6d: {  	[tilespmem:s3], [sflag:$0x1] =	stream.linear.gather [hbm4b:s25+s3], $0x50, $0x38;
	[tilespmem:$0x18C80] =	vst v63  }
0x6e: {  	s12 =	sadd.s32 s6, s12  }
0x6f: {  	[tilespmem:s26], [sflag:$0x1] =	stream.linear.gather [hbm4b:s12+s3], $0x50, $0x38;
	[tilespmem:$0x18C80] =	vst v63  }
0x70: {  	_ =	swait.ge [sflag:s15], $0x50  }
0x71: {  	[sflag:s15] =	ssyncset.done $0x0  }
0x72: {  	[sflag:s15] =	ssyncadd.s32 $0xFFFFFFB0  }
0x73: {  	_ =	swait.ge [sflag:s15], $0x50  }
0x74: {  	[sflag:s15] =	ssyncset.done $0x0  }
0x75: {  	[sflag:s15] =	ssyncadd.s32 $0xFFFFFFB0  }
0x76: {  	[tilespmem:s22], [sflag:$0x5] =	stream.indirect.gather [hbm4b:s4+s8], $0x80, s30, s8, $0xb8;
	[tilespmem:$0x18C80] =	vst v63  }
0x77: {  	_ =	swait.ge [sflag:s23], $0x2800  }
0x78: {  	[sflag:s23] =	ssyncset.done $0x0  }
0x79: {  	[sflag:s23] =	ssyncadd.s32 $0xFFFFD800  }
0x7a: {  	[spmem:s2] =	stream.indirect.scatter.add.f32 [tilespmem:s22], [sflag:$0x7], $0x80, s31, s8, $0xb8;
	[tilespmem:$0x18C80] =	vst v63  }
0x7b: {  	_ =	swait.ge [sflag:s16], $0x2800  }
0x7c: {  	p3 =	por $0x0, $0x0;
	s12 =	rddreg [dreg:$0x4]  }
0x7d: {  	s12 =	sadd.s32 @!p3 s20, s12  }
0x7e: {  	s21 =	simm.s32 @!p3 $0x80;
	[sflag:s16] =	ssyncset.done $0x0;
	s12 =	sshrl.u32 @!p3 s12, $0x3  }
0x7f: {  	s24 =	simm.s32 @!p3 $0x0;
	[sflag:s16] =	ssyncadd.s32 $0xFFFFD800;
	s11 =	sadd.s32 @!p3 s5, s12  }
0x80: {  	[tilespmem:s21], [sflag:$0x2] =	stream.linear.gather @!p3 [hbm4b:s11+s24], $0x50, $0x38;
	[tilespmem:$0x18C80] =	vst v63  }
0x81: {  	s11 =	sadd.s32 @!p3 s6, s12;
	s12 =	simm.s32 @!p3 $0x280  }
0x82: {  	[tilespmem:s12], [sflag:$0x2] =	stream.linear.gather @!p3 [hbm4b:s11+s24], $0x50, $0x38;
	[tilespmem:$0x18C80] =	vst v63  }
0x83: {  	_ =	swait.ge [sflag:s17], $0x50  }
0x84: {  	[sflag:s17] =	ssyncset.done $0x0  }
0x85: {  	[sflag:s17] =	ssyncadd.s32 $0xFFFFFFB0  }
0x86: {  	_ =	swait.ge [sflag:s17], $0x50  }
0x87: {  	[sflag:s17] =	ssyncset.done $0x0  }
0x88: {  	[sflag:s17] =	ssyncadd.s32 $0xFFFFFFB0  }
0x89: {  	[tilespmem:s10], [sflag:$0x6] =	stream.indirect.gather [hbm4b:s4+s8], $0x80, s0, s8, $0xb8;
	[tilespmem:$0x18C80] =	vst v63  }
0x8a: {  	_ =	swait.ge [sflag:s13], $0x2800  }
0x8b: {  	[sflag:s13] =	ssyncset.done $0x0  }
0x8c: {  	[sflag:s13] =	ssyncadd.s32 $0xFFFFD800  }
0x8d: {  	[spmem:s2] =	stream.indirect.scatter.add.f32 [tilespmem:s10], [sflag:$0x8], $0x80, s1, s8, $0xb8;
	[tilespmem:$0x18C80] =	vst v63  }
0x8e: {  	_ =	swait.ge [sflag:s14], $0x2800  }
0x8f: {  	s11 =	rddreg [dreg:$0x5]  }
0x90: {  	s11 =	sadd.s32 @!p3 s20, s11  }
0x91: {  	[sflag:s14] =	ssyncset.done $0x0;
	s11 =	sshrl.u32 @!p3 s11, $0x3  }
0x92: {  	s12 =	simm.s32 @!p3 $0x100;
	[sflag:s14] =	ssyncadd.s32 $0xFFFFD800;
	s20 =	sadd.s32 @!p3 s5, s11  }
0x93: {  	[tilespmem:s12], [sflag:$0x3] =	stream.linear.gather @!p3 [hbm4b:s20+s24], $0x50, $0x38;
	[tilespmem:$0x18C80] =	vst v63  }
0x94: {  	s11 =	sadd.s32 @!p3 s6, s11;
	s12 =	simm.s32 @!p3 $0x300  }
0x95: {  	[tilespmem:s12], [sflag:$0x3] =	stream.linear.gather @!p3 [hbm4b:s11+s24], $0x50, $0x38;
	[tilespmem:$0x18C80] =	vst v63  }
0x96: {  	_ =	swait.ge [sflag:s7], $0x50  }
0x97: {  	[sflag:s7] =	ssyncset.done $0x0  }
0x98: {  	[sflag:s7] =	ssyncadd.s32 $0xFFFFFFB0  }
0x99: {  	_ =	swait.ge [sflag:s7], $0x50  }
0x9a: {  	s20 =	simm.s32 $0x28;
	s12 =	simm.s32 $0x0;
	[sflag:s7] =	ssyncset.done $0x0  }
.LBB2_2:
0x9b: {  	[sflag:s7] =	ssyncadd.s32 $0xFFFFFFB0  }
0x9c: {  	[tilespmem:s22], [sflag:$0x5] =	stream.indirect.gather [hbm4b:s4+s8], $0x80, s3, s8, $0xb8;
	[tilespmem:$0x18C80] =	vst v63  }
0x9d: {  	s24 =	smov.u32 s20;
	_ =	swait.ge [sflag:s23], $0x2800  }
0x9e: {  	p4 =	seq.s32 s24, $0x0;
	[sflag:s23] =	ssyncset.done $0x0  }
0x9f: {  	s11 =	simm.s32 @!p4 $0x8;
	[sflag:s23] =	ssyncadd.s32 $0xFFFFD800  }
0xa0: {  	[spmem:s2] =	stream.indirect.scatter.add.f32 [tilespmem:s22], [sflag:$0x7], $0x80, s26, s8, $0xb8;
	[tilespmem:$0x18C80] =	vst v63  }
0xa1: {  	s25 =	simm.s32 @!p4 $0x0;
	_ =	swait.ge @!p4 [sflag:s11], $0x2800  }
0xa2: {  	s18 =	simm.s32 @!p4 $0x180;
	[sflag:s11] =	ssyncset.done @!p4 $0x0;
	s21 =	rddreg [dreg:$0x7]  }
0xa3: {  	[sflag:s11] =	ssyncadd.s32 @!p4 $0xFFFFD800;
	s11 =	rddreg [dreg:$0x6];
	s21 =	sadd.s32 @!p4 s24, s21  }
0xa4: {  	[tilespmem:s18], [sflag:$0x4] =	stream.linear.gather @!p4 [hbm4b:s21+s25], $0x50, $0x38;
	[tilespmem:$0x18C80] =	vst v63  }
0xa5: {  	s19 =	simm.s32 @!p4 $0x380;
	s11 =	sadd.s32 @!p4 s24, s11  }
0xa6: {  	[tilespmem:s19], [sflag:$0x4] =	stream.linear.gather @!p4 [hbm4b:s11+s25], $0x50, $0x38;
	[tilespmem:$0x18C80] =	vst v63  }
0xa7: {  	_ =	swait.ge [sflag:s9], $0x50  }
0xa8: {  	[sflag:s9] =	ssyncset.done $0x0  }
0xa9: {  	[sflag:s9] =	ssyncadd.s32 $0xFFFFFFB0  }
0xaa: {  	_ =	swait.ge [sflag:s9], $0x50  }
0xab: {  	[sflag:s9] =	ssyncset.done $0x0  }
0xac: {  	[sflag:s9] =	ssyncadd.s32 $0xFFFFFFB0  }
0xad: {  	[tilespmem:s10], [sflag:$0x6] =	stream.indirect.gather [hbm4b:s4+s8], $0x80, s28, s8, $0xb8;
	[tilespmem:$0x18C80] =	vst v63  }
0xae: {  	_ =	swait.ge [sflag:s13], $0x2800  }
0xaf: {  	[sflag:s13] =	ssyncset.done $0x0  }
0xb0: {  	s12 =	sadd.s32 $0x140, s12;
	[sflag:s13] =	ssyncadd.s32 $0xFFFFD800  }
0xb1: {  	[spmem:s2] =	stream.indirect.scatter.add.f32 [tilespmem:s10], [sflag:$0x8], $0x80, s29, s8, $0xb8;
	[tilespmem:$0x18C80] =	vst v63  }
0xb2: {  	s21 =	smov.u32 s12;
	_ =	swait.ge [sflag:s14], $0x2800  }
0xb3: {  	s21 =	simm.s32 @p4 $0x0;
	s19 =	rddreg [dreg:$0x3]  }
0xb4: {  	s11 =	sadd.s32 s21, s19  }
0xb5: {  	[sflag:s14] =	ssyncset.done $0x0;
	s11 =	sshrl.u32 s11, $0x3  }
0xb6: {  	[sflag:s14] =	ssyncadd.s32 $0xFFFFD800;
	s25 =	sadd.s32 s5, s11  }
0xb7: {  	[tilespmem:s3], [sflag:$0x1] =	stream.linear.gather [hbm4b:s25+s3], $0x50, $0x38;
	[tilespmem:$0x18C80] =	vst v63  }
0xb8: {  	s11 =	sadd.s32 s6, s11  }
0xb9: {  	[tilespmem:s26], [sflag:$0x1] =	stream.linear.gather [hbm4b:s11+s3], $0x50, $0x38;
	[tilespmem:$0x18C80] =	vst v63  }
0xba: {  	_ =	swait.ge [sflag:s15], $0x50  }
0xbb: {  	[sflag:s15] =	ssyncset.done $0x0  }
0xbc: {  	[sflag:s15] =	ssyncadd.s32 $0xFFFFFFB0  }
0xbd: {  	_ =	swait.ge [sflag:s15], $0x50  }
0xbe: {  	[sflag:s15] =	ssyncset.done $0x0  }
0xbf: {  	[sflag:s15] =	ssyncadd.s32 $0xFFFFFFB0  }
0xc0: {  	[tilespmem:s22], [sflag:$0x5] =	stream.indirect.gather [hbm4b:s4+s8], $0x80, s30, s8, $0xb8;
	[tilespmem:$0x18C80] =	vst v63  }
0xc1: {  	_ =	swait.ge [sflag:s23], $0x2800  }
0xc2: {  	[sflag:s23] =	ssyncset.done $0x0  }
0xc3: {  	[sflag:s23] =	ssyncadd.s32 $0xFFFFD800  }
0xc4: {  	[spmem:s2] =	stream.indirect.scatter.add.f32 [tilespmem:s22], [sflag:$0x7], $0x80, s31, s8, $0xb8;
	[tilespmem:$0x18C80] =	vst v63  }
0xc5: {  	_ =	swait.ge [sflag:s16], $0x2800  }
0xc6: {  	p4 =	seq.s32 s24, $0x4B0;
	s11 =	rddreg [dreg:$0x4]  }
0xc7: {  	s11 =	sadd.s32 @!p4 s21, s11  }
0xc8: {  	s18 =	simm.s32 @!p4 $0x80;
	[sflag:s16] =	ssyncset.done $0x0;
	s11 =	sshrl.u32 @!p4 s11, $0x3  }
0xc9: {  	s19 =	simm.s32 @!p4 $0x0;
	[sflag:s16] =	ssyncadd.s32 $0xFFFFD800;
	s24 =	sadd.s32 @!p4 s5, s11  }
0xca: {  	[tilespmem:s18], [sflag:$0x2] =	stream.linear.gather @!p4 [hbm4b:s24+s19], $0x50, $0x38;
	[tilespmem:$0x18C80] =	vst v63  }
0xcb: {  	s25 =	simm.s32 @!p4 $0x280;
	s11 =	sadd.s32 @!p4 s6, s11  }
0xcc: {  	[tilespmem:s25], [sflag:$0x2] =	stream.linear.gather @!p4 [hbm4b:s11+s19], $0x50, $0x38;
	[tilespmem:$0x18C80] =	vst v63  }
0xcd: {  	_ =	swait.ge [sflag:s17], $0x50  }
0xce: {  	[sflag:s17] =	ssyncset.done $0x0  }
0xcf: {  	[sflag:s17] =	ssyncadd.s32 $0xFFFFFFB0  }
0xd0: {  	_ =	swait.ge [sflag:s17], $0x50  }
0xd1: {  	[sflag:s17] =	ssyncset.done $0x0  }
0xd2: {  	[sflag:s17] =	ssyncadd.s32 $0xFFFFFFB0  }
0xd3: {  	[tilespmem:s10], [sflag:$0x6] =	stream.indirect.gather [hbm4b:s4+s8], $0x80, s0, s8, $0xb8;
	[tilespmem:$0x18C80] =	vst v63  }
0xd4: {  	_ =	swait.ge [sflag:s13], $0x2800  }
0xd5: {  	[sflag:s13] =	ssyncset.done $0x0  }
0xd6: {  	[sflag:s13] =	ssyncadd.s32 $0xFFFFD800  }
0xd7: {  	[spmem:s2] =	stream.indirect.scatter.add.f32 [tilespmem:s10], [sflag:$0x8], $0x80, s1, s8, $0xb8;
	[tilespmem:$0x18C80] =	vst v63  }
0xd8: {  	_ =	swait.ge [sflag:s14], $0x2800  }
0xd9: {  	s11 =	rddreg [dreg:$0x5]  }
0xda: {  	s11 =	sadd.s32 @!p4 s21, s11  }
0xdb: {  	s20 =	sadd.s32 $0x28, s20;
	[sflag:s14] =	ssyncset.done $0x0;
	s11 =	sshrl.u32 @!p4 s11, $0x3  }
0xdc: {  	s18 =	simm.s32 @!p4 $0x100;
	[sflag:s14] =	ssyncadd.s32 $0xFFFFD800;
	s21 =	sadd.s32 @!p4 s5, s11  }
0xdd: {  	[tilespmem:s18], [sflag:$0x3] =	stream.linear.gather @!p4 [hbm4b:s21+s19], $0x50, $0x38;
	[tilespmem:$0x18C80] =	vst v63  }
0xde: {  	p3 =	sne.s32 s20, $0x4D8;
	s24 =	simm.s32 @!p4 $0x300;
	s11 =	sadd.s32 @!p4 s6, s11  }
0xdf: {  	[tilespmem:s24], [sflag:$0x3] =	stream.linear.gather @!p4 [hbm4b:s11+s19], $0x50, $0x38;
	[tilespmem:$0x18C80] =	vst v63  }
.Ltmp2:
0xe0: {  	_ =	swait.ge [sflag:s7], $0x50;
	(pc) =	sbr.rel @p3 .LBB2_2-.Ltmp2, $4  }
0xe1: {  	[sflag:s7] =	ssyncset.done $0x0  }
0xe2: {  	[sflag:s7] =	ssyncadd.s32 $0xFFFFFFB0  }
0xe3: {  	_ =	swait.ge [sflag:s7], $0x50  }
0xe4: {  	[sflag:s7] =	ssyncset.done $0x0  }
0xe5: {  	[sflag:s7] =	ssyncadd.s32 $0xFFFFFFB0  }
0xe6: {  	[tilespmem:s22], [sflag:$0x5] =	stream.indirect.gather [hbm4b:s4+s8], $0x80, s3, s8, $0xb8;
	[tilespmem:$0x18C80] =	vst v63  }
0xe7: {  	_ =	swait.ge [sflag:s23], $0x2800  }
0xe8: {  	[sflag:s23] =	ssyncset.done $0x0  }
0xe9: {  	[sflag:s23] =	ssyncadd.s32 $0xFFFFD800  }
0xea: {  	[spmem:s2] =	stream.indirect.scatter.add.f32 [tilespmem:s22], [sflag:$0x7], $0x80, s26, s8, $0xb8;
	[tilespmem:$0x18C80] =	vst v63  }
0xeb: {  	_ =	swait.ge [sflag:s16], $0x2800  }
0xec: {  	[sflag:s16] =	ssyncset.done $0x0  }
0xed: {  	[sflag:s16] =	ssyncadd.s32 $0xFFFFD800  }
.Ltmp3:
0xee: {  	_ =	swait.ge [sflag:s14], $0x2800;
	(pc) =	sbr.rel @!p0 .LBB2_4-.Ltmp3, $3  }
0xef: {  	[sflag:s14] =	ssyncset.done $0x0  }
0xf0: {  	[sflag:s14] =	ssyncadd.s32 $0xFFFFD800  }
0xf1: {  	[bflag:$0x0] =	sbarrier.arrive $0xFFFF;
	_ =	sdelay $0x1  }
0xf2: {  	s18 =	rddreg [dreg:$0xc]  }
0xf3: {  	s11 =	rddreg [dreg:$0x18]  }
0xf4: {  	s12 =	rddreg [dreg:$0x1b]  }
0xf5: {  	[hbm:s11], [sflag:s18] =	dma.local [spmem:s12], $0x2700  }
.Ltmp4:
0xf6: {  	_ = 	snop;
	(pc) =	sbr.rel @p1 .LBB2_7-.Ltmp4, $4  }
.Ltmp5:
0xf7: {  	s19 =	simm.s32 $0x9;
	(pc) =	sbr.rel @!p1 .LBB2_6-.Ltmp5, $4  }
0xf8: {  	_ =	swait.ge [sflag:s19], $0x2700  }
0xf9: {  	[sflag:s19] =	ssyncset.done $0x0;
	s12 =	rddreg [dreg:$0x9]  }
0xfa: {  	s20 =	rddreg [dreg:$0x1a];
	[sflag:s19] =	ssyncadd.s32 $0xFFFFD900  }
0xfb: {  	_ = 	snop  }
.LBB2_4:
0xfc: {  	s18 =	rddreg [dreg:$0xc]  }
0xfd: {  	s11 =	rddreg [dreg:$0x17]  }
0xfe: {  	s12 =	rddreg [dreg:$0x1b]  }
0xff: {  	[hbm:s11], [sflag:s18] =	dma.local [spmem:s12], $0x2700  }
.Ltmp6:
0x100: {  	_ = 	snop;
	(pc) =	sbr.rel @p2 .LBB2_6-.Ltmp6, $4  }
.Ltmp7:
0x101: {  	s19 =	simm.s32 $0x9;
	(pc) =	sbr.rel @!p2 .LBB2_7-.Ltmp7, $4  }
0x102: {  	_ =	swait.ge [sflag:s19], $0x2700  }
0x103: {  	[sflag:s19] =	ssyncset.done $0x0;
	s12 =	rddreg [dreg:$0x8]  }
0x104: {  	s20 =	rddreg [dreg:$0x1a];
	[sflag:s19] =	ssyncadd.s32 $0xFFFFD900  }
0x105: {  	_ = 	snop  }
.LBB2_8:
0x106: {  	_ =	sfence.sel $0x180000  }
0x107: {  	[bflag:$0x0] =	sbarrier.arrive $0xFFFF  }
0x108: {  	_ =	strace $0x9000004A  }
0x109: {  	s0 =	stileid.u32;
	[bflag:$0x2] =	sbarrier.arrive $0xFFFF  }
0x10a: {  	p0 =	sne.s32 s0, $0x0;
	s0 =	rddreg [dreg:$0x2]  }
0x10b: {  	s0 =	sadd.s32 @!p0 $0x100000, s0  }
0x10c: {  	[sflag:s0] =	ssyncadd.tile.s32 @!p0 $0x1;
	_ =	shalt  }
.Lfunc_end2:
_tile_overlayer_lowered:
.L_overlay_start_2:
0x10d: {  	(tag) =	ssettag $0x2  }
0x10e: {  	s0 =	rddreg [dreg:$0x0];
	s2 =	stileid.u32  }
0x10f: {  	s1 =	rddreg [dreg:$0x1];
	p0 =	sne.s32 s2, $0x0  }
0x110: {  	s3 =	rddreg [dreg:$0x2];
	[bflag:$0x3] =	sbarrier.arrive $0xFFFF;
	s2 =	simm.s32 @!p0 $0x1C09  }
0x111: {  	[timem:s3], [sflag:s2] =	dma.local @!p0 [hbm:s0], s1  }
0x112: {  	s0 =	simm.s32 @!p0 $0x9  }
0x113: {  	_ =	swait.ge @!p0 [sflag:s0], s1  }
0x114: {  	s1 =	ssub.s32 @!p0 $0x0, s1;
	[sflag:s0] =	ssyncset.done @!p0 $0x0  }
0x115: {  	[sflag:s0] =	ssyncadd.s32 @!p0 s1  }
0x116: {  	[bflag:$0x3] =	sbarrier.arrive $0xFFFF  }
0x117: {  	_ =	shalt  }

// kernel: kernel.15.cloned.1.call-start
scs
__scs_entry_jumppad:
0x0: {  	(pc) =	sbr.rel $0x88, $3  }
0x1: {  	(tag) =	ssettag $0x0;
	lr =	simm.s32 $0x1  }
0x2: {  	[smem:$0x3F8B] =	sst lr;
	_ =	strace $0xD0000000  }
0x3: {  	_ = 	snop  }
0x4: {  	_ = 	snop  }
0x5: {  	_ = 	snop  }
0x6: {  	_ = 	snop  }
0x7: {  	_ = 	snop  }
__scs_overlays_trampoline_lowered:
0x8: {  	[smem:$0x3F9A] =	sst s0  }
0x9: {  	[smem:$0x3F9B] =	sst s1  }
0xa: {  	[smem:$0x3F9C] =	sst s2  }
0xb: {  	[smem:$0x3F9D] =	sst s3  }
0xc: {  	[smem:$0x3F9E] =	sst s4  }
0xd: {  	[smem:$0x3F9F] =	sst s5  }
0xe: {  	[smem:$0x3FA0] =	sst s6  }
0xf: {  	[smem:$0x3FA1] =	sst s7  }
0x10: {  	[smem:$0x3FA2] =	sst s8  }
0x11: {  	[smem:$0x3FA3] =	sst s9;
	s0 =	simm.s32 @!p0 $0x0  }
0x12: {  	s1 =	sld [smem:$0x3F89];
	s0 =	simm.s32 @p0 $0x1  }
0x13: {  	[smem:$0x3FA4] =	sst s0;
	s0 =	simm.s32 @!p1 $0x0  }
0x14: {  	s2 =	sld [smem:$0x3F88];
	s0 =	simm.s32 @p1 $0x1  }
0x15: {  	[smem:$0x3FA5] =	sst s0;
	s0 =	simm.s32 @!p2 $0x0  }
0x16: {  	s3 =	sld [smem:$0x3FDB];
	s0 =	simm.s32 @p2 $0x1  }
0x17: {  	s4 =	simm.s32 $0x1BF5;
	[smem:$0x3FA7] =	sst s0  }
0x18: {  	s0 =	sld [smem:$0x3F8A];
	_ =	swait.ge [sflag:s4], $0x0  }
0x19: {  	s7 =	sld [smem:$0x3F8B]  }
0x1a: {  	s8 =	sadd.s32 $0xFFFFE003, lr  }
0x1b: {  	s9 =	sadd.s32 $0xFFFFFEF7, lr;
	s5 =	simm.s32 $0xFFFFFFFF;
	p2 =	slt.u32 s8, $0xFFFFF086  }
0x1c: {  	p1 =	slt.u32 s9, $0xF7A;
	s5 =	simm.s32 @!p2 $0x0  }
0x1d: {  	s5 =	simm.s32 @p1 $0x1;
	p0 =	seq.s32 s7, s2  }
0x1e: {  	s7 =	smul.u32 @!p0 $0xF7A, s2;
	p2 =	seq.s32 @!p0 s5, $0x0  }
0x1f: {  	s9 =	smul.u32 $0xF7A, s1;
	s8 =	simm.s32 @!p0 $0x1BF5;
	p2 =	por !p2, p0  }
0x20: {  	[sflag:s8] =	ssyncset.s32 @!p0 $0xFFFFF086;
	s6 =	sadd.s32 @!p0 s3, s7;
	s7 =	simm.s32 @!p0 $0x108  }
0x21: {  	s3 =	sadd.s32 s3, s9;
	s6 =	sadd.s32 @!p0 $0x88, s6;
	s7 =	simm.s32 @p2 $0x1082  }
0x22: {  	[simem:s7], [sflag:s8] =	dma.local @!p0 [hbm:s6], $0xF7A  }
0x23: {  	s9 =	sor.u32 $0xD0000000, s2;
	s6 =	simm.s32 $0x108;
	_ =	swait.ge @!p0 [sflag:s8], $0x0  }
0x24: {  	s3 =	sadd.s32 $0x88, s3;
	s6 =	simm.s32 @!p1 $0x1082;
	[sflag:s4] =	ssyncset.s32 $0xFFFFF086  }
0x25: {  	[simem:s6], [sflag:s4] =	dma.local [hbm:s3], $0xF7A  }
0x26: {  	[smem:$0x3F8B] =	sst s1;
	(tag) =	ssettag s2;
	_ =	strace s9  }
0x27: {  	s1 =	sld [smem:$0x3F9B]  }
0x28: {  	s2 =	sld [smem:$0x3F9C]  }
0x29: {  	s4 =	sld [smem:$0x3F9E]  }
0x2a: {  	p0 =	seq.s32 s5, $0x0;
	s5 =	sld [smem:$0x3F9F]  }
0x2b: {  	s6 =	sld [smem:$0x3FA0]  }
0x2c: {  	s7 =	sld [smem:$0x3FA1]  }
0x2d: {  	s3 =	simm.s32 $0x108;
	s8 =	sld [smem:$0x3FA2]  }
0x2e: {  	s3 =	simm.s32 @!p0 $0x1082;
	s9 =	sld [smem:$0x3FA3]  }
0x2f: {  	lr =	sadd.s32 s0, s3;
	s0 =	sld [smem:$0x3F9A]  }
0x30: {  	s3 =	sld [smem:$0x3F9D]  }
0x31: {  	[smem:$0x3FA6] =	sst s10  }
0x32: {  	s10 =	sld [smem:$0x3FA4];
	_ =	sdelay $0x3  }
0x33: {  	p0 =	seq.s32 s10, $0x1;
	s10 =	sld [smem:$0x3FA6];
	_ =	sdelay $0x3  }
0x34: {  	[smem:$0x3FA6] =	sst s10  }
0x35: {  	s10 =	sld [smem:$0x3FA5];
	_ =	sdelay $0x3  }
0x36: {  	p1 =	seq.s32 s10, $0x1;
	s10 =	sld [smem:$0x3FA6];
	_ =	sdelay $0x3  }
0x37: {  	[smem:$0x3FA6] =	sst s10  }
0x38: {  	s10 =	sld [smem:$0x3FA7]  }
0x39: {  	_ = 	snop;
	(pc) =	sbr.ind lr, $3  }
0x3a: {  	_ = 	snop  }
0x3b: {  	_ = 	snop  }
0x3c: {  	p2 =	seq.s32 s10, $0x1;
	s10 =	sld [smem:$0x3FA6]  }
0x3d: {  	_ =	shalt  }
0x3e: {  	_ =	shalt  }
0x3f: {  	_ =	shalt  }
0x40: {  	_ =	shalt  }
0x41: {  	_ =	shalt  }
0x42: {  	_ =	shalt  }
0x43: {  	_ =	shalt  }
0x44: {  	_ =	shalt  }
0x45: {  	_ =	shalt  }
0x46: {  	_ =	shalt  }
0x47: {  	_ =	shalt  }
0x48: {  	_ =	shalt  }
0x49: {  	_ =	shalt  }
0x4a: {  	_ =	shalt  }
0x4b: {  	_ =	shalt  }
0x4c: {  	_ =	shalt  }
0x4d: {  	_ =	shalt  }
0x4e: {  	_ =	shalt  }
0x4f: {  	_ =	shalt  }
0x50: {  	_ =	shalt  }
0x51: {  	_ =	shalt  }
0x52: {  	_ =	shalt  }
0x53: {  	_ =	shalt  }
0x54: {  	_ =	shalt  }
0x55: {  	_ =	shalt  }
0x56: {  	_ =	shalt  }
0x57: {  	_ =	shalt  }
0x58: {  	_ =	shalt  }
0x59: {  	_ =	shalt  }
0x5a: {  	_ =	shalt  }
0x5b: {  	_ =	shalt  }
0x5c: {  	_ =	shalt  }
0x5d: {  	_ =	shalt  }
0x5e: {  	_ =	shalt  }
0x5f: {  	_ =	shalt  }
0x60: {  	_ =	shalt  }
0x61: {  	_ =	shalt  }
0x62: {  	_ =	shalt  }
0x63: {  	_ =	shalt  }
0x64: {  	_ =	shalt  }
0x65: {  	_ =	shalt  }
0x66: {  	_ =	shalt  }
0x67: {  	_ =	shalt  }
0x68: {  	_ =	shalt  }
0x69: {  	_ =	shalt  }
0x6a: {  	_ =	shalt  }
0x6b: {  	_ =	shalt  }
0x6c: {  	_ =	shalt  }
0x6d: {  	_ =	shalt  }
0x6e: {  	_ =	shalt  }
0x6f: {  	_ =	shalt  }
0x70: {  	_ =	shalt  }
0x71: {  	_ =	shalt  }
0x72: {  	_ =	shalt  }
0x73: {  	_ =	shalt  }
0x74: {  	_ =	shalt  }
0x75: {  	_ =	shalt  }
0x76: {  	_ =	shalt  }
0x77: {  	_ =	shalt  }
0x78: {  	_ =	shalt  }
0x79: {  	_ =	shalt  }
0x7a: {  	_ =	shalt  }
0x7b: {  	_ =	shalt  }
0x7c: {  	_ =	shalt  }
0x7d: {  	_ =	shalt  }
0x7e: {  	_ =	shalt  }
0x7f: {  	_ =	shalt  }
0x80: {  	_ =	shalt  }
0x81: {  	_ =	shalt  }
0x82: {  	_ =	shalt  }
0x83: {  	_ =	shalt  }
0x84: {  	_ =	shalt  }
0x85: {  	_ =	shalt  }
0x86: {  	_ =	shalt  }
0x87: {  	_ =	shalt  }
.Lfunc_end0:
.L_simem_size_0:
called_computation.2_lowered:
.L_overlay_start_0:
0x88: {  	s2 =	sld [smem:$0x3FD9]  }
0x89: {  	s3 =	sld [smem:$0x3FFE];
	_ =	sdelay $0x1  }
0x8a: {  	s1 =	srdreg.scid  }
0x8b: {  	s0 =	sand.u32 $0x1, s1  }
0x8c: {  	s16 =	sshll.u32 s0, $0xA;
	s2 =	sadd.s32 s3, s2  }
0x8d: {  	s2 =	sadd.s32 s2, s16  }
0x8e: {  	[smem:$0x3FB2] =	sst s2  }
0x8f: {  	_ = 	snop  }
0x90: {  	(tm) =	ssettm $0x1  }
0x91: {  	s17 =	sld [smem:$0x3FFB];
	_ =	sdelay $0x3  }
0x92: {  	_ =	strace s17  }
0x93: {  	s2 =	sld [smem:$0x3FFC];
	_ =	sdelay $0x3  }
0x94: {  	_ =	strace s2  }
0x95: {  	s2 =	sld [smem:$0x3FFD];
	_ =	sdelay $0x3  }
0x96: {  	_ =	strace s2  }
0x97: {  	_ =	strace $0x8FFFFFFF  }
0x98: {  	s18 =	sld [smem:$0x3FDB];
	_ =	sdelay $0x1  }
0x99: {  	s19 =	simm.s32 $_scs_section_size  }
0x9a: {  	s4 =	simm.s32 $_size__tile_overlayer_lowered;
	s5 =	simm.s32 $_tile_overlayer_lowered  }
0x9b: {  	s22 =	simm.s32 $0x1BFF;
	s21 =	sshll.u32 s5, $0x1;
	s2 =	sadd.s32 s19, s18  }
0x9c: {  	s6 =	simm.s32 $0x0;
	s20 =	sshll.u32 s4, $0x1;
	s4 =	sadd.s32 s21, s2  }
0x9d: {  	[timem:s6], [sflag:s22] =	dma.local [hbm:s4], s20  }
0x9e: {  	_ =	swait.ge [sflag:s22], s20  }
0x9f: {  	s3 =	ssub.s32 $0x0, s20;
	[sflag:s22] =	ssyncset.done $0x0  }
0xa0: {  	[sflag:s22] =	ssyncadd.s32 s3;
	_ =	sdelay $0x1  }
0xa1: {  	s23 =	simm.s32 $0x1B8B  }
0xa2: {  	_ =	swait.ge [sflag:s23], $0x1  }
0xa3: {  	[sflag:s23] =	ssyncset.done $0x0  }
0xa4: {  	s25 =	simm.s32 $0x1B8E;
	s24 =	sld [smem:$0x3FFE];
	[sflag:s23] =	ssyncadd.s32 $0xFFFFFFFF  }
0xa5: {  	s26 =	simm.s32 $execute0_lowered;
	[smem:$0x3FD2] =	sst s25  }
0xa6: {  	s4 =	sshll.u32 s26, $0x1;
	_ =	strace $0x8000004C;
	[dreg:$0x1] =	wrdreg $0xFFFFFFFF  }
0xa7: {  	s28 =	simm.s32 $_size_execute0_lowered;
	s2 =	sadd.s32 s2, s4;
	[dreg:$0x0] =	wrdreg $0x0  }
0xa8: {  	s4 =	sshll.u32 s28, $0x1;
	[dreg:$0x2] =	wrdreg s2  }
0xa9: {  	[dreg:$0x3] =	wrdreg s4  }
0xaa: {  	[dreg:$0x4] =	wrdreg $0xC0  }
0xab: {  	_ =	task [dreg:s6], $0x5FFFF  }
0xac: {  	[dreg:$0x1] =	wrdreg $0xFFFFFFFF  }
0xad: {  	[dreg:$0x0] =	wrdreg $0x60  }
0xae: {  	[dreg:$0x2] =	wrdreg s24  }
0xaf: {  	[dreg:$0x3] =	wrdreg $0x54000  }
0xb0: {  	[dreg:$0x4] =	wrdreg $0x9  }
0xb1: {  	_ =	task.clear_ibuf [dreg:s6], $0x5FFFF;
	_ =	strace $0x9000004C  }
0xb2: {  	s29 =	simm.s32 $0x9;
	_ =	strace $0x8000004E  }
0xb3: {  	_ =	swait.ge [sflag:s29], $0x1  }
0xb4: {  	[sflag:s29] =	ssyncadd.s32 $0xFFFFFFFF  }
0xb5: {  	_ =	strace $0x9000004E  }
0xb6: {  	_ =	sfence  }
0xb7: {  	s30 =	sld [smem:$0x0];
	_ =	sdelay $0x2  }
0xb8: {  	s31 =	sshll.u32 s1, $0xD;
	s1 =	sshrl.u32 s1, $0x2  }
0xb9: {  	s3 =	sand.u32 $0x4000, s31;
	s1 =	sadd.s32 s1, s30  }
0xba: {  	s0 =	sor.u32 s3, s0;
	s1 =	sshll.u32 s1, $0x11  }
0xbb: {  	s0 =	sor.u32 s1, s0  }
0xbc: {  	s0 =	sadd.s32 $0x8F2B, s0  }
0xbd: {  	[sflag:s0] =	ssyncadd.remote.s32 $0x1  }
0xbe: {  	_ =	sfence.sel $0xFFFF  }
0xbf: {  	[dreg:$0x0] =	wrdreg $0xFFFFFFFF;
	(pc) =	sbr.abs _section_cstart, $3  }
0xc0: {  	[dreg:$0x1] =	wrdreg $0xFFFFFFFF  }
0xc1: {  	_ =	task.clear_ibuf [dreg:s6], $0x2FFFF;
	_ =	strace $0x9FFFFFFF  }
0xc2: {  	(tm) =	ssettm $0x7FFFFFFF  }
0xc3: {  	_ =	shalt  }
tec
execute0_lowered:
.L_overlay_start_1:
0x0: {  	(tag) =	ssettag $0x1  }
0x1: {  	s0 =	rddreg [dreg:$0x0]  }
0x2: {  	s2 =	rddreg [dreg:$0x1]  }
0x3: {  	s3 =	simm.s32 $0x0;
	s15 =	stileid.u32;
	s7 =	srdreg.scid  }
0x4: {  	s28 =	simm.s32 $0x80;
	s29 =	simm.s32 $0x280;
	s30 =	simm.s32 $0x100  }
0x5: {  	s31 =	simm.s32 $0x300;
	[smem:$0x7FF] =	sst s3;
	s1 =	smul.u32 $0x2700, s15  }
0x6: {  	s4 =	sadd.s32 $0x41600, s0;
	s5 =	sadd.s32 $0x10600, s0;
	s6 =	sadd.s32 $0x6800, s0  }
0x7: {  	s7 =	sand.u32 $0x1, s7;
	s16 =	sadd.s32 $0xB6C00, s0;
	s9 =	smul.u32 $0x4E000, s15  }
0x8: {  	s17 =	sadd.s32 $0x106200, s0;
	s20 =	sshll.u32 s15, $0x6;
	s21 =	sadd.s32 $0x138000, s2  }
0x9: {  	s14 =	smul.u32 $0x2710, s15;
	p1 =	sne.s32 s15, $0xF;
	p2 =	seq.s32 s15, $0xF  }
0xa: {  	_ =	strace $0x8000004D;
	s10 =	sshll.u32 s7, $0x4;
	[dreg:$0xd] =	wrdreg s21  }
0xb: {  	s11 =	ssub.s32 $0x2, s7;
	s18 =	sor.u32 $0x1C09, s20;
	[dreg:$0x8] =	wrdreg s16  }
0xc: {  	s25 =	smul.u32 $0x27100, s7;
	p0 =	seq.s32 s7, $0x1;
	[dreg:$0x9] =	wrdreg s17  }
0xd: {  	s7 =	simm.s32 $0x1;
	s8 =	sadd.s32 s1, s0;
	s10 =	sor.u32 s15, s10  }
0xe: {  	s9 =	sshrl.u32 s9, $0x2;
	s0 =	sadd.s32 $0x8F800, s0;
	[dreg:$0xc] =	wrdreg s18  }
0xf: {  	s12 =	sshrl.u32 s11, $0x1;
	s9 =	sadd.s32 s9, s2;
	[dreg:$0xe] =	wrdreg s0  }
0x10: {  	s15 =	simm.s32 $0x3;
	s8 =	sadd.s32 $0x68800, s8;
	[dreg:$0xa] =	wrdreg s9  }
0x11: {  	s10 =	smul.u32 $0x2710, s10;
	s12 =	ssub.s32 s11, s12;
	[dreg:$0xb] =	wrdreg s8  }
0x12: {  	s9 =	sadd.s32 s14, s25;
	s25 =	sadd.s32 s16, s1;
	s1 =	sadd.s32 s17, s1  }
0x13: {  	s14 =	simm.s32 $0x7;
	s16 =	simm.s32 $0x8;
	[dreg:$0x17] =	wrdreg s25  }
0x14: {  	s8 =	sshrl.u32 s10, $0x3;
	s13 =	sadd.s32 $0x140, s10;
	[dreg:$0x18] =	wrdreg s1  }
0x15: {  	s17 =	simm.s32 $0x4;
	s22 =	sadd.s32 s5, s8;
	[dreg:$0x3] =	wrdreg s13  }
0x16: {  	s21 =	sadd.s32 $0xF0, s9;
	s23 =	sadd.s32 s6, s8;
	[dreg:$0xf] =	wrdreg s22  }
0x17: {  	s24 =	sadd.s32 $0xA, s8;
	s13 =	sadd.s32 $0x190, s10;
	[dreg:$0x10] =	wrdreg s23  }
0x18: {  	s1 =	simm.s32 $0x380;
	s26 =	sadd.s32 s5, s24;
	[dreg:$0x4] =	wrdreg s13  }
0x19: {  	s19 =	sadd.s32 $0x14, s8;
	s0 =	sadd.s32 s6, s24;
	[dreg:$0x11] =	wrdreg s26  }
0x1a: {  	s9 =	simm.s32 $0x2;
	s20 =	sadd.s32 s5, s19;
	[dreg:$0x12] =	wrdreg s0  }
0x1b: {  	s8 =	sadd.s32 $0x1E, s8;
	s22 =	sadd.s32 $0x1E0, s10;
	[dreg:$0x13] =	wrdreg s20  }
0x1c: {  	s24 =	sadd.s32 s5, s8;
	s8 =	sadd.s32 s6, s8;
	[dreg:$0x5] =	wrdreg s22  }
0x1d: {  	s10 =	simm.s32 $0x2C00;
	s13 =	simm.s32 $0x6;
	[dreg:$0x15] =	wrdreg s24  }
0x1e: {  	s0 =	sadd.s32 s6, s19;
	[dreg:$0x16] =	wrdreg s8;
	s26 =	smax.u32 s12, $0x1  }
.Ltmp0:
0x1f: {  	s19 =	simm.s32 $0x9;
	s8 =	simm.s32 $0x50;
	(pc) =	sbr.rel .LBB2_1-.Ltmp0, $4  }
0x20: {  	s22 =	simm.s32 $0x400;
	[dreg:$0x14] =	wrdreg s0;
	s0 =	sshrl.u32 s21, $0x3  }
0x21: {  	s20 =	simm.s32 $0x0;
	[dreg:$0x19] =	wrdreg s26;
	s23 =	sadd.s32 s0, s6  }
0x22: {  	s26 =	simm.s32 $0x200;
	s0 =	sadd.s32 s0, s5;
	[dreg:$0x6] =	wrdreg s23  }
0x23: {  	[dreg:$0x7] =	wrdreg s0;
	s0 =	simm.s32 $0x180;
	s23 =	simm.s32 $0x5  }
.LBB2_6:
0x24: {  	s25 =	rddreg [dreg:$0xd]  }
0x25: {  	s11 =	sadd.s32 $0x27000, s12;
	s12 =	sshrl.u32 s25, $0x3  }
0x26: {  	[hbm:s11], [sflag:s18] =	dma.local [spmem:s12], $0x100  }
0x27: {  	_ =	swait.ge [sflag:s19], $0x100  }
0x28: {  	[sflag:s19] =	ssyncset.done $0x0  }
0x29: {  	[sflag:s19] =	ssyncadd.s32 $0xFFFFFF00  }
.LBB2_7:
0x2a: {  	s20 =	sadd.s32 $0x1, s20;
	s11 =	rddreg [dreg:$0x19]  }
0x2b: {  	p3 =	sne.s32 s20, s11  }
.Ltmp1:
0x2c: {  	_ = 	snop;
	(pc) =	sbr.rel @!p3 .LBB2_8-.Ltmp1, $1  }
0x2d: {  	_ =	sdelay $0x3  }
.LBB2_1:
0x2e: {  	[dreg:$0x1a] =	wrdreg s20  }
0x2f: {  	s11 =	rddreg [dreg:$0xa]  }
0x30: {  	s20 =	rddreg [dreg:$0xb];
	s12 =	sshrl.u32 s11, $0x3  }
0x31: {  	[dreg:$0x1b] =	wrdreg s12  }
0x32: {  	[spmem:s12], [sflag:s18] =	dma.local [hbm:s20], $0x2700  }
0x33: {  	_ =	swait.ge [sflag:s19], $0x2700  }
0x34: {  	[sflag:s19] =	ssyncset.done $0x0;
	s11 =	rddreg [dreg:$0xd]  }
0x35: {  	[sflag:s19] =	ssyncadd.s32 $0xFFFFD900;
	s12 =	sshrl.u32 @!p1 s11, $0x3;
	s11 =	rddreg [dreg:$0xe]  }
0x36: {  	[spmem:s12], [sflag:s18] =	dma.local @!p1 [hbm:s11], $0x100  }
0x37: {  	s12 =	simm.s32 @!p1 $0x9  }
0x38: {  	_ =	swait.ge @!p1 [sflag:s12], $0x100  }
0x39: {  	[sflag:s12] =	ssyncset.done @!p1 $0x0  }
0x3a: {  	[sflag:s12] =	ssyncadd.s32 @!p1 $0xFFFFFF00  }
0x3b: {  	[bflag:$0x0] =	sbarrier.arrive $0xFFFF  }
0x3c: {  	s21 =	rddreg [dreg:$0xf]  }
0x3d: {  	[tilespmem:s3], [sflag:$0x1] =	stream.linear.gather [hbm4b:s21+s3], $0x50, $0x38;
	[tilespmem:$0x18C80] =	vst v63  }
0x3e: {  	s24 =	rddreg [dreg:$0x10]  }
0x3f: {  	[tilespmem:s26], [sflag:$0x1] =	stream.linear.gather [hbm4b:s24+s3], $0x50, $0x38;
	[tilespmem:$0x18C80] =	vst v63  }
0x40: {  	s25 =	rddreg [dreg:$0x11]  }
0x41: {  	[tilespmem:s28], [sflag:$0x2] =	stream.linear.gather [hbm4b:s25+s3], $0x50, $0x38;
	[tilespmem:$0x18C80] =	vst v63  }
0x42: {  	s12 =	rddreg [dreg:$0x12]  }
0x43: {  	[tilespmem:s29], [sflag:$0x2] =	stream.linear.gather [hbm4b:s12+s3], $0x50, $0x38;
	[tilespmem:$0x18C80] =	vst v63  }
0x44: {  	s18 =	rddreg [dreg:$0x13]  }
0x45: {  	[tilespmem:s30], [sflag:$0x3] =	stream.linear.gather [hbm4b:s18+s3], $0x50, $0x38;
	[tilespmem:$0x18C80] =	vst v63  }
0x46: {  	s19 =	rddreg [dreg:$0x14]  }
0x47: {  	[tilespmem:s31], [sflag:$0x3] =	stream.linear.gather [hbm4b:s19+s3], $0x50, $0x38;
	[tilespmem:$0x18C80] =	vst v63  }
0x48: {  	s20 =	rddreg [dreg:$0x15]  }
0x49: {  	[tilespmem:s0], [sflag:$0x4] =	stream.linear.gather [hbm4b:s20+s3], $0x50, $0x38;
	[tilespmem:$0x18C80] =	vst v63  }
0x4a: {  	s21 =	rddreg [dreg:$0x16]  }
0x4b: {  	[tilespmem:s1], [sflag:$0x4] =	stream.linear.gather [hbm4b:s21+s3], $0x50, $0x38;
	[tilespmem:$0x18C80] =	vst v63  }
0x4c: {  	_ =	swait.ge [sflag:s7], $0x50  }
0x4d: {  	[sflag:s7] =	ssyncset.done $0x0  }
0x4e: {  	[sflag:s7] =	ssyncadd.s32 $0xFFFFFFB0  }
0x4f: {  	_ =	swait.ge [sflag:s7], $0x50  }
0x50: {  	[sflag:s7] =	ssyncset.done $0x0  }
0x51: {  	[sflag:s7] =	ssyncadd.s32 $0xFFFFFFB0  }
0x52: {  	[tilespmem:s22], [sflag:$0x5] =	stream.indirect.gather [hbm4b:s4+s8], $0x80, s3, s8, $0xb8;
	[tilespmem:$0x18C80] =	vst v63  }
0x53: {  	_ =	swait.ge [sflag:s23], $0x2800  }
0x54: {  	p3 =	por $0x1, $0x1;
	[sflag:s23] =	ssyncset.done $0x0  }
0x55: {  	s12 =	simm.s32 @!p3 $0x8;
	[sflag:s23] =	ssyncadd.s32 $0xFFFFD800  }
0x56: {  	[spmem:s2] =	stream.indirect.scatter.add.f32 [tilespmem:s22], [sflag:$0x7], $0x80, s26, s8, $0xb8;
	[tilespmem:$0x18C80] =	vst v63  }
0x57: {  	s24 =	simm.s32 @!p3 $0x180;
	_ =	swait.ge @!p3 [sflag:s12], $0x2800  }
0x58: {  	s21 =	simm.s32 @!p3 $0x0;
	s20 =	rddreg [dreg:$0x7];
	[sflag:s12] =	ssyncset.done @!p3 $0x0  }
0x59: {  	[sflag:s12] =	ssyncadd.s32 @!p3 $0xFFFFD800;
	s12 =	rddreg [dreg:$0x6];
	s20 =	sadd.s32 @!p3 $0x0, s20  }
0x5a: {  	[tilespmem:s24], [sflag:$0x4] =	stream.linear.gather @!p3 [hbm4b:s20+s21], $0x50, $0x38;
	[tilespmem:$0x18C80] =	vst v63  }
0x5b: {  	s20 =	simm.s32 @!p3 $0x380;
	s12 =	sadd.s32 @!p3 $0x0, s12  }
0x5c: {  	[tilespmem:s20], [sflag:$0x4] =	stream.linear.gather @!p3 [hbm4b:s12+s21], $0x50, $0x38;
	[tilespmem:$0x18C80] =	vst v63  }
0x5d: {  	_ =	swait.ge [sflag:s9], $0x50  }
0x5e: {  	[sflag:s9] =	ssyncset.done $0x0  }
0x5f: {  	[sflag:s9] =	ssyncadd.s32 $0xFFFFFFB0  }
0x60: {  	_ =	swait.ge [sflag:s9], $0x50  }
0x61: {  	[sflag:s9] =	ssyncset.done $0x0  }
0x62: {  	[sflag:s9] =	ssyncadd.s32 $0xFFFFFFB0  }
0x63: {  	[tilespmem:s10], [sflag:$0x6] =	stream.indirect.gather [hbm4b:s4+s8], $0x80, s28, s8, $0xb8;
	[tilespmem:$0x18C80] =	vst v63  }
0x64: {  	_ =	swait.ge [sflag:s13], $0x2800  }
0x65: {  	[sflag:s13] =	ssyncset.done $0x0  }
0x66: {  	[sflag:s13] =	ssyncadd.s32 $0xFFFFD800  }
0x67: {  	[spmem:s2] =	stream.indirect.scatter.add.f32 [tilespmem:s10], [sflag:$0x8], $0x80, s29, s8, $0xb8;
	[tilespmem:$0x18C80] =	vst v63  }
0x68: {  	s20 =	simm.s32 $0x0;
	_ =	swait.ge [sflag:s14], $0x2800  }
0x69: {  	s20 =	simm.s32 @p3 $0x0;
	s24 =	rddreg [dreg:$0x3]  }
0x6a: {  	s12 =	sadd.s32 s20, s24  }
0x6b: {  	[sflag:s14] =	ssyncset.done $0x0;
	s12 =	sshrl.u32 s12, $0x3  }
0x6c: {  	[sflag:s14] =	ssyncadd.s32 $0xFFFFD800;
	s25 =	sadd.s32 s5, s12  }
0x6d: {  	[tilespmem:s3], [sflag:$0x1] =	stream.linear.gather [hbm4b:s25+s3], $0x50, $0x38;
	[tilespmem:$0x18C80] =	vst v63  }
0x6e: {  	s12 =	sadd.s32 s6, s12  }
0x6f: {  	[tilespmem:s26], [sflag:$0x1] =	stream.linear.gather [hbm4b:s12+s3], $0x50, $0x38;
	[tilespmem:$0x18C80] =	vst v63  }
0x70: {  	_ =	swait.ge [sflag:s15], $0x50  }
0x71: {  	[sflag:s15] =	ssyncset.done $0x0  }
0x72: {  	[sflag:s15] =	ssyncadd.s32 $0xFFFFFFB0  }
0x73: {  	_ =	swait.ge [sflag:s15], $0x50  }
0x74: {  	[sflag:s15] =	ssyncset.done $0x0  }
0x75: {  	[sflag:s15] =	ssyncadd.s32 $0xFFFFFFB0  }
0x76: {  	[tilespmem:s22], [sflag:$0x5] =	stream.indirect.gather [hbm4b:s4+s8], $0x80, s30, s8, $0xb8;
	[tilespmem:$0x18C80] =	vst v63  }
0x77: {  	_ =	swait.ge [sflag:s23], $0x2800  }
0x78: {  	[sflag:s23] =	ssyncset.done $0x0  }
0x79: {  	[sflag:s23] =	ssyncadd.s32 $0xFFFFD800  }
0x7a: {  	[spmem:s2] =	stream.indirect.scatter.add.f32 [tilespmem:s22], [sflag:$0x7], $0x80, s31, s8, $0xb8;
	[tilespmem:$0x18C80] =	vst v63  }
0x7b: {  	_ =	swait.ge [sflag:s16], $0x2800  }
0x7c: {  	p3 =	por $0x0, $0x0;
	s12 =	rddreg [dreg:$0x4]  }
0x7d: {  	s12 =	sadd.s32 @!p3 s20, s12  }
0x7e: {  	s21 =	simm.s32 @!p3 $0x80;
	[sflag:s16] =	ssyncset.done $0x0;
	s12 =	sshrl.u32 @!p3 s12, $0x3  }
0x7f: {  	s24 =	simm.s32 @!p3 $0x0;
	[sflag:s16] =	ssyncadd.s32 $0xFFFFD800;
	s11 =	sadd.s32 @!p3 s5, s12  }
0x80: {  	[tilespmem:s21], [sflag:$0x2] =	stream.linear.gather @!p3 [hbm4b:s11+s24], $0x50, $0x38;
	[tilespmem:$0x18C80] =	vst v63  }
0x81: {  	s11 =	sadd.s32 @!p3 s6, s12;
	s12 =	simm.s32 @!p3 $0x280  }
0x82: {  	[tilespmem:s12], [sflag:$0x2] =	stream.linear.gather @!p3 [hbm4b:s11+s24], $0x50, $0x38;
	[tilespmem:$0x18C80] =	vst v63  }
0x83: {  	_ =	swait.ge [sflag:s17], $0x50  }
0x84: {  	[sflag:s17] =	ssyncset.done $0x0  }
0x85: {  	[sflag:s17] =	ssyncadd.s32 $0xFFFFFFB0  }
0x86: {  	_ =	swait.ge [sflag:s17], $0x50  }
0x87: {  	[sflag:s17] =	ssyncset.done $0x0  }
0x88: {  	[sflag:s17] =	ssyncadd.s32 $0xFFFFFFB0  }
0x89: {  	[tilespmem:s10], [sflag:$0x6] =	stream.indirect.gather [hbm4b:s4+s8], $0x80, s0, s8, $0xb8;
	[tilespmem:$0x18C80] =	vst v63  }
0x8a: {  	_ =	swait.ge [sflag:s13], $0x2800  }
0x8b: {  	[sflag:s13] =	ssyncset.done $0x0  }
0x8c: {  	[sflag:s13] =	ssyncadd.s32 $0xFFFFD800  }
0x8d: {  	[spmem:s2] =	stream.indirect.scatter.add.f32 [tilespmem:s10], [sflag:$0x8], $0x80, s1, s8, $0xb8;
	[tilespmem:$0x18C80] =	vst v63  }
0x8e: {  	_ =	swait.ge [sflag:s14], $0x2800  }
0x8f: {  	s11 =	rddreg [dreg:$0x5]  }
0x90: {  	s11 =	sadd.s32 @!p3 s20, s11  }
0x91: {  	[sflag:s14] =	ssyncset.done $0x0;
	s11 =	sshrl.u32 @!p3 s11, $0x3  }
0x92: {  	s12 =	simm.s32 @!p3 $0x100;
	[sflag:s14] =	ssyncadd.s32 $0xFFFFD800;
	s20 =	sadd.s32 @!p3 s5, s11  }
0x93: {  	[tilespmem:s12], [sflag:$0x3] =	stream.linear.gather @!p3 [hbm4b:s20+s24], $0x50, $0x38;
	[tilespmem:$0x18C80] =	vst v63  }
0x94: {  	s11 =	sadd.s32 @!p3 s6, s11;
	s12 =	simm.s32 @!p3 $0x300  }
0x95: {  	[tilespmem:s12], [sflag:$0x3] =	stream.linear.gather @!p3 [hbm4b:s11+s24], $0x50, $0x38;
	[tilespmem:$0x18C80] =	vst v63  }
0x96: {  	_ =	swait.ge [sflag:s7], $0x50  }
0x97: {  	[sflag:s7] =	ssyncset.done $0x0  }
0x98: {  	[sflag:s7] =	ssyncadd.s32 $0xFFFFFFB0  }
0x99: {  	_ =	swait.ge [sflag:s7], $0x50  }
0x9a: {  	s20 =	simm.s32 $0x28;
	s12 =	simm.s32 $0x0;
	[sflag:s7] =	ssyncset.done $0x0  }
.LBB2_2:
0x9b: {  	[sflag:s7] =	ssyncadd.s32 $0xFFFFFFB0  }
0x9c: {  	[tilespmem:s22], [sflag:$0x5] =	stream.indirect.gather [hbm4b:s4+s8], $0x80, s3, s8, $0xb8;
	[tilespmem:$0x18C80] =	vst v63  }
0x9d: {  	s24 =	smov.u32 s20;
	_ =	swait.ge [sflag:s23], $0x2800  }
0x9e: {  	p4 =	seq.s32 s24, $0x0;
	[sflag:s23] =	ssyncset.done $0x0  }
0x9f: {  	s11 =	simm.s32 @!p4 $0x8;
	[sflag:s23] =	ssyncadd.s32 $0xFFFFD800  }
0xa0: {  	[spmem:s2] =	stream.indirect.scatter.add.f32 [tilespmem:s22], [sflag:$0x7], $0x80, s26, s8, $0xb8;
	[tilespmem:$0x18C80] =	vst v63  }
0xa1: {  	s25 =	simm.s32 @!p4 $0x0;
	_ =	swait.ge @!p4 [sflag:s11], $0x2800  }
0xa2: {  	s18 =	simm.s32 @!p4 $0x180;
	[sflag:s11] =	ssyncset.done @!p4 $0x0;
	s21 =	rddreg [dreg:$0x7]  }
0xa3: {  	[sflag:s11] =	ssyncadd.s32 @!p4 $0xFFFFD800;
	s11 =	rddreg [dreg:$0x6];
	s21 =	sadd.s32 @!p4 s24, s21  }
0xa4: {  	[tilespmem:s18], [sflag:$0x4] =	stream.linear.gather @!p4 [hbm4b:s21+s25], $0x50, $0x38;
	[tilespmem:$0x18C80] =	vst v63  }
0xa5: {  	s19 =	simm.s32 @!p4 $0x380;
	s11 =	sadd.s32 @!p4 s24, s11  }
0xa6: {  	[tilespmem:s19], [sflag:$0x4] =	stream.linear.gather @!p4 [hbm4b:s11+s25], $0x50, $0x38;
	[tilespmem:$0x18C80] =	vst v63  }
0xa7: {  	_ =	swait.ge [sflag:s9], $0x50  }
0xa8: {  	[sflag:s9] =	ssyncset.done $0x0  }
0xa9: {  	[sflag:s9] =	ssyncadd.s32 $0xFFFFFFB0  }
0xaa: {  	_ =	swait.ge [sflag:s9], $0x50  }
0xab: {  	[sflag:s9] =	ssyncset.done $0x0  }
0xac: {  	[sflag:s9] =	ssyncadd.s32 $0xFFFFFFB0  }
0xad: {  	[tilespmem:s10], [sflag:$0x6] =	stream.indirect.gather [hbm4b:s4+s8], $0x80, s28, s8, $0xb8;
	[tilespmem:$0x18C80] =	vst v63  }
0xae: {  	_ =	swait.ge [sflag:s13], $0x2800  }
0xaf: {  	[sflag:s13] =	ssyncset.done $0x0  }
0xb0: {  	s12 =	sadd.s32 $0x140, s12;
	[sflag:s13] =	ssyncadd.s32 $0xFFFFD800  }
0xb1: {  	[spmem:s2] =	stream.indirect.scatter.add.f32 [tilespmem:s10], [sflag:$0x8], $0x80, s29, s8, $0xb8;
	[tilespmem:$0x18C80] =	vst v63  }
0xb2: {  	s21 =	smov.u32 s12;
	_ =	swait.ge [sflag:s14], $0x2800  }
0xb3: {  	s21 =	simm.s32 @p4 $0x0;
	s19 =	rddreg [dreg:$0x3]  }
0xb4: {  	s11 =	sadd.s32 s21, s19  }
0xb5: {  	[sflag:s14] =	ssyncset.done $0x0;
	s11 =	sshrl.u32 s11, $0x3  }
0xb6: {  	[sflag:s14] =	ssyncadd.s32 $0xFFFFD800;
	s25 =	sadd.s32 s5, s11  }
0xb7: {  	[tilespmem:s3], [sflag:$0x1] =	stream.linear.gather [hbm4b:s25+s3], $0x50, $0x38;
	[tilespmem:$0x18C80] =	vst v63  }
0xb8: {  	s11 =	sadd.s32 s6, s11  }
0xb9: {  	[tilespmem:s26], [sflag:$0x1] =	stream.linear.gather [hbm4b:s11+s3], $0x50, $0x38;
	[tilespmem:$0x18C80] =	vst v63  }
0xba: {  	_ =	swait.ge [sflag:s15], $0x50  }
0xbb: {  	[sflag:s15] =	ssyncset.done $0x0  }
0xbc: {  	[sflag:s15] =	ssyncadd.s32 $0xFFFFFFB0  }
0xbd: {  	_ =	swait.ge [sflag:s15], $0x50  }
0xbe: {  	[sflag:s15] =	ssyncset.done $0x0  }
0xbf: {  	[sflag:s15] =	ssyncadd.s32 $0xFFFFFFB0  }
0xc0: {  	[tilespmem:s22], [sflag:$0x5] =	stream.indirect.gather [hbm4b:s4+s8], $0x80, s30, s8, $0xb8;
	[tilespmem:$0x18C80] =	vst v63  }
0xc1: {  	_ =	swait.ge [sflag:s23], $0x2800  }
0xc2: {  	[sflag:s23] =	ssyncset.done $0x0  }
0xc3: {  	[sflag:s23] =	ssyncadd.s32 $0xFFFFD800  }
0xc4: {  	[spmem:s2] =	stream.indirect.scatter.add.f32 [tilespmem:s22], [sflag:$0x7], $0x80, s31, s8, $0xb8;
	[tilespmem:$0x18C80] =	vst v63  }
0xc5: {  	_ =	swait.ge [sflag:s16], $0x2800  }
0xc6: {  	p4 =	seq.s32 s24, $0x4B0;
	s11 =	rddreg [dreg:$0x4]  }
0xc7: {  	s11 =	sadd.s32 @!p4 s21, s11  }
0xc8: {  	s18 =	simm.s32 @!p4 $0x80;
	[sflag:s16] =	ssyncset.done $0x0;
	s11 =	sshrl.u32 @!p4 s11, $0x3  }
0xc9: {  	s19 =	simm.s32 @!p4 $0x0;
	[sflag:s16] =	ssyncadd.s32 $0xFFFFD800;
	s24 =	sadd.s32 @!p4 s5, s11  }
0xca: {  	[tilespmem:s18], [sflag:$0x2] =	stream.linear.gather @!p4 [hbm4b:s24+s19], $0x50, $0x38;
	[tilespmem:$0x18C80] =	vst v63  }
0xcb: {  	s25 =	simm.s32 @!p4 $0x280;
	s11 =	sadd.s32 @!p4 s6, s11  }
0xcc: {  	[tilespmem:s25], [sflag:$0x2] =	stream.linear.gather @!p4 [hbm4b:s11+s19], $0x50, $0x38;
	[tilespmem:$0x18C80] =	vst v63  }
0xcd: {  	_ =	swait.ge [sflag:s17], $0x50  }
0xce: {  	[sflag:s17] =	ssyncset.done $0x0  }
0xcf: {  	[sflag:s17] =	ssyncadd.s32 $0xFFFFFFB0  }
0xd0: {  	_ =	swait.ge [sflag:s17], $0x50  }
0xd1: {  	[sflag:s17] =	ssyncset.done $0x0  }
0xd2: {  	[sflag:s17] =	ssyncadd.s32 $0xFFFFFFB0  }
0xd3: {  	[tilespmem:s10], [sflag:$0x6] =	stream.indirect.gather [hbm4b:s4+s8], $0x80, s0, s8, $0xb8;
	[tilespmem:$0x18C80] =	vst v63  }
0xd4: {  	_ =	swait.ge [sflag:s13], $0x2800  }
0xd5: {  	[sflag:s13] =	ssyncset.done $0x0  }
0xd6: {  	[sflag:s13] =	ssyncadd.s32 $0xFFFFD800  }
0xd7: {  	[spmem:s2] =	stream.indirect.scatter.add.f32 [tilespmem:s10], [sflag:$0x8], $0x80, s1, s8, $0xb8;
	[tilespmem:$0x18C80] =	vst v63  }
0xd8: {  	_ =	swait.ge [sflag:s14], $0x2800  }
0xd9: {  	s11 =	rddreg [dreg:$0x5]  }
0xda: {  	s11 =	sadd.s32 @!p4 s21, s11  }
0xdb: {  	s20 =	sadd.s32 $0x28, s20;
	[sflag:s14] =	ssyncset.done $0x0;
	s11 =	sshrl.u32 @!p4 s11, $0x3  }
0xdc: {  	s18 =	simm.s32 @!p4 $0x100;
	[sflag:s14] =	ssyncadd.s32 $0xFFFFD800;
	s21 =	sadd.s32 @!p4 s5, s11  }
0xdd: {  	[tilespmem:s18], [sflag:$0x3] =	stream.linear.gather @!p4 [hbm4b:s21+s19], $0x50, $0x38;
	[tilespmem:$0x18C80] =	vst v63  }
0xde: {  	p3 =	sne.s32 s20, $0x4D8;
	s24 =	simm.s32 @!p4 $0x300;
	s11 =	sadd.s32 @!p4 s6, s11  }
0xdf: {  	[tilespmem:s24], [sflag:$0x3] =	stream.linear.gather @!p4 [hbm4b:s11+s19], $0x50, $0x38;
	[tilespmem:$0x18C80] =	vst v63  }
.Ltmp2:
0xe0: {  	_ =	swait.ge [sflag:s7], $0x50;
	(pc) =	sbr.rel @p3 .LBB2_2-.Ltmp2, $4  }
0xe1: {  	[sflag:s7] =	ssyncset.done $0x0  }
0xe2: {  	[sflag:s7] =	ssyncadd.s32 $0xFFFFFFB0  }
0xe3: {  	_ =	swait.ge [sflag:s7], $0x50  }
0xe4: {  	[sflag:s7] =	ssyncset.done $0x0  }
0xe5: {  	[sflag:s7] =	ssyncadd.s32 $0xFFFFFFB0  }
0xe6: {  	[tilespmem:s22], [sflag:$0x5] =	stream.indirect.gather [hbm4b:s4+s8], $0x80, s3, s8, $0xb8;
	[tilespmem:$0x18C80] =	vst v63  }
0xe7: {  	_ =	swait.ge [sflag:s23], $0x2800  }
0xe8: {  	[sflag:s23] =	ssyncset.done $0x0  }
0xe9: {  	[sflag:s23] =	ssyncadd.s32 $0xFFFFD800  }
0xea: {  	[spmem:s2] =	stream.indirect.scatter.add.f32 [tilespmem:s22], [sflag:$0x7], $0x80, s26, s8, $0xb8;
	[tilespmem:$0x18C80] =	vst v63  }
0xeb: {  	_ =	swait.ge [sflag:s16], $0x2800  }
0xec: {  	[sflag:s16] =	ssyncset.done $0x0  }
0xed: {  	[sflag:s16] =	ssyncadd.s32 $0xFFFFD800  }
.Ltmp3:
0xee: {  	_ =	swait.ge [sflag:s14], $0x2800;
	(pc) =	sbr.rel @!p0 .LBB2_4-.Ltmp3, $3  }
0xef: {  	[sflag:s14] =	ssyncset.done $0x0  }
0xf0: {  	[sflag:s14] =	ssyncadd.s32 $0xFFFFD800  }
0xf1: {  	[bflag:$0x0] =	sbarrier.arrive $0xFFFF;
	_ =	sdelay $0x1  }
0xf2: {  	s18 =	rddreg [dreg:$0xc]  }
0xf3: {  	s11 =	rddreg [dreg:$0x18]  }
0xf4: {  	s12 =	rddreg [dreg:$0x1b]  }
0xf5: {  	[hbm:s11], [sflag:s18] =	dma.local [spmem:s12], $0x2700  }
.Ltmp4:
0xf6: {  	_ = 	snop;
	(pc) =	sbr.rel @p1 .LBB2_7-.Ltmp4, $4  }
.Ltmp5:
0xf7: {  	s19 =	simm.s32 $0x9;
	(pc) =	sbr.rel @!p1 .LBB2_6-.Ltmp5, $4  }
0xf8: {  	_ =	swait.ge [sflag:s19], $0x2700  }
0xf9: {  	[sflag:s19] =	ssyncset.done $0x0;
	s12 =	rddreg [dreg:$0x9]  }
0xfa: {  	s20 =	rddreg [dreg:$0x1a];
	[sflag:s19] =	ssyncadd.s32 $0xFFFFD900  }
0xfb: {  	_ = 	snop  }
.LBB2_4:
0xfc: {  	s18 =	rddreg [dreg:$0xc]  }
0xfd: {  	s11 =	rddreg [dreg:$0x17]  }
0xfe: {  	s12 =	rddreg [dreg:$0x1b]  }
0xff: {  	[hbm:s11], [sflag:s18] =	dma.local [spmem:s12], $0x2700  }
.Ltmp6:
0x100: {  	_ = 	snop;
	(pc) =	sbr.rel @p2 .LBB2_6-.Ltmp6, $4  }
.Ltmp7:
0x101: {  	s19 =	simm.s32 $0x9;
	(pc) =	sbr.rel @!p2 .LBB2_7-.Ltmp7, $4  }
0x102: {  	_ =	swait.ge [sflag:s19], $0x2700  }
0x103: {  	[sflag:s19] =	ssyncset.done $0x0;
	s12 =	rddreg [dreg:$0x8]  }
0x104: {  	s20 =	rddreg [dreg:$0x1a];
	[sflag:s19] =	ssyncadd.s32 $0xFFFFD900  }
0x105: {  	_ = 	snop  }
.LBB2_8:
0x106: {  	_ =	sfence.sel $0x180000  }
0x107: {  	[bflag:$0x0] =	sbarrier.arrive $0xFFFF  }
0x108: {  	_ =	strace $0x9000004D  }
0x109: {  	s0 =	stileid.u32;
	[bflag:$0x2] =	sbarrier.arrive $0xFFFF  }
0x10a: {  	p0 =	sne.s32 s0, $0x0;
	s0 =	rddreg [dreg:$0x2]  }
0x10b: {  	s0 =	sadd.s32 @!p0 $0x100000, s0  }
0x10c: {  	[sflag:s0] =	ssyncadd.tile.s32 @!p0 $0x1;
	_ =	shalt  }
.Lfunc_end2:
_tile_overlayer_lowered:
.L_overlay_start_2:
0x10d: {  	(tag) =	ssettag $0x2  }
0x10e: {  	s0 =	rddreg [dreg:$0x0];
	s2 =	stileid.u32  }
0x10f: {  	s1 =	rddreg [dreg:$0x1];
	p0 =	sne.s32 s2, $0x0  }
0x110: {  	s3 =	rddreg [dreg:$0x2];
	[bflag:$0x3] =	sbarrier.arrive $0xFFFF;
	s2 =	simm.s32 @!p0 $0x1C09  }
0x111: {  	[timem:s3], [sflag:s2] =	dma.local @!p0 [hbm:s0], s1  }
0x112: {  	s0 =	simm.s32 @!p0 $0x9  }
0x113: {  	_ =	swait.ge @!p0 [sflag:s0], s1  }
0x114: {  	s1 =	ssub.s32 @!p0 $0x0, s1;
	[sflag:s0] =	ssyncset.done @!p0 $0x0  }
0x115: {  	[sflag:s0] =	ssyncadd.s32 @!p0 s1  }
0x116: {  	[bflag:$0x3] =	sbarrier.arrive $0xFFFF  }
0x117: {  	_ =	shalt  }

// kernel: kernel.9.cloned.1.call-start
scs
__scs_entry_jumppad:
0x0: {  	(pc) =	sbr.rel $0x88, $3  }
0x1: {  	(tag) =	ssettag $0x0;
	lr =	simm.s32 $0x1  }
0x2: {  	[smem:$0x3F8B] =	sst lr;
	_ =	strace $0xD0000000  }
0x3: {  	_ = 	snop  }
0x4: {  	_ = 	snop  }
0x5: {  	_ = 	snop  }
0x6: {  	_ = 	snop  }
0x7: {  	_ = 	snop  }
__scs_overlays_trampoline_lowered:
0x8: {  	[smem:$0x3F9A] =	sst s0  }
0x9: {  	[smem:$0x3F9B] =	sst s1  }
0xa: {  	[smem:$0x3F9C] =	sst s2  }
0xb: {  	[smem:$0x3F9D] =	sst s3  }
0xc: {  	[smem:$0x3F9E] =	sst s4  }
0xd: {  	[smem:$0x3F9F] =	sst s5  }
0xe: {  	[smem:$0x3FA0] =	sst s6  }
0xf: {  	[smem:$0x3FA1] =	sst s7  }
0x10: {  	[smem:$0x3FA2] =	sst s8  }
0x11: {  	[smem:$0x3FA3] =	sst s9;
	s0 =	simm.s32 @!p0 $0x0  }
0x12: {  	s1 =	sld [smem:$0x3F89];
	s0 =	simm.s32 @p0 $0x1  }
0x13: {  	[smem:$0x3FA4] =	sst s0;
	s0 =	simm.s32 @!p1 $0x0  }
0x14: {  	s2 =	sld [smem:$0x3F88];
	s0 =	simm.s32 @p1 $0x1  }
0x15: {  	[smem:$0x3FA5] =	sst s0;
	s0 =	simm.s32 @!p2 $0x0  }
0x16: {  	s3 =	sld [smem:$0x3FDB];
	s0 =	simm.s32 @p2 $0x1  }
0x17: {  	s4 =	simm.s32 $0x1BF5;
	[smem:$0x3FA7] =	sst s0  }
0x18: {  	s0 =	sld [smem:$0x3F8A];
	_ =	swait.ge [sflag:s4], $0x0  }
0x19: {  	s7 =	sld [smem:$0x3F8B]  }
0x1a: {  	s8 =	sadd.s32 $0xFFFFE003, lr  }
0x1b: {  	s9 =	sadd.s32 $0xFFFFFEF7, lr;
	s5 =	simm.s32 $0xFFFFFFFF;
	p2 =	slt.u32 s8, $0xFFFFF086  }
0x1c: {  	p1 =	slt.u32 s9, $0xF7A;
	s5 =	simm.s32 @!p2 $0x0  }
0x1d: {  	s5 =	simm.s32 @p1 $0x1;
	p0 =	seq.s32 s7, s2  }
0x1e: {  	s7 =	smul.u32 @!p0 $0xF7A, s2;
	p2 =	seq.s32 @!p0 s5, $0x0  }
0x1f: {  	s9 =	smul.u32 $0xF7A, s1;
	s8 =	simm.s32 @!p0 $0x1BF5;
	p2 =	por !p2, p0  }
0x20: {  	[sflag:s8] =	ssyncset.s32 @!p0 $0xFFFFF086;
	s6 =	sadd.s32 @!p0 s3, s7;
	s7 =	simm.s32 @!p0 $0x108  }
0x21: {  	s3 =	sadd.s32 s3, s9;
	s6 =	sadd.s32 @!p0 $0x88, s6;
	s7 =	simm.s32 @p2 $0x1082  }
0x22: {  	[simem:s7], [sflag:s8] =	dma.local @!p0 [hbm:s6], $0xF7A  }
0x23: {  	s9 =	sor.u32 $0xD0000000, s2;
	s6 =	simm.s32 $0x108;
	_ =	swait.ge @!p0 [sflag:s8], $0x0  }
0x24: {  	s3 =	sadd.s32 $0x88, s3;
	s6 =	simm.s32 @!p1 $0x1082;
	[sflag:s4] =	ssyncset.s32 $0xFFFFF086  }
0x25: {  	[simem:s6], [sflag:s4] =	dma.local [hbm:s3], $0xF7A  }
0x26: {  	[smem:$0x3F8B] =	sst s1;
	(tag) =	ssettag s2;
	_ =	strace s9  }
0x27: {  	s1 =	sld [smem:$0x3F9B]  }
0x28: {  	s2 =	sld [smem:$0x3F9C]  }
0x29: {  	s4 =	sld [smem:$0x3F9E]  }
0x2a: {  	p0 =	seq.s32 s5, $0x0;
	s5 =	sld [smem:$0x3F9F]  }
0x2b: {  	s6 =	sld [smem:$0x3FA0]  }
0x2c: {  	s7 =	sld [smem:$0x3FA1]  }
0x2d: {  	s3 =	simm.s32 $0x108;
	s8 =	sld [smem:$0x3FA2]  }
0x2e: {  	s3 =	simm.s32 @!p0 $0x1082;
	s9 =	sld [smem:$0x3FA3]  }
0x2f: {  	lr =	sadd.s32 s0, s3;
	s0 =	sld [smem:$0x3F9A]  }
0x30: {  	s3 =	sld [smem:$0x3F9D]  }
0x31: {  	[smem:$0x3FA6] =	sst s10  }
0x32: {  	s10 =	sld [smem:$0x3FA4];
	_ =	sdelay $0x3  }
0x33: {  	p0 =	seq.s32 s10, $0x1;
	s10 =	sld [smem:$0x3FA6];
	_ =	sdelay $0x3  }
0x34: {  	[smem:$0x3FA6] =	sst s10  }
0x35: {  	s10 =	sld [smem:$0x3FA5];
	_ =	sdelay $0x3  }
0x36: {  	p1 =	seq.s32 s10, $0x1;
	s10 =	sld [smem:$0x3FA6];
	_ =	sdelay $0x3  }
0x37: {  	[smem:$0x3FA6] =	sst s10  }
0x38: {  	s10 =	sld [smem:$0x3FA7]  }
0x39: {  	_ = 	snop;
	(pc) =	sbr.ind lr, $3  }
0x3a: {  	_ = 	snop  }
0x3b: {  	_ = 	snop  }
0x3c: {  	p2 =	seq.s32 s10, $0x1;
	s10 =	sld [smem:$0x3FA6]  }
0x3d: {  	_ =	shalt  }
0x3e: {  	_ =	shalt  }
0x3f: {  	_ =	shalt  }
0x40: {  	_ =	shalt  }
0x41: {  	_ =	shalt  }
0x42: {  	_ =	shalt  }
0x43: {  	_ =	shalt  }
0x44: {  	_ =	shalt  }
0x45: {  	_ =	shalt  }
0x46: {  	_ =	shalt  }
0x47: {  	_ =	shalt  }
0x48: {  	_ =	shalt  }
0x49: {  	_ =	shalt  }
0x4a: {  	_ =	shalt  }
0x4b: {  	_ =	shalt  }
0x4c: {  	_ =	shalt  }
0x4d: {  	_ =	shalt  }
0x4e: {  	_ =	shalt  }
0x4f: {  	_ =	shalt  }
0x50: {  	_ =	shalt  }
0x51: {  	_ =	shalt  }
0x52: {  	_ =	shalt  }
0x53: {  	_ =	shalt  }
0x54: {  	_ =	shalt  }
0x55: {  	_ =	shalt  }
0x56: {  	_ =	shalt  }
0x57: {  	_ =	shalt  }
0x58: {  	_ =	shalt  }
0x59: {  	_ =	shalt  }
0x5a: {  	_ =	shalt  }
0x5b: {  	_ =	shalt  }
0x5c: {  	_ =	shalt  }
0x5d: {  	_ =	shalt  }
0x5e: {  	_ =	shalt  }
0x5f: {  	_ =	shalt  }
0x60: {  	_ =	shalt  }
0x61: {  	_ =	shalt  }
0x62: {  	_ =	shalt  }
0x63: {  	_ =	shalt  }
0x64: {  	_ =	shalt  }
0x65: {  	_ =	shalt  }
0x66: {  	_ =	shalt  }
0x67: {  	_ =	shalt  }
0x68: {  	_ =	shalt  }
0x69: {  	_ =	shalt  }
0x6a: {  	_ =	shalt  }
0x6b: {  	_ =	shalt  }
0x6c: {  	_ =	shalt  }
0x6d: {  	_ =	shalt  }
0x6e: {  	_ =	shalt  }
0x6f: {  	_ =	shalt  }
0x70: {  	_ =	shalt  }
0x71: {  	_ =	shalt  }
0x72: {  	_ =	shalt  }
0x73: {  	_ =	shalt  }
0x74: {  	_ =	shalt  }
0x75: {  	_ =	shalt  }
0x76: {  	_ =	shalt  }
0x77: {  	_ =	shalt  }
0x78: {  	_ =	shalt  }
0x79: {  	_ =	shalt  }
0x7a: {  	_ =	shalt  }
0x7b: {  	_ =	shalt  }
0x7c: {  	_ =	shalt  }
0x7d: {  	_ =	shalt  }
0x7e: {  	_ =	shalt  }
0x7f: {  	_ =	shalt  }
0x80: {  	_ =	shalt  }
0x81: {  	_ =	shalt  }
0x82: {  	_ =	shalt  }
0x83: {  	_ =	shalt  }
0x84: {  	_ =	shalt  }
0x85: {  	_ =	shalt  }
0x86: {  	_ =	shalt  }
0x87: {  	_ =	shalt  }
.Lfunc_end0:
.L_simem_size_0:
called_computation_lowered:
.L_overlay_start_0:
0x88: {  	s2 =	sld [smem:$0x3FD9]  }
0x89: {  	s3 =	sld [smem:$0x3FFE];
	_ =	sdelay $0x1  }
0x8a: {  	s1 =	srdreg.scid  }
0x8b: {  	s0 =	sand.u32 $0x1, s1  }
0x8c: {  	s16 =	sshll.u32 s0, $0xA;
	s2 =	sadd.s32 s3, s2  }
0x8d: {  	s2 =	sadd.s32 s2, s16  }
0x8e: {  	[smem:$0x3FB2] =	sst s2  }
0x8f: {  	_ = 	snop  }
0x90: {  	(tm) =	ssettm $0x1  }
0x91: {  	s17 =	sld [smem:$0x3FFB];
	_ =	sdelay $0x3  }
0x92: {  	_ =	strace s17  }
0x93: {  	s2 =	sld [smem:$0x3FFC];
	_ =	sdelay $0x3  }
0x94: {  	_ =	strace s2  }
0x95: {  	s2 =	sld [smem:$0x3FFD];
	_ =	sdelay $0x3  }
0x96: {  	_ =	strace s2  }
0x97: {  	_ =	strace $0x8FFFFFFF  }
0x98: {  	s18 =	sld [smem:$0x3FDB];
	_ =	sdelay $0x1  }
0x99: {  	s19 =	simm.s32 $_scs_section_size  }
0x9a: {  	s4 =	simm.s32 $_size__tile_overlayer_lowered;
	s5 =	simm.s32 $_tile_overlayer_lowered  }
0x9b: {  	s22 =	simm.s32 $0x1BFF;
	s21 =	sshll.u32 s5, $0x1;
	s2 =	sadd.s32 s19, s18  }
0x9c: {  	s6 =	simm.s32 $0x0;
	s20 =	sshll.u32 s4, $0x1;
	s4 =	sadd.s32 s21, s2  }
0x9d: {  	[timem:s6], [sflag:s22] =	dma.local [hbm:s4], s20  }
0x9e: {  	_ =	swait.ge [sflag:s22], s20  }
0x9f: {  	s3 =	ssub.s32 $0x0, s20;
	[sflag:s22] =	ssyncset.done $0x0  }
0xa0: {  	[sflag:s22] =	ssyncadd.s32 s3;
	_ =	sdelay $0x1  }
0xa1: {  	s23 =	simm.s32 $0x1B8B  }
0xa2: {  	_ =	swait.ge [sflag:s23], $0x1  }
0xa3: {  	[sflag:s23] =	ssyncset.done $0x0  }
0xa4: {  	s25 =	simm.s32 $0x1B8E;
	s24 =	sld [smem:$0x3FFE];
	[sflag:s23] =	ssyncadd.s32 $0xFFFFFFFF  }
0xa5: {  	s26 =	simm.s32 $execute0_lowered;
	[smem:$0x3FD2] =	sst s25  }
0xa6: {  	s4 =	sshll.u32 s26, $0x1;
	_ =	strace $0x80000046;
	[dreg:$0x1] =	wrdreg $0xFFFFFFFF  }
0xa7: {  	s28 =	simm.s32 $_size_execute0_lowered;
	s2 =	sadd.s32 s2, s4;
	[dreg:$0x0] =	wrdreg $0x0  }
0xa8: {  	s4 =	sshll.u32 s28, $0x1;
	[dreg:$0x2] =	wrdreg s2  }
0xa9: {  	[dreg:$0x3] =	wrdreg s4  }
0xaa: {  	[dreg:$0x4] =	wrdreg $0xC0  }
0xab: {  	_ =	task [dreg:s6], $0x5FFFF  }
0xac: {  	[dreg:$0x1] =	wrdreg $0xFFFFFFFF  }
0xad: {  	[dreg:$0x0] =	wrdreg $0x60  }
0xae: {  	[dreg:$0x2] =	wrdreg s24  }
0xaf: {  	[dreg:$0x3] =	wrdreg $0x54000  }
0xb0: {  	[dreg:$0x4] =	wrdreg $0x18D000  }
0xb1: {  	[dreg:$0x5] =	wrdreg $0x9  }
0xb2: {  	_ =	task.clear_ibuf [dreg:s6], $0x6FFFF;
	_ =	strace $0x90000046  }
0xb3: {  	s29 =	simm.s32 $0x9;
	_ =	strace $0x80000048  }
0xb4: {  	_ =	swait.ge [sflag:s29], $0x1  }
0xb5: {  	[sflag:s29] =	ssyncadd.s32 $0xFFFFFFFF  }
0xb6: {  	_ =	strace $0x90000048  }
0xb7: {  	_ =	sfence  }
0xb8: {  	s30 =	sld [smem:$0x0];
	_ =	sdelay $0x2  }
0xb9: {  	s31 =	sshll.u32 s1, $0xD;
	s1 =	sshrl.u32 s1, $0x2  }
0xba: {  	s3 =	sand.u32 $0x4000, s31;
	s1 =	sadd.s32 s1, s30  }
0xbb: {  	s0 =	sor.u32 s3, s0;
	s1 =	sshll.u32 s1, $0x11  }
0xbc: {  	s0 =	sor.u32 s1, s0  }
0xbd: {  	s0 =	sadd.s32 $0x8F2B, s0  }
0xbe: {  	[sflag:s0] =	ssyncadd.remote.s32 $0x1  }
0xbf: {  	_ =	sfence.sel $0xFFFF  }
0xc0: {  	[dreg:$0x0] =	wrdreg $0xFFFFFFFF;
	(pc) =	sbr.abs _section_cstart, $3  }
0xc1: {  	[dreg:$0x1] =	wrdreg $0xFFFFFFFF  }
0xc2: {  	_ =	task.clear_ibuf [dreg:s6], $0x2FFFF;
	_ =	strace $0x9FFFFFFF  }
0xc3: {  	(tm) =	ssettm $0x7FFFFFFF  }
tec
execute0_lowered:
.L_overlay_start_1:
0x0: {  	(tag) =	ssettag $0x1  }
0x1: {  	s0 =	rddreg [dreg:$0x0]  }
0x2: {  	s1 =	rddreg [dreg:$0x1]  }
0x3: {  	s2 =	rddreg [dreg:$0x2];
	s4 =	simm.s32 $0x0;
	s16 =	stileid.u32  }
0x4: {  	s9 =	srdreg.scid;
	s29 =	simm.s32 $0x200;
	s30 =	simm.s32 $0x80  }
0x5: {  	s31 =	simm.s32 $0x300;
	s28 =	simm.s32 $0x180;
	s3 =	smul.u32 $0x270, s16  }
0x6: {  	[smem:$0x7FF] =	sst s4;
	s6 =	sadd.s32 $0x10600, s0;
	s8 =	smul.u32 $0x2700, s16  }
0x7: {  	s9 =	sand.u32 $0x1, s9;
	s11 =	smul.u32 $0x4E000, s16;
	s19 =	sshll.u32 s16, $0x6  }
0x8: {  	s23 =	smul.u32 $0x2710, s16;
	_ =	strace $0x80000047;
	s13 =	ssub.s32 $0x2, s9  }
0x9: {  	s15 =	sshll.u32 s9, $0x4;
	s21 =	sor.u32 $0x1C0A, s19;
	s10 =	sshrl.u32 s3, $0x3  }
0xa: {  	s8 =	sadd.s32 s8, s0;
	s14 =	sshrl.u32 s13, $0x1;
	s11 =	sshrl.u32 s11, $0x2  }
0xb: {  	s17 =	sor.u32 s16, s15;
	s22 =	sadd.s32 s3, s2;
	[dreg:$0xb] =	wrdreg s21  }
0xc: {  	s12 =	sadd.s32 s10, s0;
	s11 =	sadd.s32 s11, s1;
	[dreg:$0xd] =	wrdreg s22  }
0xd: {  	s13 =	ssub.s32 s13, s14;
	s18 =	sadd.s32 $0x68800, s8;
	[dreg:$0x9] =	wrdreg s11  }
0xe: {  	s14 =	sadd.s32 $0x90000, s0;
	[dreg:$0xa] =	wrdreg s18;
	s11 =	smul.u32 $0x2710, s17  }
0xf: {  	s20 =	smul.u32 $0x27100, s9;
	s12 =	sadd.s32 $0x8FA00, s12;
	[dreg:$0x18] =	wrdreg s14  }
0x10: {  	[dreg:$0xc] =	wrdreg s12;
	s3 =	sshrl.u32 s11, $0x3;
	s18 =	sadd.s32 $0x190, s11  }
0x11: {  	s7 =	sadd.s32 $0x6800, s0;
	s24 =	sadd.s32 s6, s3;
	[dreg:$0x5] =	wrdreg s18  }
0x12: {  	s12 =	sadd.s32 s23, s20;
	s25 =	sadd.s32 s7, s3;
	[dreg:$0xe] =	wrdreg s24  }
0x13: {  	s26 =	sadd.s32 $0xA, s3;
	s18 =	sadd.s32 $0x8FEE0, s0;
	[dreg:$0xf] =	wrdreg s25  }
0x14: {  	s12 =	sadd.s32 $0xF0, s12;
	s17 =	sadd.s32 s6, s26;
	[dreg:$0x1b] =	wrdreg s18  }
0x15: {  	s12 =	sshrl.u32 s12, $0x3;
	s15 =	sadd.s32 s7, s26;
	[dreg:$0x10] =	wrdreg s17  }
0x16: {  	s19 =	sadd.s32 $0x14, s3;
	s20 =	sadd.s32 s12, s7;
	[dreg:$0x11] =	wrdreg s15  }
0x17: {  	s5 =	sadd.s32 $0x1A400, s0;
	s23 =	sadd.s32 s6, s19;
	[dreg:$0x7] =	wrdreg s20  }
0x18: {  	p1 =	sne.s32 s16, $0xF;
	s24 =	sadd.s32 s7, s19;
	[dreg:$0x12] =	wrdreg s23  }
0x19: {  	s3 =	sadd.s32 $0x1E, s3;
	s25 =	sadd.s32 s12, s6;
	[dreg:$0x13] =	wrdreg s24  }
0x1a: {  	p2 =	seq.s32 s16, $0xF;
	s26 =	sadd.s32 s6, s3;
	[dreg:$0x8] =	wrdreg s25  }
0x1b: {  	p0 =	sne.s32 s9, $0x0;
	s3 =	sadd.s32 s7, s3;
	[dreg:$0x14] =	wrdreg s26  }
0x1c: {  	s9 =	simm.s32 $0x0;
	s12 =	sadd.s32 $0x90C00, s8;
	[dreg:$0x15] =	wrdreg s3  }
0x1d: {  	s16 =	simm.s32 $0x18C80;
	s19 =	sadd.s32 $0xDEE00, s0;
	[dreg:$0x17] =	wrdreg s12  }
0x1e: {  	s18 =	simm.s32 $0x2C00;
	s17 =	sadd.s32 $0x140, s11;
	[dreg:$0x1c] =	wrdreg s19  }
0x1f: {  	s11 =	sadd.s32 $0x1E0, s11;
	s15 =	sadd.s32 $0x90600, s0;
	[dreg:$0x4] =	wrdreg s17  }
0x20: {  	s23 =	sadd.s32 s14, s10;
	s24 =	smax.u32 s13, $0x1;
	[dreg:$0x6] =	wrdreg s11  }
0x21: {  	s25 =	sadd.s32 $0x138000, s1;
	s26 =	sadd.s32 $0x2700, s2;
	[dreg:$0x19] =	wrdreg s15  }
0x22: {  	s12 =	simm.s32 $0xA;
	s13 =	simm.s32 $0x50;
	[dreg:$0x1f] =	wrdreg s23  }
0x23: {  	s14 =	simm.s32 $0x400;
	s19 =	simm.s32 $0x6;
	[smem:$0x7FB] =	sst s24  }
0x24: {  	s3 =	simm.s32 $0x4;
	s11 =	sadd.s32 $0xB7E00, s8;
	[smem:$0x7FC] =	sst s25  }
0x25: {  	s17 =	sadd.s32 $0x8F800, s0;
	s0 =	sadd.s32 $0xB7C00, s0;
	[smem:$0x7FD] =	sst s26  }
.Ltmp0:
0x26: {  	s20 =	sadd.s32 s15, s10;
	[dreg:$0x16] =	wrdreg s11;
	(pc) =	sbr.rel .LBB2_1-.Ltmp0, $4  }
0x27: {  	s23 =	simm.s32 $0x18F78;
	s24 =	simm.s32 $0x280;
	[dreg:$0x1a] =	wrdreg s17  }
0x28: {  	s15 =	simm.s32 $0x5;
	s25 =	simm.s32 $0x9;
	[dreg:$0x1d] =	wrdreg s0  }
0x29: {  	s26 =	simm.s32 $0x3;
	[dreg:$0x1e] =	wrdreg s20;
	s11 =	simm.s32 $0x1  }
0x2a: {  	v0 =	vimm.f32 $1.000000000e+00;
	s17 =	simm.s32 $0x2;
	s20 =	simm.s32 $0x7;
	s0 =	simm.s32 $0x8  }
.LBB2_6:
0x2b: {  	s8 =	sld [smem:$0x7FD];
	_ =	sdelay $0x2  }
0x2c: {  	[tilespmem:s23], [sflag:$0xA] =	stream.linear.gather [spmem:s8], $0x10, $0x38;
	[tilespmem:$0x191F8] =	vst v63  }
0x2d: {  	_ =	swait.ge [sflag:s12], $0x10  }
0x2e: {  	[sflag:s12] =	ssyncset.done $0x0  }
0x2f: {  	s10 =	sadd.s32 $0x4E0, s10;
	[sflag:s12] =	ssyncadd.s32 $0xFFFFFFF0  }
0x30: {  	[hbm4b:s10+s4] =	stream.linear.scatter [tilespmem:s23], [sflag:$0xA], $0x10, $0x38;
	[tilespmem:$0x191F8] =	vst v63  }
0x31: {  	_ =	swait.ge [sflag:s12], $0x10  }
0x32: {  	[sflag:s12] =	ssyncset.done $0x0  }
0x33: {  	[sflag:s12] =	ssyncadd.s32 $0xFFFFFFF0  }
.LBB2_7:
0x34: {  	s8 =	sld [smem:$0x7FB];
	_ =	sdelay $0x1  }
0x35: {  	s9 =	sadd.s32 $0x1, s9  }
0x36: {  	p3 =	sne.s32 s9, s8  }
.Ltmp1:
0x37: {  	_ = 	snop;
	(pc) =	sbr.rel @!p3 .LBB2_8-.Ltmp1, $1  }
0x38: {  	_ =	sdelay $0x3  }
.LBB2_1:
0x39: {  	[smem:$0x7F8] =	sst s9  }
0x3a: {  	s8 =	rddreg [dreg:$0x9]  }
0x3b: {  	s10 =	rddreg [dreg:$0xa];
	s8 =	sshrl.u32 s8, $0x3  }
0x3c: {  	[smem:$0x7F9] =	sst s8  }
0x3d: {  	[spmem:s8], [sflag:s21] =	dma.local [hbm:s10], $0x2700  }
0x3e: {  	_ =	swait.ge [sflag:s12], $0x2700  }
0x3f: {  	s8 =	sld [smem:$0x7FC];
	_ =	sdelay $0x2  }
0x40: {  	[sflag:s12] =	ssyncset.done $0x0;
	s9 =	sshrl.u32 @!p1 s8, $0x3;
	s8 =	rddreg [dreg:$0x1a]  }
0x41: {  	s10 =	simm.s32 @!p1 $0xA;
	[sflag:s12] =	ssyncadd.s32 $0xFFFFD900;
	[smem:$0x7FA] =	sst s9  }
0x42: {  	[spmem:s9], [sflag:s21] =	dma.local @!p1 [hbm:s8], $0x100  }
0x43: {  	_ =	swait.ge @!p1 [sflag:s10], $0x100  }
0x44: {  	[sflag:s10] =	ssyncset.done @!p1 $0x0  }
0x45: {  	s9 =	rddreg [dreg:$0xc];
	[sflag:s10] =	ssyncadd.s32 @!p1 $0xFFFFFF00  }
0x46: {  	[tilespmem:s23], [sflag:$0xA] =	stream.linear.gather [hbm4b:s9+s4], $0x270, $0x38;
	[tilespmem:$0x191F8] =	vst v63  }
0x47: {  	_ =	swait.ge [sflag:s12], $0x270  }
0x48: {  	[sflag:s12] =	ssyncset.done $0x0  }
0x49: {  	[sflag:s12] =	ssyncadd.s32 $0xFFFFFD90  }
0x4a: {  	[spmem:s22] =	stream.linear.scatter [tilespmem:s23], [sflag:$0xA], $0x270, $0x38;
	[tilespmem:$0x191F8] =	vst v63  }
0x4b: {  	_ =	swait.ge [sflag:s12], $0x270  }
0x4c: {  	s21 =	simm.s32 @!p1 $0x18F78;
	[sflag:s12] =	ssyncset.done $0x0  }
0x4d: {  	s8 =	rddreg [dreg:$0x1b];
	[sflag:s12] =	ssyncadd.s32 $0xFFFFFD90;
	s12 =	simm.s32 @!p1 $0x0  }
0x4e: {  	[tilespmem:s21], [sflag:$0xA] =	stream.linear.gather @!p1 [hbm4b:s8+s12], $0x10, $0x38;
	[tilespmem:$0x191F8] =	vst v63  }
0x4f: {  	_ =	swait.ge @!p1 [sflag:s10], $0x10  }
0x50: {  	s8 =	sld [smem:$0x7FD]  }
0x51: {  	[sflag:s10] =	ssyncset.done @!p1 $0x0  }
0x52: {  	[sflag:s10] =	ssyncadd.s32 @!p1 $0xFFFFFFF0  }
0x53: {  	[spmem:s8] =	stream.linear.scatter @!p1 [tilespmem:s21], [sflag:$0xA], $0x10, $0x38;
	[tilespmem:$0x191F8] =	vst v63  }
0x54: {  	_ =	swait.ge @!p1 [sflag:s10], $0x10  }
0x55: {  	[sflag:s10] =	ssyncset.done @!p1 $0x0  }
0x56: {  	[sflag:s10] =	ssyncadd.s32 @!p1 $0xFFFFFFF0  }
0x57: {  	[tilespmem:$0x18C80] =	vst v0  }
0x58: {  	[tilespmem:$0x18C90] =	vst v0  }
0x59: {  	[tilespmem:$0x18CA0] =	vst v0  }
0x5a: {  	[tilespmem:$0x18CB0] =	vst v0  }
0x5b: {  	[tilespmem:$0x18CC0] =	vst v0  }
0x5c: {  	[bflag:$0x0] =	sbarrier.arrive $0xFFFF  }
0x5d: {  	s10 =	rddreg [dreg:$0xe]  }
0x5e: {  	[tilespmem:s4], [sflag:$0x1] =	stream.linear.gather [hbm4b:s10+s4], $0x50, $0x38;
	[tilespmem:$0x191F8] =	vst v63  }
0x5f: {  	s12 =	rddreg [dreg:$0xf]  }
0x60: {  	[tilespmem:s29], [sflag:$0x1] =	stream.linear.gather [hbm4b:s12+s4], $0x50, $0x38;
	[tilespmem:$0x191F8] =	vst v63  }
0x61: {  	s21 =	rddreg [dreg:$0x10]  }
0x62: {  	[tilespmem:s30], [sflag:$0x2] =	stream.linear.gather [hbm4b:s21+s4], $0x50, $0x38;
	[tilespmem:$0x191F8] =	vst v63  }
0x63: {  	s22 =	rddreg [dreg:$0x11]  }
0x64: {  	[tilespmem:s24], [sflag:$0x2] =	stream.linear.gather [hbm4b:s22+s4], $0x50, $0x38;
	[tilespmem:$0x191F8] =	vst v63  }
0x65: {  	s9 =	simm.s32 $0x100;
	s23 =	rddreg [dreg:$0x12]  }
0x66: {  	[tilespmem:s9], [sflag:$0x3] =	stream.linear.gather [hbm4b:s23+s4], $0x50, $0x38;
	[tilespmem:$0x191F8] =	vst v63  }
0x67: {  	s12 =	rddreg [dreg:$0x13]  }
0x68: {  	[tilespmem:s31], [sflag:$0x3] =	stream.linear.gather [hbm4b:s12+s4], $0x50, $0x38;
	[tilespmem:$0x191F8] =	vst v63  }
0x69: {  	s21 =	rddreg [dreg:$0x14]  }
0x6a: {  	[tilespmem:s28], [sflag:$0x4] =	stream.linear.gather [hbm4b:s21+s4], $0x50, $0x38;
	[tilespmem:$0x191F8] =	vst v63  }
0x6b: {  	s23 =	rddreg [dreg:$0x15];
	s28 =	simm.s32 $0x380  }
0x6c: {  	[tilespmem:s28], [sflag:$0x4] =	stream.linear.gather [hbm4b:s23+s4], $0x50, $0x38;
	[tilespmem:$0x191F8] =	vst v63  }
0x6d: {  	_ =	swait.ge [sflag:s11], $0x50  }
0x6e: {  	[sflag:s11] =	ssyncset.done $0x0  }
0x6f: {  	[sflag:s11] =	ssyncadd.s32 $0xFFFFFFB0  }
0x70: {  	_ =	swait.ge [sflag:s11], $0x50  }
0x71: {  	[sflag:s11] =	ssyncset.done $0x0  }
0x72: {  	[sflag:s11] =	ssyncadd.s32 $0xFFFFFFB0  }
0x73: {  	[tilespmem:s14], [sflag:$0x5] =	stream.indirect.gather [hbm4b:s5+s13], $0x80, s4, s13, $0xb8;
	[tilespmem:$0x191F8] =	vst v63  }
0x74: {  	_ =	swait.ge [sflag:s15], $0x2800  }
0x75: {  	[sflag:s15] =	ssyncset.done $0x0  }
0x76: {  	p3 =	por $0x1, $0x1;
	[sflag:s15] =	ssyncadd.s32 $0xFFFFD800  }
0x77: {  	[spmem:s1] =	stream.indirect.scatter.add.f32 [tilespmem:s14], [sflag:$0x7], $0x80, s29, s13, $0xb8;
	[tilespmem:$0x191F8] =	vst v63  }
0x78: {  	s10 =	simm.s32 @!p3 $0x8  }
0x79: {  	[spmem:s2] =	stream.indirect.scatter.add.f32 [tilespmem:s16], [sflag:$0x9], $0x1, s29, s13, $0xb8;
	[tilespmem:$0x191F8] =	vst v63  }
0x7a: {  	_ =	swait.ge @!p3 [sflag:s10], $0x2800  }
0x7b: {  	[sflag:s10] =	ssyncset.done @!p3 $0x0  }
0x7c: {  	s12 =	simm.s32 @!p3 $0x9;
	[sflag:s10] =	ssyncadd.s32 @!p3 $0xFFFFD800  }
0x7d: {  	_ =	swait.ge @!p3 [sflag:s12], $0x50  }
0x7e: {  	s10 =	rddreg [dreg:$0x8]  }
0x7f: {  	s28 =	simm.s32 @!p3 $0x180;
	[sflag:s12] =	ssyncset.done @!p3 $0x0;
	s21 =	rddreg [dreg:$0x7]  }
0x80: {  	[sflag:s12] =	ssyncadd.s32 @!p3 $0xFFFFFFB0;
	s10 =	sadd.s32 @!p3 $0x0, s10;
	s12 =	simm.s32 @!p3 $0x0  }
0x81: {  	[tilespmem:s28], [sflag:$0x4] =	stream.linear.gather @!p3 [hbm4b:s10+s12], $0x50, $0x38;
	[tilespmem:$0x191F8] =	vst v63  }
0x82: {  	s21 =	sadd.s32 @!p3 $0x0, s21;
	s10 =	simm.s32 @!p3 $0x380  }
0x83: {  	[tilespmem:s10], [sflag:$0x4] =	stream.linear.gather @!p3 [hbm4b:s21+s12], $0x50, $0x38;
	[tilespmem:$0x191F8] =	vst v63  }
0x84: {  	_ =	swait.ge [sflag:s17], $0x50  }
0x85: {  	[sflag:s17] =	ssyncset.done $0x0  }
0x86: {  	[sflag:s17] =	ssyncadd.s32 $0xFFFFFFB0  }
0x87: {  	_ =	swait.ge [sflag:s17], $0x50  }
0x88: {  	[sflag:s17] =	ssyncset.done $0x0  }
0x89: {  	[sflag:s17] =	ssyncadd.s32 $0xFFFFFFB0  }
0x8a: {  	[tilespmem:s18], [sflag:$0x6] =	stream.indirect.gather [hbm4b:s5+s13], $0x80, s30, s13, $0xb8;
	[tilespmem:$0x191F8] =	vst v63  }
0x8b: {  	_ =	swait.ge [sflag:s19], $0x2800  }
0x8c: {  	[sflag:s19] =	ssyncset.done $0x0  }
0x8d: {  	[sflag:s19] =	ssyncadd.s32 $0xFFFFD800  }
0x8e: {  	[spmem:s1] =	stream.indirect.scatter.add.f32 [tilespmem:s18], [sflag:$0x8], $0x80, s24, s13, $0xb8;
	[tilespmem:$0x191F8] =	vst v63  }
0x8f: {  	_ = 	snop  }
0x90: {  	[spmem:s2] =	stream.indirect.scatter.add.f32 [tilespmem:s16], [sflag:$0x9], $0x1, s24, s13, $0xb8;
	[tilespmem:$0x191F8] =	vst v63  }
0x91: {  	_ =	swait.ge [sflag:s20], $0x2800  }
0x92: {  	[sflag:s20] =	ssyncset.done $0x0  }
0x93: {  	[sflag:s20] =	ssyncadd.s32 $0xFFFFD800  }
0x94: {  	s12 =	simm.s32 $0x0;
	_ =	swait.ge [sflag:s25], $0x50  }
0x95: {  	s12 =	simm.s32 @p3 $0x0;
	s28 =	rddreg [dreg:$0x4]  }
0x96: {  	s10 =	sadd.s32 s12, s28  }
0x97: {  	[sflag:s25] =	ssyncset.done $0x0;
	s10 =	sshrl.u32 s10, $0x3  }
0x98: {  	[sflag:s25] =	ssyncadd.s32 $0xFFFFFFB0;
	s30 =	sadd.s32 s6, s10  }
0x99: {  	[tilespmem:s4], [sflag:$0x1] =	stream.linear.gather [hbm4b:s30+s4], $0x50, $0x38;
	[tilespmem:$0x191F8] =	vst v63  }
0x9a: {  	s10 =	sadd.s32 s7, s10  }
0x9b: {  	[tilespmem:s29], [sflag:$0x1] =	stream.linear.gather [hbm4b:s10+s4], $0x50, $0x38;
	[tilespmem:$0x191F8] =	vst v63  }
0x9c: {  	_ =	swait.ge [sflag:s26], $0x50  }
0x9d: {  	[sflag:s26] =	ssyncset.done $0x0  }
0x9e: {  	[sflag:s26] =	ssyncadd.s32 $0xFFFFFFB0  }
0x9f: {  	_ =	swait.ge [sflag:s26], $0x50  }
0xa0: {  	[sflag:s26] =	ssyncset.done $0x0  }
0xa1: {  	[sflag:s26] =	ssyncadd.s32 $0xFFFFFFB0  }
0xa2: {  	[tilespmem:s14], [sflag:$0x5] =	stream.indirect.gather [hbm4b:s5+s13], $0x80, s9, s13, $0xb8;
	[tilespmem:$0x191F8] =	vst v63  }
0xa3: {  	_ =	swait.ge [sflag:s15], $0x2800  }
0xa4: {  	[sflag:s15] =	ssyncset.done $0x0  }
0xa5: {  	[sflag:s15] =	ssyncadd.s32 $0xFFFFD800  }
0xa6: {  	[spmem:s1] =	stream.indirect.scatter.add.f32 [tilespmem:s14], [sflag:$0x7], $0x80, s31, s13, $0xb8;
	[tilespmem:$0x191F8] =	vst v63  }
0xa7: {  	_ = 	snop  }
0xa8: {  	[spmem:s2] =	stream.indirect.scatter.add.f32 [tilespmem:s16], [sflag:$0x9], $0x1, s31, s13, $0xb8;
	[tilespmem:$0x191F8] =	vst v63  }
0xa9: {  	_ =	swait.ge [sflag:s0], $0x2800  }
0xaa: {  	[sflag:s0] =	ssyncset.done $0x0  }
0xab: {  	[sflag:s0] =	ssyncadd.s32 $0xFFFFD800  }
0xac: {  	_ =	swait.ge [sflag:s25], $0x50  }
0xad: {  	p3 =	por $0x0, $0x0;
	s10 =	rddreg [dreg:$0x5]  }
0xae: {  	s10 =	sadd.s32 @!p3 s12, s10  }
0xaf: {  	s21 =	simm.s32 @!p3 $0x80;
	[sflag:s25] =	ssyncset.done $0x0;
	s10 =	sshrl.u32 @!p3 s10, $0x3  }
0xb0: {  	s28 =	simm.s32 @!p3 $0x0;
	[sflag:s25] =	ssyncadd.s32 $0xFFFFFFB0;
	s22 =	sadd.s32 @!p3 s6, s10  }
0xb1: {  	[tilespmem:s21], [sflag:$0x2] =	stream.linear.gather @!p3 [hbm4b:s22+s28], $0x50, $0x38;
	[tilespmem:$0x191F8] =	vst v63  }
0xb2: {  	s10 =	sadd.s32 @!p3 s7, s10;
	s21 =	simm.s32 @!p3 $0x280  }
0xb3: {  	[tilespmem:s21], [sflag:$0x2] =	stream.linear.gather @!p3 [hbm4b:s10+s28], $0x50, $0x38;
	[tilespmem:$0x191F8] =	vst v63  }
0xb4: {  	_ =	swait.ge [sflag:s3], $0x50  }
0xb5: {  	[sflag:s3] =	ssyncset.done $0x0  }
0xb6: {  	[sflag:s3] =	ssyncadd.s32 $0xFFFFFFB0  }
0xb7: {  	_ =	swait.ge [sflag:s3], $0x50  }
0xb8: {  	[sflag:s3] =	ssyncset.done $0x0  }
0xb9: {  	s8 =	simm.s32 $0x180;
	[sflag:s3] =	ssyncadd.s32 $0xFFFFFFB0  }
0xba: {  	[tilespmem:s18], [sflag:$0x6] =	stream.indirect.gather [hbm4b:s5+s13], $0x80, s8, s13, $0xb8;
	[tilespmem:$0x191F8] =	vst v63  }
0xbb: {  	_ =	swait.ge [sflag:s19], $0x2800  }
0xbc: {  	[sflag:s19] =	ssyncset.done $0x0  }
0xbd: {  	s23 =	simm.s32 $0x380;
	[sflag:s19] =	ssyncadd.s32 $0xFFFFD800  }
0xbe: {  	[spmem:s1] =	stream.indirect.scatter.add.f32 [tilespmem:s18], [sflag:$0x8], $0x80, s23, s13, $0xb8;
	[tilespmem:$0x191F8] =	vst v63  }
0xbf: {  	_ = 	snop  }
0xc0: {  	[spmem:s2] =	stream.indirect.scatter.add.f32 [tilespmem:s16], [sflag:$0x9], $0x1, s23, s13, $0xb8;
	[tilespmem:$0x191F8] =	vst v63  }
0xc1: {  	_ =	swait.ge [sflag:s20], $0x2800  }
0xc2: {  	[sflag:s20] =	ssyncset.done $0x0  }
0xc3: {  	[sflag:s20] =	ssyncadd.s32 $0xFFFFD800  }
0xc4: {  	_ =	swait.ge [sflag:s25], $0x50  }
0xc5: {  	s10 =	rddreg [dreg:$0x6]  }
0xc6: {  	s10 =	sadd.s32 @!p3 s12, s10  }
0xc7: {  	[sflag:s25] =	ssyncset.done $0x0;
	s10 =	sshrl.u32 @!p3 s10, $0x3  }
0xc8: {  	[sflag:s25] =	ssyncadd.s32 $0xFFFFFFB0;
	s12 =	simm.s32 @!p3 $0x100;
	s21 =	sadd.s32 @!p3 s6, s10  }
0xc9: {  	[tilespmem:s12], [sflag:$0x3] =	stream.linear.gather @!p3 [hbm4b:s21+s28], $0x50, $0x38;
	[tilespmem:$0x191F8] =	vst v63  }
0xca: {  	s10 =	sadd.s32 @!p3 s7, s10;
	s12 =	simm.s32 @!p3 $0x300  }
0xcb: {  	[tilespmem:s12], [sflag:$0x3] =	stream.linear.gather @!p3 [hbm4b:s10+s28], $0x50, $0x38;
	[tilespmem:$0x191F8] =	vst v63  }
0xcc: {  	_ =	swait.ge [sflag:s11], $0x50  }
0xcd: {  	[sflag:s11] =	ssyncset.done $0x0  }
0xce: {  	s24 =	simm.s32 $0x280;
	[sflag:s11] =	ssyncadd.s32 $0xFFFFFFB0  }
0xcf: {  	s9 =	simm.s32 $0x100;
	s31 =	simm.s32 $0x300;
	_ =	swait.ge [sflag:s11], $0x50  }
0xd0: {  	s21 =	simm.s32 $0x0;
	s12 =	simm.s32 $0x28;
	[sflag:s11] =	ssyncset.done $0x0  }
.LBB2_2:
0xd1: {  	[sflag:s11] =	ssyncadd.s32 $0xFFFFFFB0  }
0xd2: {  	[tilespmem:s14], [sflag:$0x5] =	stream.indirect.gather [hbm4b:s5+s13], $0x80, s4, s13, $0xb8;
	[tilespmem:$0x191F8] =	vst v63  }
0xd3: {  	_ =	swait.ge [sflag:s15], $0x2800  }
0xd4: {  	s10 =	smov.u32 s12;
	[sflag:s15] =	ssyncset.done $0x0  }
0xd5: {  	p4 =	seq.s32 s10, $0x0;
	[sflag:s15] =	ssyncadd.s32 $0xFFFFD800  }
0xd6: {  	[spmem:s1] =	stream.indirect.scatter.add.f32 [tilespmem:s14], [sflag:$0x7], $0x80, s29, s13, $0xb8;
	[tilespmem:$0x191F8] =	vst v63  }
0xd7: {  	s22 =	simm.s32 @!p4 $0x8  }
0xd8: {  	[spmem:s2] =	stream.indirect.scatter.add.f32 [tilespmem:s16], [sflag:$0x9], $0x1, s29, s13, $0xb8;
	[tilespmem:$0x191F8] =	vst v63  }
0xd9: {  	_ =	swait.ge @!p4 [sflag:s22], $0x2800  }
0xda: {  	[sflag:s22] =	ssyncset.done @!p4 $0x0  }
0xdb: {  	s28 =	simm.s32 @!p4 $0x9;
	[sflag:s22] =	ssyncadd.s32 @!p4 $0xFFFFD800  }
0xdc: {  	s23 =	simm.s32 @!p4 $0x0;
	_ =	swait.ge @!p4 [sflag:s28], $0x50  }
0xdd: {  	s8 =	simm.s32 @!p4 $0x180;
	s22 =	rddreg [dreg:$0x8];
	[sflag:s28] =	ssyncset.done @!p4 $0x0  }
0xde: {  	s30 =	rddreg [dreg:$0x7];
	[sflag:s28] =	ssyncadd.s32 @!p4 $0xFFFFFFB0;
	s22 =	sadd.s32 @!p4 s10, s22  }
0xdf: {  	[tilespmem:s8], [sflag:$0x4] =	stream.linear.gather @!p4 [hbm4b:s22+s23], $0x50, $0x38;
	[tilespmem:$0x191F8] =	vst v63  }
0xe0: {  	s28 =	simm.s32 @!p4 $0x380;
	s8 =	sadd.s32 @!p4 s10, s30  }
0xe1: {  	[tilespmem:s28], [sflag:$0x4] =	stream.linear.gather @!p4 [hbm4b:s8+s23], $0x50, $0x38;
	[tilespmem:$0x191F8] =	vst v63  }
0xe2: {  	_ =	swait.ge [sflag:s17], $0x50  }
0xe3: {  	[sflag:s17] =	ssyncset.done $0x0  }
0xe4: {  	[sflag:s17] =	ssyncadd.s32 $0xFFFFFFB0  }
0xe5: {  	_ =	swait.ge [sflag:s17], $0x50  }
0xe6: {  	[sflag:s17] =	ssyncset.done $0x0  }
0xe7: {  	s22 =	simm.s32 $0x80;
	[sflag:s17] =	ssyncadd.s32 $0xFFFFFFB0  }
0xe8: {  	[tilespmem:s18], [sflag:$0x6] =	stream.indirect.gather [hbm4b:s5+s13], $0x80, s22, s13, $0xb8;
	[tilespmem:$0x191F8] =	vst v63  }
0xe9: {  	_ =	swait.ge [sflag:s19], $0x2800  }
0xea: {  	[sflag:s19] =	ssyncset.done $0x0  }
0xeb: {  	[sflag:s19] =	ssyncadd.s32 $0xFFFFD800  }
0xec: {  	[spmem:s1] =	stream.indirect.scatter.add.f32 [tilespmem:s18], [sflag:$0x8], $0x80, s24, s13, $0xb8;
	[tilespmem:$0x191F8] =	vst v63  }
0xed: {  	_ = 	snop  }
0xee: {  	[spmem:s2] =	stream.indirect.scatter.add.f32 [tilespmem:s16], [sflag:$0x9], $0x1, s24, s13, $0xb8;
	[tilespmem:$0x191F8] =	vst v63  }
0xef: {  	_ =	swait.ge [sflag:s20], $0x2800  }
0xf0: {  	[sflag:s20] =	ssyncset.done $0x0  }
0xf1: {  	s21 =	sadd.s32 $0x140, s21;
	[sflag:s20] =	ssyncadd.s32 $0xFFFFD800  }
0xf2: {  	s28 =	smov.u32 s21;
	_ =	swait.ge [sflag:s25], $0x50  }
0xf3: {  	s28 =	simm.s32 @p4 $0x0;
	s23 =	rddreg [dreg:$0x4]  }
0xf4: {  	s8 =	sadd.s32 s28, s23  }
0xf5: {  	[sflag:s25] =	ssyncset.done $0x0;
	s8 =	sshrl.u32 s8, $0x3  }
0xf6: {  	[sflag:s25] =	ssyncadd.s32 $0xFFFFFFB0;
	s30 =	sadd.s32 s6, s8  }
0xf7: {  	[tilespmem:s4], [sflag:$0x1] =	stream.linear.gather [hbm4b:s30+s4], $0x50, $0x38;
	[tilespmem:$0x191F8] =	vst v63  }
0xf8: {  	s8 =	sadd.s32 s7, s8  }
0xf9: {  	[tilespmem:s29], [sflag:$0x1] =	stream.linear.gather [hbm4b:s8+s4], $0x50, $0x38;
	[tilespmem:$0x191F8] =	vst v63  }
0xfa: {  	_ =	swait.ge [sflag:s26], $0x50  }
0xfb: {  	[sflag:s26] =	ssyncset.done $0x0  }
0xfc: {  	[sflag:s26] =	ssyncadd.s32 $0xFFFFFFB0  }
0xfd: {  	_ =	swait.ge [sflag:s26], $0x50  }
0xfe: {  	[sflag:s26] =	ssyncset.done $0x0  }
0xff: {  	[sflag:s26] =	ssyncadd.s32 $0xFFFFFFB0  }
0x100: {  	[tilespmem:s14], [sflag:$0x5] =	stream.indirect.gather [hbm4b:s5+s13], $0x80, s9, s13, $0xb8;
	[tilespmem:$0x191F8] =	vst v63  }
0x101: {  	_ =	swait.ge [sflag:s15], $0x2800  }
0x102: {  	[sflag:s15] =	ssyncset.done $0x0  }
0x103: {  	[sflag:s15] =	ssyncadd.s32 $0xFFFFD800  }
0x104: {  	[spmem:s1] =	stream.indirect.scatter.add.f32 [tilespmem:s14], [sflag:$0x7], $0x80, s31, s13, $0xb8;
	[tilespmem:$0x191F8] =	vst v63  }
0x105: {  	_ = 	snop  }
0x106: {  	[spmem:s2] =	stream.indirect.scatter.add.f32 [tilespmem:s16], [sflag:$0x9], $0x1, s31, s13, $0xb8;
	[tilespmem:$0x191F8] =	vst v63  }
0x107: {  	_ =	swait.ge [sflag:s0], $0x2800  }
0x108: {  	[sflag:s0] =	ssyncset.done $0x0  }
0x109: {  	[sflag:s0] =	ssyncadd.s32 $0xFFFFD800  }
0x10a: {  	_ =	swait.ge [sflag:s25], $0x50  }
0x10b: {  	p4 =	seq.s32 s10, $0x4B0;
	s8 =	rddreg [dreg:$0x5]  }
0x10c: {  	s8 =	sadd.s32 @!p4 s28, s8  }
0x10d: {  	s10 =	simm.s32 @!p4 $0x80;
	[sflag:s25] =	ssyncset.done $0x0;
	s8 =	sshrl.u32 @!p4 s8, $0x3  }
0x10e: {  	s22 =	simm.s32 @!p4 $0x0;
	[sflag:s25] =	ssyncadd.s32 $0xFFFFFFB0;
	s23 =	sadd.s32 @!p4 s6, s8  }
0x10f: {  	[tilespmem:s10], [sflag:$0x2] =	stream.linear.gather @!p4 [hbm4b:s23+s22], $0x50, $0x38;
	[tilespmem:$0x191F8] =	vst v63  }
0x110: {  	s30 =	simm.s32 @!p4 $0x280;
	s8 =	sadd.s32 @!p4 s7, s8  }
0x111: {  	[tilespmem:s30], [sflag:$0x2] =	stream.linear.gather @!p4 [hbm4b:s8+s22], $0x50, $0x38;
	[tilespmem:$0x191F8] =	vst v63  }
0x112: {  	_ =	swait.ge [sflag:s3], $0x50  }
0x113: {  	[sflag:s3] =	ssyncset.done $0x0  }
0x114: {  	[sflag:s3] =	ssyncadd.s32 $0xFFFFFFB0  }
0x115: {  	_ =	swait.ge [sflag:s3], $0x50  }
0x116: {  	[sflag:s3] =	ssyncset.done $0x0  }
0x117: {  	s30 =	simm.s32 $0x180;
	[sflag:s3] =	ssyncadd.s32 $0xFFFFFFB0  }
0x118: {  	[tilespmem:s18], [sflag:$0x6] =	stream.indirect.gather [hbm4b:s5+s13], $0x80, s30, s13, $0xb8;
	[tilespmem:$0x191F8] =	vst v63  }
0x119: {  	_ =	swait.ge [sflag:s19], $0x2800  }
0x11a: {  	[sflag:s19] =	ssyncset.done $0x0  }
0x11b: {  	s23 =	simm.s32 $0x380;
	[sflag:s19] =	ssyncadd.s32 $0xFFFFD800  }
0x11c: {  	[spmem:s1] =	stream.indirect.scatter.add.f32 [tilespmem:s18], [sflag:$0x8], $0x80, s23, s13, $0xb8;
	[tilespmem:$0x191F8] =	vst v63  }
0x11d: {  	_ = 	snop  }
0x11e: {  	[spmem:s2] =	stream.indirect.scatter.add.f32 [tilespmem:s16], [sflag:$0x9], $0x1, s23, s13, $0xb8;
	[tilespmem:$0x191F8] =	vst v63  }
0x11f: {  	_ =	swait.ge [sflag:s20], $0x2800  }
0x120: {  	[sflag:s20] =	ssyncset.done $0x0  }
0x121: {  	[sflag:s20] =	ssyncadd.s32 $0xFFFFD800  }
0x122: {  	_ =	swait.ge [sflag:s25], $0x50  }
0x123: {  	s8 =	rddreg [dreg:$0x6]  }
0x124: {  	s8 =	sadd.s32 @!p4 s28, s8  }
0x125: {  	s12 =	sadd.s32 $0x28, s12;
	[sflag:s25] =	ssyncset.done $0x0;
	s8 =	sshrl.u32 @!p4 s8, $0x3  }
0x126: {  	s10 =	simm.s32 @!p4 $0x100;
	[sflag:s25] =	ssyncadd.s32 $0xFFFFFFB0;
	s23 =	sadd.s32 @!p4 s6, s8  }
0x127: {  	[tilespmem:s10], [sflag:$0x3] =	stream.linear.gather @!p4 [hbm4b:s23+s22], $0x50, $0x38;
	[tilespmem:$0x191F8] =	vst v63  }
0x128: {  	p3 =	sne.s32 s12, $0x4D8;
	s28 =	simm.s32 @!p4 $0x300;
	s8 =	sadd.s32 @!p4 s7, s8  }
0x129: {  	[tilespmem:s28], [sflag:$0x3] =	stream.linear.gather @!p4 [hbm4b:s8+s22], $0x50, $0x38;
	[tilespmem:$0x191F8] =	vst v63  }
.Ltmp2:
0x12a: {  	_ =	swait.ge [sflag:s11], $0x50;
	(pc) =	sbr.rel @p3 .LBB2_2-.Ltmp2, $4  }
0x12b: {  	[sflag:s11] =	ssyncset.done $0x0  }
0x12c: {  	[sflag:s11] =	ssyncadd.s32 $0xFFFFFFB0  }
0x12d: {  	_ =	swait.ge [sflag:s11], $0x50  }
0x12e: {  	[sflag:s11] =	ssyncset.done $0x0  }
0x12f: {  	[sflag:s11] =	ssyncadd.s32 $0xFFFFFFB0  }
0x130: {  	[tilespmem:s14], [sflag:$0x5] =	stream.indirect.gather [hbm4b:s5+s13], $0x80, s4, s13, $0xb8;
	[tilespmem:$0x191F8] =	vst v63  }
0x131: {  	_ =	swait.ge [sflag:s15], $0x2800  }
0x132: {  	[sflag:s15] =	ssyncset.done $0x0  }
0x133: {  	[sflag:s15] =	ssyncadd.s32 $0xFFFFD800  }
0x134: {  	[spmem:s1] =	stream.indirect.scatter.add.f32 [tilespmem:s14], [sflag:$0x7], $0x80, s29, s13, $0xb8;
	[tilespmem:$0x191F8] =	vst v63  }
0x135: {  	_ = 	snop  }
0x136: {  	[spmem:s2] =	stream.indirect.scatter.add.f32 [tilespmem:s16], [sflag:$0x9], $0x1, s29, s13, $0xb8;
	[tilespmem:$0x191F8] =	vst v63  }
0x137: {  	_ =	swait.ge [sflag:s0], $0x2800  }
0x138: {  	[sflag:s0] =	ssyncset.done $0x0  }
0x139: {  	[sflag:s0] =	ssyncadd.s32 $0xFFFFD800  }
0x13a: {  	_ =	swait.ge [sflag:s20], $0x2800  }
0x13b: {  	[sflag:s20] =	ssyncset.done $0x0  }
0x13c: {  	[sflag:s20] =	ssyncadd.s32 $0xFFFFD800  }
0x13d: {  	_ =	swait.ge [sflag:s25], $0x50  }
0x13e: {  	[sflag:s25] =	ssyncset.done $0x0  }
0x13f: {  	[sflag:s25] =	ssyncadd.s32 $0xFFFFFFB0  }
.Ltmp3:
0x140: {  	_ =	swait.ge [sflag:s25], $0x50;
	(pc) =	sbr.rel @p0 .LBB2_5-.Ltmp3, $3  }
0x141: {  	[sflag:s25] =	ssyncset.done $0x0  }
0x142: {  	[sflag:s25] =	ssyncadd.s32 $0xFFFFFFB0  }
0x143: {  	[bflag:$0x0] =	sbarrier.arrive $0xFFFF;
	_ =	sdelay $0x1  }
0x144: {  	s9 =	sld [smem:$0x7F9]  }
0x145: {  	s21 =	rddreg [dreg:$0xb]  }
0x146: {  	s8 =	rddreg [dreg:$0x17];
	s12 =	simm.s32 $0xA  }
0x147: {  	[hbm:s8], [sflag:s21] =	dma.local [spmem:s9], $0x2700  }
0x148: {  	_ =	swait.ge [sflag:s12], $0x2700  }
0x149: {  	s9 =	sld [smem:$0x7FA]  }
0x14a: {  	[sflag:s12] =	ssyncset.done $0x0  }
0x14b: {  	s8 =	rddreg [dreg:$0x1d];
	[sflag:s12] =	ssyncadd.s32 $0xFFFFD900  }
0x14c: {  	[hbm:s8], [sflag:s21] =	dma.local @!p1 [spmem:s9], $0x100  }
0x14d: {  	s8 =	simm.s32 @!p1 $0xA  }
0x14e: {  	_ =	swait.ge @!p1 [sflag:s8], $0x100  }
0x14f: {  	[sflag:s8] =	ssyncset.done @!p1 $0x0  }
0x150: {  	s23 =	simm.s32 $0x18F78;
	s22 =	rddreg [dreg:$0xd];
	[sflag:s8] =	ssyncadd.s32 @!p1 $0xFFFFFF00  }
0x151: {  	[tilespmem:s23], [sflag:$0xA] =	stream.linear.gather [spmem:s22], $0x270, $0x38;
	[tilespmem:$0x191F8] =	vst v63  }
0x152: {  	_ =	swait.ge [sflag:s12], $0x270  }
0x153: {  	[sflag:s12] =	ssyncset.done $0x0  }
0x154: {  	s10 =	rddreg [dreg:$0x1f];
	[sflag:s12] =	ssyncadd.s32 $0xFFFFFD90  }
0x155: {  	[hbm4b:s10+s4] =	stream.linear.scatter [tilespmem:s23], [sflag:$0xA], $0x270, $0x38;
	[tilespmem:$0x191F8] =	vst v63  }
.Ltmp4:
0x156: {  	_ = 	snop;
	(pc) =	sbr.rel @p2 .LBB2_6-.Ltmp4, $4  }
.Ltmp5:
0x157: {  	_ = 	snop;
	(pc) =	sbr.rel @!p2 .LBB2_7-.Ltmp5, $4  }
0x158: {  	s30 =	simm.s32 $0x80;
	s24 =	simm.s32 $0x280;
	_ =	swait.ge [sflag:s12], $0x270  }
0x159: {  	s31 =	simm.s32 $0x300;
	[sflag:s12] =	ssyncset.done $0x0;
	s10 =	rddreg [dreg:$0x18]  }
0x15a: {  	s28 =	simm.s32 $0x180;
	s9 =	sld [smem:$0x7F8];
	[sflag:s12] =	ssyncadd.s32 $0xFFFFFD90  }
0x15b: {  	_ = 	snop  }
.LBB2_5:
0x15c: {  	s9 =	sld [smem:$0x7F9]  }
0x15d: {  	s21 =	rddreg [dreg:$0xb]  }
0x15e: {  	s8 =	rddreg [dreg:$0x16];
	s12 =	simm.s32 $0xA  }
0x15f: {  	[hbm:s8], [sflag:s21] =	dma.local [spmem:s9], $0x2700  }
0x160: {  	_ =	swait.ge [sflag:s12], $0x2700  }
0x161: {  	s9 =	sld [smem:$0x7FA]  }
0x162: {  	[sflag:s12] =	ssyncset.done $0x0  }
0x163: {  	s8 =	rddreg [dreg:$0x1c];
	[sflag:s12] =	ssyncadd.s32 $0xFFFFD900  }
0x164: {  	[hbm:s8], [sflag:s21] =	dma.local @!p1 [spmem:s9], $0x100  }
0x165: {  	s8 =	simm.s32 @!p1 $0xA  }
0x166: {  	_ =	swait.ge @!p1 [sflag:s8], $0x100  }
0x167: {  	[sflag:s8] =	ssyncset.done @!p1 $0x0  }
0x168: {  	s23 =	simm.s32 $0x18F78;
	s22 =	rddreg [dreg:$0xd];
	[sflag:s8] =	ssyncadd.s32 @!p1 $0xFFFFFF00  }
0x169: {  	[tilespmem:s23], [sflag:$0xA] =	stream.linear.gather [spmem:s22], $0x270, $0x38;
	[tilespmem:$0x191F8] =	vst v63  }
0x16a: {  	_ =	swait.ge [sflag:s12], $0x270  }
0x16b: {  	[sflag:s12] =	ssyncset.done $0x0  }
0x16c: {  	s10 =	rddreg [dreg:$0x1e];
	[sflag:s12] =	ssyncadd.s32 $0xFFFFFD90  }
0x16d: {  	[hbm4b:s10+s4] =	stream.linear.scatter [tilespmem:s23], [sflag:$0xA], $0x270, $0x38;
	[tilespmem:$0x191F8] =	vst v63  }
.Ltmp6:
0x16e: {  	_ = 	snop;
	(pc) =	sbr.rel @p1 .LBB2_7-.Ltmp6, $4  }
.Ltmp7:
0x16f: {  	_ = 	snop;
	(pc) =	sbr.rel @!p1 .LBB2_6-.Ltmp7, $4  }
0x170: {  	s30 =	simm.s32 $0x80;
	s24 =	simm.s32 $0x280;
	_ =	swait.ge [sflag:s12], $0x270  }
0x171: {  	s31 =	simm.s32 $0x300;
	[sflag:s12] =	ssyncset.done $0x0;
	s10 =	rddreg [dreg:$0x19]  }
0x172: {  	s28 =	simm.s32 $0x180;
	s9 =	sld [smem:$0x7F8];
	[sflag:s12] =	ssyncadd.s32 $0xFFFFFD90  }
0x173: {  	_ = 	snop  }
.LBB2_8:
0x174: {  	_ =	sfence.sel $0x180000  }
0x175: {  	[bflag:$0x0] =	sbarrier.arrive $0xFFFF  }
0x176: {  	_ =	strace $0x90000047  }
0x177: {  	s0 =	stileid.u32;
	[bflag:$0x2] =	sbarrier.arrive $0xFFFF  }
0x178: {  	p0 =	sne.s32 s0, $0x0;
	s0 =	rddreg [dreg:$0x3]  }
0x179: {  	s0 =	sadd.s32 @!p0 $0x100000, s0  }
0x17a: {  	[sflag:s0] =	ssyncadd.tile.s32 @!p0 $0x1;
	_ =	shalt  }
.Lfunc_end2:
_tile_overlayer_lowered:
.L_overlay_start_2:
0x17b: {  	(tag) =	ssettag $0x2  }
0x17c: {  	s0 =	rddreg [dreg:$0x0];
	s2 =	stileid.u32  }
0x17d: {  	s1 =	rddreg [dreg:$0x1];
	p0 =	sne.s32 s2, $0x0  }
0x17e: {  	s3 =	rddreg [dreg:$0x2];
	[bflag:$0x3] =	sbarrier.arrive $0xFFFF;
	s2 =	simm.s32 @!p0 $0x1C0A  }
0x17f: {  	[timem:s3], [sflag:s2] =	dma.local @!p0 [hbm:s0], s1  }
0x180: {  	s0 =	simm.s32 @!p0 $0xA  }
0x181: {  	_ =	swait.ge @!p0 [sflag:s0], s1  }
0x182: {  	s1 =	ssub.s32 @!p0 $0x0, s1;
	[sflag:s0] =	ssyncset.done @!p0 $0x0  }
0x183: {  	[sflag:s0] =	ssyncadd.s32 @!p0 s1  }
0x184: {  	[bflag:$0x3] =	sbarrier.arrive $0xFFFF  }
0x185: {  	_ =	shalt  }

</sc_bundles>
